<compile_context>
chip_gen: v7x
topology: tpu7x:2x2x1
jax: 0.10.2.dev20260603
libtpu: 0.0.44.dev20260713+nightly
codegen_flags: <defaults>
</compile_context>

<pallas_src>
import functools

import jax
import jax.numpy as jnp
from jax import lax
from jax.experimental import pallas as pl
from jax.experimental.pallas import tpu as pltpu
from jax.experimental.pallas import tpu_sc as plsc

N_NODES_K = 10000
N_EDGES_K = 320000
CH = 128
NREL = 24

NC = 2
NS = 16
NW = NC * NS
CHUNK = 80
EDGES_PER_W = N_EDGES_K // NW
CHUNKS_PER_W = EDGES_PER_W // CHUNK
NSLOT = 4
NGRP = CHUNKS_PER_W // NSLOT
NTAIL = CHUNKS_PER_W - NGRP * NSLOT
ROWS_PER_SUB = 624
ROWS_TAIL = N_NODES_K - NS * ROWS_PER_SUB


def _expand_table(all_emb, weight):
    def body(a_ref, w_ref, o_ref):
        a = a_ref[...]
        w = w_ref[...]
        o_ref[...] = w[:, None, :] * a[None, :, :]

    t = pl.pallas_call(
        body,
        out_shape=jax.ShapeDtypeStruct((NREL, N_NODES_K, CH), jnp.float32),
        grid=(10,),
        in_specs=[
            pl.BlockSpec((N_NODES_K // 10, CH), lambda i: (i, 0)),
            pl.BlockSpec((NREL, CH), lambda i: (0, 0)),
        ],
        out_specs=pl.BlockSpec((NREL, N_NODES_K // 10, CH), lambda i: (0, i, 0)),
    )(all_emb, weight)
    return t.reshape(NREL * N_NODES_K, CH)


def _sc_aggregate(table, edge_flat, etype):
    mesh = plsc.VectorSubcoreMesh(core_axis_name="c", subcore_axis_name="s")

    @functools.partial(
        pl.kernel,
        mesh=mesh,
        out_type=jax.ShapeDtypeStruct((NC, N_NODES_K, CH), jnp.float32),
        scratch_types=(
            [pltpu.VMEM((CHUNK,), jnp.int32) for _ in range(NSLOT)]
            + [pltpu.VMEM((CHUNK,), jnp.int32) for _ in range(NSLOT)]
            + [pltpu.VMEM((CHUNK,), jnp.int32) for _ in range(NSLOT)]
            + [pltpu.VMEM((CHUNK,), jnp.int32) for _ in range(NSLOT)]
            + [pltpu.VMEM((CHUNK, CH), jnp.float32) for _ in range(NSLOT)]
            + [pltpu.VMEM_SHARED((N_NODES_K, CH), jnp.float32)]
            + [pltpu.SemaphoreType.DMA for _ in range(3 * NSLOT)]
        ),
    )
    def k(table_hbm, edge_hbm, etype_hbm, out_hbm, *scratch):
        comb_b = scratch[0:NSLOT]
        head_b = scratch[NSLOT:2 * NSLOT]
        tail_b = scratch[2 * NSLOT:3 * NSLOT]
        etv_b = scratch[3 * NSLOT:4 * NSLOT]
        rows_b = scratch[4 * NSLOT:5 * NSLOT]
        acc = scratch[5 * NSLOT]
        isem = scratch[5 * NSLOT + 1:5 * NSLOT + 1 + NSLOT]
        gsem = scratch[5 * NSLOT + 1 + NSLOT:5 * NSLOT + 1 + 2 * NSLOT]
        ssem = scratch[5 * NSLOT + 1 + 2 * NSLOT:5 * NSLOT + 1 + 3 * NSLOT]

        cid = lax.axis_index("c")
        sid = lax.axis_index("s")
        wid = cid * NS + sid

        def idx_copies(j, s):
            base = wid * EDGES_PER_W + j * CHUNK
            return (
                pltpu.make_async_copy(edge_hbm.at[pl.ds(base, CHUNK)],
                                      head_b[s], isem[s]),
                pltpu.make_async_copy(edge_hbm.at[pl.ds(N_EDGES_K + base, CHUNK)],
                                      tail_b[s], isem[s]),
                pltpu.make_async_copy(etype_hbm.at[pl.ds(base, CHUNK)],
                                      etv_b[s], isem[s]),
            )

        for s in range(NSLOT):
            for c in idx_copies(s, s):
                c.start()

        def zbody(e, _):
            for s in range(CH // 16):
                rows_b[0][e, pl.ds(s * 16, 16)] = jnp.zeros((16,), jnp.float32)
            return 0
        lax.fori_loop(0, CHUNK, zbody, 0)

        arow = sid * ROWS_PER_SUB
        for i in range(ROWS_PER_SUB // CHUNK):
            pltpu.sync_copy(rows_b[0], acc.at[pl.ds(arow + i * CHUNK, CHUNK)])
        rem = ROWS_PER_SUB - (ROWS_PER_SUB // CHUNK) * CHUNK
        pltpu.sync_copy(rows_b[0].at[pl.ds(0, rem)],
                        acc.at[pl.ds(arow + (ROWS_PER_SUB // CHUNK) * CHUNK, rem)])

        @pl.when(sid == NS - 1)
        def _zero_tail():
            pltpu.sync_copy(rows_b[0].at[pl.ds(0, ROWS_TAIL)],
                            acc.at[pl.ds(NS * ROWS_PER_SUB, ROWS_TAIL)])

        plsc.subcore_barrier()

        def make_comb(s):
            for q in range(CHUNK // 16):
                sl = pl.ds(q * 16, 16)
                comb_b[s][sl] = etv_b[s][sl] * N_NODES_K + tail_b[s][sl]

        def gather_copy(s):
            return pltpu.make_async_copy(table_hbm.at[comb_b[s]], rows_b[s],
                                         gsem[s])

        def scatter_start(s):
            pltpu.async_copy(rows_b[s], acc.at[head_b[s]], ssem[s], add=True)

        def scatter_wait(s):
            pltpu.make_async_copy(rows_b[s], acc.at[head_b[s]], ssem[s]).wait()

        for s in range(NSLOT):
            for c in idx_copies(s, s):
                c.wait()
            make_comb(s)
            gather_copy(s).start()
        for s in range(NSLOT):
            gather_copy(s).wait()
            scatter_start(s)

        def grp_body(t, _):
            j0 = t * NSLOT
            for s in range(NSLOT):
                scatter_wait(s)
                for c in idx_copies(j0 + s, s):
                    c.start()
            for s in range(NSLOT):
                for c in idx_copies(j0 + s, s):
                    c.wait()
                make_comb(s)
                gather_copy(s).start()
            for s in range(NSLOT):
                gather_copy(s).wait()
                scatter_start(s)
            return 0

        lax.fori_loop(1, NGRP, grp_body, 0)

        for s in range(NTAIL):
            jt = NGRP * NSLOT + s
            scatter_wait(s)
            for c in idx_copies(jt, s):
                c.start()
            for c in idx_copies(jt, s):
                c.wait()
            make_comb(s)
            gather_copy(s).start()
            gather_copy(s).wait()
            scatter_start(s)

        for s in range(NSLOT):
            scatter_wait(s)

        plsc.subcore_barrier()

        pltpu.sync_copy(acc.at[pl.ds(arow, ROWS_PER_SUB)],
                        out_hbm.at[cid, pl.ds(arow, ROWS_PER_SUB)])

        @pl.when(sid == NS - 1)
        def _write_tail():
            pltpu.sync_copy(acc.at[pl.ds(NS * ROWS_PER_SUB, ROWS_TAIL)],
                            out_hbm.at[cid, pl.ds(NS * ROWS_PER_SUB, ROWS_TAIL)])

    return k(table, edge_flat, etype)


def _combine(parts):
    def body(a_ref, o_ref):
        o_ref[...] = a_ref[0] + a_ref[1]

    return pl.pallas_call(
        body,
        out_shape=jax.ShapeDtypeStruct((N_NODES_K, CH), jnp.float32),
        grid=(10,),
        in_specs=[pl.BlockSpec((2, N_NODES_K // 10, CH), lambda i: (0, i, 0))],
        out_specs=pl.BlockSpec((N_NODES_K // 10, CH), lambda i: (i, 0)),
    )(parts)


def kernel(all_emb, edge_index, edge_type, weight):
    edge_flat = edge_index.reshape(2 * N_EDGES_K)
    table = _expand_table(all_emb, weight)
    parts = _sc_aggregate(table, edge_flat, edge_type)
    return _combine(parts)

# --- scband reference (transcript-rebuilt; emitter-appended) ---
"""Pipeline reference for scband-aggregator-48971217109579 (READ-ONLY COPY).

The authoritative reference and input builder live on the scoring server;
editing this copy changes nothing except your own understanding.
"""

import jax, jax.numpy as jnp
import numpy as np

N_NODES = 10000
N_EDGES = 320000
CHANNEL = 128
N_RELATIONS = 24

def setup_inputs(seed: int = 0) -> dict:
    key = jax.random.key(seed)
    k1, k2, k3, k4 = jax.random.split(key, 4)
    all_emb = jax.random.normal(k1, (N_NODES, CHANNEL), dtype=jnp.float32)
    edge_index = jax.random.randint(k2, (2, N_EDGES), 0, N_NODES, dtype=jnp.int32)
    edge_type = jax.random.randint(k3, (N_EDGES,), 0, N_RELATIONS, dtype=jnp.int32)
    weight = jax.random.normal(k4, (N_RELATIONS, CHANNEL), dtype=jnp.float32)
    return {"all_emb": all_emb, "edge_index": edge_index, "edge_type": edge_type, "weight": weight}

def reference(all_emb, edge_index, edge_type, weight):
    # Faithful translation of Aggregator.forward (aug_edge_weight=None, div=False)
    dim = all_emb.shape[0]
    head = edge_index[0]
    tail = edge_index[1]
    edge_relation_emb = jnp.take(weight, edge_type, axis=0)      # weight[edge_type]
    neigh_relation_emb = jnp.take(all_emb, tail, axis=0) * edge_relation_emb  # all_emb[tail] * rel
    res_emb = jax.ops.segment_sum(neigh_relation_emb, head, num_segments=dim)  # scatter_sum over head
    return res_emb

if __name__ == "__main__":
    import jax
    _d = setup_inputs()
    print(jax.jit(kernel)(*tuple(_d.values())))

</pallas_src>

<mosaic_0001>
#map = affine_map<(d0, d1) -> (0, 0)>
#map1 = affine_map<(d0, d1) -> (0)>
#map2 = affine_map<(d0, d1) -> (0, 0, 0)>
module attributes {stable_mosaic.version = 14 : i64} {
  func.func @k(%arg0: i32, %arg1: i32, %arg2: memref<240000x128xf32, #tpu.memory_space<hbm>>, %arg3: memref<640000xi32, #tpu.memory_space<hbm>>, %arg4: memref<320000xi32, #tpu.memory_space<hbm>>, %arg5: memref<2x10000x128xf32, #tpu.memory_space<hbm>>, %arg6: memref<80xi32, #tpu.memory_space<vmem>>, %arg7: memref<80xi32, #tpu.memory_space<vmem>>, %arg8: memref<80xi32, #tpu.memory_space<vmem>>, %arg9: memref<80xi32, #tpu.memory_space<vmem>>, %arg10: memref<80xi32, #tpu.memory_space<vmem>>, %arg11: memref<80xi32, #tpu.memory_space<vmem>>, %arg12: memref<80xi32, #tpu.memory_space<vmem>>, %arg13: memref<80xi32, #tpu.memory_space<vmem>>, %arg14: memref<80xi32, #tpu.memory_space<vmem>>, %arg15: memref<80xi32, #tpu.memory_space<vmem>>, %arg16: memref<80xi32, #tpu.memory_space<vmem>>, %arg17: memref<80xi32, #tpu.memory_space<vmem>>, %arg18: memref<80xi32, #tpu.memory_space<vmem>>, %arg19: memref<80xi32, #tpu.memory_space<vmem>>, %arg20: memref<80xi32, #tpu.memory_space<vmem>>, %arg21: memref<80xi32, #tpu.memory_space<vmem>>, %arg22: memref<80x128xf32, #tpu.memory_space<vmem>>, %arg23: memref<80x128xf32, #tpu.memory_space<vmem>>, %arg24: memref<80x128xf32, #tpu.memory_space<vmem>>, %arg25: memref<80x128xf32, #tpu.memory_space<vmem>>, %arg26: memref<10000x128xf32, #tpu.memory_space<vmem_shared>>, %arg27: memref<!tpu.dma_semaphore, #tpu.memory_space<semaphore_mem>>, %arg28: memref<!tpu.dma_semaphore, #tpu.memory_space<semaphore_mem>>, %arg29: memref<!tpu.dma_semaphore, #tpu.memory_space<semaphore_mem>>, %arg30: memref<!tpu.dma_semaphore, #tpu.memory_space<semaphore_mem>>, %arg31: memref<!tpu.dma_semaphore, #tpu.memory_space<semaphore_mem>>, %arg32: memref<!tpu.dma_semaphore, #tpu.memory_space<semaphore_mem>>, %arg33: memref<!tpu.dma_semaphore, #tpu.memory_space<semaphore_mem>>, %arg34: memref<!tpu.dma_semaphore, #tpu.memory_space<semaphore_mem>>, %arg35: memref<!tpu.dma_semaphore, #tpu.memory_space<semaphore_mem>>, %arg36: memref<!tpu.dma_semaphore, #tpu.memory_space<semaphore_mem>>, %arg37: memref<!tpu.dma_semaphore, #tpu.memory_space<semaphore_mem>>, %arg38: memref<!tpu.dma_semaphore, #tpu.memory_space<semaphore_mem>>) attributes {dimension_semantics = [#tpu.dimension_semantics<core_parallel>, #tpu.dimension_semantics<subcore_parallel>], iteration_bounds = array<i64: 2, 16>, scalar_prefetch = 0 : i64, scratch_operands = 33 : i64, tpu.core_type = #tpu.core_type<sc_vector_subcore>, window_params = [{transform_indices = #map}, {transform_indices = #map1}, {transform_indices = #map1}, {transform_indices = #map2}]} {
    %mul3A = arith.constant 16 : i32
    %mul3A_0 = arith.muli %arg0, %mul3A : i32
    %add3A = arith.addi %mul3A_0, %arg1 : i32
    %mul3A_1 = arith.constant 10000 : i32
    %mul3A_2 = arith.muli %add3A, %mul3A_1 : i32
    %add3A_3 = arith.constant 0 : i32
    %add3A_4 = arith.addi %mul3A_2, %add3A_3 : i32
    %add3A_5 = arith.constant 320000 : i32
    %add3A_6 = arith.addi %add3A_5, %add3A_4 : i32
    %dma_start3A = tpu.memref_slice %arg3[%add3A_4] : memref<640000xi32, #tpu.memory_space<hbm>> -> memref<80xi32, #tpu.memory_space<hbm>>
    %dma_start3A_7 = tpu.memref_slice %arg3[%add3A_4] : memref<640000xi32, #tpu.memory_space<hbm>> -> memref<80xi32, #tpu.memory_space<hbm>>
    tpu.enqueue_dma source(%dma_start3A_7 : memref<80xi32, #tpu.memory_space<hbm>>) target(%arg10 : memref<80xi32, #tpu.memory_space<vmem>>) target_semaphore(%arg27 : memref<!tpu.dma_semaphore, #tpu.memory_space<semaphore_mem>>)
    %dma_start3A_8 = tpu.memref_slice %arg3[%add3A_6] : memref<640000xi32, #tpu.memory_space<hbm>> -> memref<80xi32, #tpu.memory_space<hbm>>
    %dma_start3A_9 = tpu.memref_slice %arg3[%add3A_6] : memref<640000xi32, #tpu.memory_space<hbm>> -> memref<80xi32, #tpu.memory_space<hbm>>
    tpu.enqueue_dma source(%dma_start3A_9 : memref<80xi32, #tpu.memory_space<hbm>>) target(%arg14 : memref<80xi32, #tpu.memory_space<vmem>>) target_semaphore(%arg27 : memref<!tpu.dma_semaphore, #tpu.memory_space<semaphore_mem>>)
    %dma_start3A_10 = tpu.memref_slice %arg4[%add3A_4] : memref<320000xi32, #tpu.memory_space<hbm>> -> memref<80xi32, #tpu.memory_space<hbm>>
    %dma_start3A_11 = tpu.memref_slice %arg4[%add3A_4] : memref<320000xi32, #tpu.memory_space<hbm>> -> memref<80xi32, #tpu.memory_space<hbm>>
    tpu.enqueue_dma source(%dma_start3A_11 : memref<80xi32, #tpu.memory_space<hbm>>) target(%arg18 : memref<80xi32, #tpu.memory_space<vmem>>) target_semaphore(%arg27 : memref<!tpu.dma_semaphore, #tpu.memory_space<semaphore_mem>>)
    %mul3A_12 = arith.constant 10000 : i32
    %mul3A_13 = arith.muli %add3A, %mul3A_12 : i32
    %add3A_14 = arith.constant 80 : i32
    %add3A_15 = arith.addi %mul3A_13, %add3A_14 : i32
    %add3A_16 = arith.constant 320000 : i32
    %add3A_17 = arith.addi %add3A_16, %add3A_15 : i32
    %dma_start3A_18 = tpu.memref_slice %arg3[%add3A_15] : memref<640000xi32, #tpu.memory_space<hbm>> -> memref<80xi32, #tpu.memory_space<hbm>>
    %dma_start3A_19 = tpu.memref_slice %arg3[%add3A_15] : memref<640000xi32, #tpu.memory_space<hbm>> -> memref<80xi32, #tpu.memory_space<hbm>>
    tpu.enqueue_dma source(%dma_start3A_19 : memref<80xi32, #tpu.memory_space<hbm>>) target(%arg11 : memref<80xi32, #tpu.memory_space<vmem>>) target_semaphore(%arg28 : memref<!tpu.dma_semaphore, #tpu.memory_space<semaphore_mem>>)
    %dma_start3A_20 = tpu.memref_slice %arg3[%add3A_17] : memref<640000xi32, #tpu.memory_space<hbm>> -> memref<80xi32, #tpu.memory_space<hbm>>
    %dma_start3A_21 = tpu.memref_slice %arg3[%add3A_17] : memref<640000xi32, #tpu.memory_space<hbm>> -> memref<80xi32, #tpu.memory_space<hbm>>
    tpu.enqueue_dma source(%dma_start3A_21 : memref<80xi32, #tpu.memory_space<hbm>>) target(%arg15 : memref<80xi32, #tpu.memory_space<vmem>>) target_semaphore(%arg28 : memref<!tpu.dma_semaphore, #tpu.memory_space<semaphore_mem>>)
    %dma_start3A_22 = tpu.memref_slice %arg4[%add3A_15] : memref<320000xi32, #tpu.memory_space<hbm>> -> memref<80xi32, #tpu.memory_space<hbm>>
    %dma_start3A_23 = tpu.memref_slice %arg4[%add3A_15] : memref<320000xi32, #tpu.memory_space<hbm>> -> memref<80xi32, #tpu.memory_space<hbm>>
    tpu.enqueue_dma source(%dma_start3A_23 : memref<80xi32, #tpu.memory_space<hbm>>) target(%arg19 : memref<80xi32, #tpu.memory_space<vmem>>) target_semaphore(%arg28 : memref<!tpu.dma_semaphore, #tpu.memory_space<semaphore_mem>>)
    %mul3A_24 = arith.constant 10000 : i32
    %mul3A_25 = arith.muli %add3A, %mul3A_24 : i32
    %add3A_26 = arith.constant 160 : i32
    %add3A_27 = arith.addi %mul3A_25, %add3A_26 : i32
    %add3A_28 = arith.constant 320000 : i32
    %add3A_29 = arith.addi %add3A_28, %add3A_27 : i32
    %dma_start3A_30 = tpu.memref_slice %arg3[%add3A_27] : memref<640000xi32, #tpu.memory_space<hbm>> -> memref<80xi32, #tpu.memory_space<hbm>>
    %dma_start3A_31 = tpu.memref_slice %arg3[%add3A_27] : memref<640000xi32, #tpu.memory_space<hbm>> -> memref<80xi32, #tpu.memory_space<hbm>>
    tpu.enqueue_dma source(%dma_start3A_31 : memref<80xi32, #tpu.memory_space<hbm>>) target(%arg12 : memref<80xi32, #tpu.memory_space<vmem>>) target_semaphore(%arg29 : memref<!tpu.dma_semaphore, #tpu.memory_space<semaphore_mem>>)
    %dma_start3A_32 = tpu.memref_slice %arg3[%add3A_29] : memref<640000xi32, #tpu.memory_space<hbm>> -> memref<80xi32, #tpu.memory_space<hbm>>
    %dma_start3A_33 = tpu.memref_slice %arg3[%add3A_29] : memref<640000xi32, #tpu.memory_space<hbm>> -> memref<80xi32, #tpu.memory_space<hbm>>
    tpu.enqueue_dma source(%dma_start3A_33 : memref<80xi32, #tpu.memory_space<hbm>>) target(%arg16 : memref<80xi32, #tpu.memory_space<vmem>>) target_semaphore(%arg29 : memref<!tpu.dma_semaphore, #tpu.memory_space<semaphore_mem>>)
    %dma_start3A_34 = tpu.memref_slice %arg4[%add3A_27] : memref<320000xi32, #tpu.memory_space<hbm>> -> memref<80xi32, #tpu.memory_space<hbm>>
    %dma_start3A_35 = tpu.memref_slice %arg4[%add3A_27] : memref<320000xi32, #tpu.memory_space<hbm>> -> memref<80xi32, #tpu.memory_space<hbm>>
    tpu.enqueue_dma source(%dma_start3A_35 : memref<80xi32, #tpu.memory_space<hbm>>) target(%arg20 : memref<80xi32, #tpu.memory_space<vmem>>) target_semaphore(%arg29 : memref<!tpu.dma_semaphore, #tpu.memory_space<semaphore_mem>>)
    %mul3A_36 = arith.constant 10000 : i32
    %mul3A_37 = arith.muli %add3A, %mul3A_36 : i32
    %add3A_38 = arith.constant 240 : i32
    %add3A_39 = arith.addi %mul3A_37, %add3A_38 : i32
    %add3A_40 = arith.constant 320000 : i32
    %add3A_41 = arith.addi %add3A_40, %add3A_39 : i32
    %dma_start3A_42 = tpu.memref_slice %arg3[%add3A_39] : memref<640000xi32, #tpu.memory_space<hbm>> -> memref<80xi32, #tpu.memory_space<hbm>>
    %dma_start3A_43 = tpu.memref_slice %arg3[%add3A_39] : memref<640000xi32, #tpu.memory_space<hbm>> -> memref<80xi32, #tpu.memory_space<hbm>>
    tpu.enqueue_dma source(%dma_start3A_43 : memref<80xi32, #tpu.memory_space<hbm>>) target(%arg13 : memref<80xi32, #tpu.memory_space<vmem>>) target_semaphore(%arg30 : memref<!tpu.dma_semaphore, #tpu.memory_space<semaphore_mem>>)
    %dma_start3A_44 = tpu.memref_slice %arg3[%add3A_41] : memref<640000xi32, #tpu.memory_space<hbm>> -> memref<80xi32, #tpu.memory_space<hbm>>
    %dma_start3A_45 = tpu.memref_slice %arg3[%add3A_41] : memref<640000xi32, #tpu.memory_space<hbm>> -> memref<80xi32, #tpu.memory_space<hbm>>
    tpu.enqueue_dma source(%dma_start3A_45 : memref<80xi32, #tpu.memory_space<hbm>>) target(%arg17 : memref<80xi32, #tpu.memory_space<vmem>>) target_semaphore(%arg30 : memref<!tpu.dma_semaphore, #tpu.memory_space<semaphore_mem>>)
    %dma_start3A_46 = tpu.memref_slice %arg4[%add3A_39] : memref<320000xi32, #tpu.memory_space<hbm>> -> memref<80xi32, #tpu.memory_space<hbm>>
    %dma_start3A_47 = tpu.memref_slice %arg4[%add3A_39] : memref<320000xi32, #tpu.memory_space<hbm>> -> memref<80xi32, #tpu.memory_space<hbm>>
    tpu.enqueue_dma source(%dma_start3A_47 : memref<80xi32, #tpu.memory_space<hbm>>) target(%arg21 : memref<80xi32, #tpu.memory_space<vmem>>) target_semaphore(%arg30 : memref<!tpu.dma_semaphore, #tpu.memory_space<semaphore_mem>>)
    %scan3A = arith.constant 0 : i32
    %scan3A_48 = arith.constant 0 : i32
    %scan3A_49 = arith.constant 80 : i32
    %scan3A_50 = arith.addi %scan3A_48, %scan3A_49 : i32
    %scan3A_51 = arith.constant 1 : i32
    %scan3A_52 = scf.for %scan3A_566 = %scan3A_48 to %scan3A_50 step %scan3A_51 iter_args(%scan3A_567 = %scan3A) -> (i32)  : i32 {
      %broadcast_in_dim3A = arith.constant 0.000000e+00 : f32
      %broadcast_in_dim3A_568 = vector.broadcast %broadcast_in_dim3A : f32 to vector<16xf32>
      %swap3A_569 = arith.index_cast %scan3A_566 : i32 to index
      %swap3A_570 = arith.constant 0 : index
      %swap3A_571 = tpu.vector_load %arg22[%swap3A_569, %swap3A_570] {strides = array<i32>} : memref<80x128xf32, #tpu.memory_space<vmem>>, vector<1x16xf32>,
      %swap3A_572 = vector.shape_cast %swap3A_571 : vector<1x16xf32> to vector<16xf32>
      %swap3A_573 = vector.shape_cast %broadcast_in_dim3A_568 : vector<16xf32> to vector<1x16xf32>
      tpu.vector_store %arg22[%swap3A_569, %swap3A_570], %swap3A_573 {strides = array<i32>} : memref<80x128xf32, #tpu.memory_space<vmem>>, vector<1x16xf32>,
      %broadcast_in_dim3A_574 = arith.constant 0.000000e+00 : f32
      %broadcast_in_dim3A_575 = vector.broadcast %broadcast_in_dim3A_574 : f32 to vector<16xf32>
      %swap3A_576 = arith.index_cast %scan3A_566 : i32 to index
      %swap3A_577 = arith.constant 16 : index
      %swap3A_578 = tpu.vector_load %arg22[%swap3A_576, %swap3A_577] {strides = array<i32>} : memref<80x128xf32, #tpu.memory_space<vmem>>, vector<1x16xf32>,
      %swap3A_579 = vector.shape_cast %swap3A_578 : vector<1x16xf32> to vector<16xf32>
      %swap3A_580 = vector.shape_cast %broadcast_in_dim3A_575 : vector<16xf32> to vector<1x16xf32>
      tpu.vector_store %arg22[%swap3A_576, %swap3A_577], %swap3A_580 {strides = array<i32>} : memref<80x128xf32, #tpu.memory_space<vmem>>, vector<1x16xf32>,
      %broadcast_in_dim3A_581 = arith.constant 0.000000e+00 : f32
      %broadcast_in_dim3A_582 = vector.broadcast %broadcast_in_dim3A_581 : f32 to vector<16xf32>
      %swap3A_583 = arith.index_cast %scan3A_566 : i32 to index
      %swap3A_584 = arith.constant 32 : index
      %swap3A_585 = tpu.vector_load %arg22[%swap3A_583, %swap3A_584] {strides = array<i32>} : memref<80x128xf32, #tpu.memory_space<vmem>>, vector<1x16xf32>,
      %swap3A_586 = vector.shape_cast %swap3A_585 : vector<1x16xf32> to vector<16xf32>
      %swap3A_587 = vector.shape_cast %broadcast_in_dim3A_582 : vector<16xf32> to vector<1x16xf32>
      tpu.vector_store %arg22[%swap3A_583, %swap3A_584], %swap3A_587 {strides = array<i32>} : memref<80x128xf32, #tpu.memory_space<vmem>>, vector<1x16xf32>,
      %broadcast_in_dim3A_588 = arith.constant 0.000000e+00 : f32
      %broadcast_in_dim3A_589 = vector.broadcast %broadcast_in_dim3A_588 : f32 to vector<16xf32>
      %swap3A_590 = arith.index_cast %scan3A_566 : i32 to index
      %swap3A_591 = arith.constant 48 : index
      %swap3A_592 = tpu.vector_load %arg22[%swap3A_590, %swap3A_591] {strides = array<i32>} : memref<80x128xf32, #tpu.memory_space<vmem>>, vector<1x16xf32>,
      %swap3A_593 = vector.shape_cast %swap3A_592 : vector<1x16xf32> to vector<16xf32>
      %swap3A_594 = vector.shape_cast %broadcast_in_dim3A_589 : vector<16xf32> to vector<1x16xf32>
      tpu.vector_store %arg22[%swap3A_590, %swap3A_591], %swap3A_594 {strides = array<i32>} : memref<80x128xf32, #tpu.memory_space<vmem>>, vector<1x16xf32>,
      %broadcast_in_dim3A_595 = arith.constant 0.000000e+00 : f32
      %broadcast_in_dim3A_596 = vector.broadcast %broadcast_in_dim3A_595 : f32 to vector<16xf32>
      %swap3A_597 = arith.index_cast %scan3A_566 : i32 to index
      %swap3A_598 = arith.constant 64 : index
      %swap3A_599 = tpu.vector_load %arg22[%swap3A_597, %swap3A_598] {strides = array<i32>} : memref<80x128xf32, #tpu.memory_space<vmem>>, vector<1x16xf32>,
      %swap3A_600 = vector.shape_cast %swap3A_599 : vector<1x16xf32> to vector<16xf32>
      %swap3A_601 = vector.shape_cast %broadcast_in_dim3A_596 : vector<16xf32> to vector<1x16xf32>
      tpu.vector_store %arg22[%swap3A_597, %swap3A_598], %swap3A_601 {strides = array<i32>} : memref<80x128xf32, #tpu.memory_space<vmem>>, vector<1x16xf32>,
      %broadcast_in_dim3A_602 = arith.constant 0.000000e+00 : f32
      %broadcast_in_dim3A_603 = vector.broadcast %broadcast_in_dim3A_602 : f32 to vector<16xf32>
      %swap3A_604 = arith.index_cast %scan3A_566 : i32 to index
      %swap3A_605 = arith.constant 80 : index
      %swap3A_606 = tpu.vector_load %arg22[%swap3A_604, %swap3A_605] {strides = array<i32>} : memref<80x128xf32, #tpu.memory_space<vmem>>, vector<1x16xf32>,
      %swap3A_607 = vector.shape_cast %swap3A_606 : vector<1x16xf32> to vector<16xf32>
      %swap3A_608 = vector.shape_cast %broadcast_in_dim3A_603 : vector<16xf32> to vector<1x16xf32>
      tpu.vector_store %arg22[%swap3A_604, %swap3A_605], %swap3A_608 {strides = array<i32>} : memref<80x128xf32, #tpu.memory_space<vmem>>, vector<1x16xf32>,
      %broadcast_in_dim3A_609 = arith.constant 0.000000e+00 : f32
      %broadcast_in_dim3A_610 = vector.broadcast %broadcast_in_dim3A_609 : f32 to vector<16xf32>
      %swap3A_611 = arith.index_cast %scan3A_566 : i32 to index
      %swap3A_612 = arith.constant 96 : index
      %swap3A_613 = tpu.vector_load %arg22[%swap3A_611, %swap3A_612] {strides = array<i32>} : memref<80x128xf32, #tpu.memory_space<vmem>>, vector<1x16xf32>,
      %swap3A_614 = vector.shape_cast %swap3A_613 : vector<1x16xf32> to vector<16xf32>
      %swap3A_615 = vector.shape_cast %broadcast_in_dim3A_610 : vector<16xf32> to vector<1x16xf32>
      tpu.vector_store %arg22[%swap3A_611, %swap3A_612], %swap3A_615 {strides = array<i32>} : memref<80x128xf32, #tpu.memory_space<vmem>>, vector<1x16xf32>,
      %broadcast_in_dim3A_616 = arith.constant 0.000000e+00 : f32
      %broadcast_in_dim3A_617 = vector.broadcast %broadcast_in_dim3A_616 : f32 to vector<16xf32>
      %swap3A_618 = arith.index_cast %scan3A_566 : i32 to index
      %swap3A_619 = arith.constant 112 : index
      %swap3A_620 = tpu.vector_load %arg22[%swap3A_618, %swap3A_619] {strides = array<i32>} : memref<80x128xf32, #tpu.memory_space<vmem>>, vector<1x16xf32>,
      %swap3A_621 = vector.shape_cast %swap3A_620 : vector<1x16xf32> to vector<16xf32>
      %swap3A_622 = vector.shape_cast %broadcast_in_dim3A_617 : vector<16xf32> to vector<1x16xf32>
      tpu.vector_store %arg22[%swap3A_618, %swap3A_619], %swap3A_622 {strides = array<i32>} : memref<80x128xf32, #tpu.memory_space<vmem>>, vector<1x16xf32>,
      %scan3A_623 = arith.constant 0 : i32
      scf.yield %scan3A_623 : i32
    }
    %scan3A_53 = arith.constant 80 : i32
    %mul3A_54 = arith.constant 624 : i32
    %mul3A_55 = arith.muli %arg1, %mul3A_54 : i32
    %add3A_56 = arith.constant 0 : i32
    %add3A_57 = arith.addi %mul3A_55, %add3A_56 : i32
    "tpu.region"() ({
      %run_scoped3A = tpu.sem_alloc : memref<!tpu.dma_semaphore, #tpu.memory_space<semaphore_mem>>
      %dma_start3A_566 = arith.constant 0 : i32
      %dma_start3A_567 = tpu.memref_slice %arg26[%add3A_57, %dma_start3A_566] : memref<10000x128xf32, #tpu.memory_space<vmem_shared>> -> memref<80x128xf32, #tpu.memory_space<vmem_shared>>
      %dma_start3A_568 = arith.constant 0 : i32
      %dma_start3A_569 = tpu.memref_slice %arg26[%add3A_57, %dma_start3A_568] : memref<10000x128xf32, #tpu.memory_space<vmem_shared>> -> memref<80x128xf32, #tpu.memory_space<vmem_shared>>
      tpu.enqueue_dma source(%arg22 : memref<80x128xf32, #tpu.memory_space<vmem>>) target(%dma_start3A_569 : memref<80x128xf32, #tpu.memory_space<vmem_shared>>) target_semaphore(%run_scoped3A : memref<!tpu.dma_semaphore, #tpu.memory_space<semaphore_mem>>)
      %dma_wait3A_570 = arith.constant 0 : i32
      %dma_wait3A_571 = tpu.memref_slice %arg26[%add3A_57, %dma_wait3A_570] : memref<10000x128xf32, #tpu.memory_space<vmem_shared>> -> memref<80x128xf32, #tpu.memory_space<vmem_shared>>
      %dma_wait3A_572 = arith.constant 0 : i32
      %dma_wait3A_573 = tpu.memref_slice %arg26[%add3A_57, %dma_wait3A_572] : memref<10000x128xf32, #tpu.memory_space<vmem_shared>> -> memref<80x128xf32, #tpu.memory_space<vmem_shared>>
      tpu.wait_dma2 semaphore(%run_scoped3A : memref<!tpu.dma_semaphore, #tpu.memory_space<semaphore_mem>>) src(%arg22 : memref<80x128xf32, #tpu.memory_space<vmem>>) dst(%dma_wait3A_573 : memref<80x128xf32, #tpu.memory_space<vmem_shared>>)
      tpu.yield
    }) : () -> ()
    %add3A_58 = arith.constant 80 : i32
    %add3A_59 = arith.addi %mul3A_55, %add3A_58 : i32
    "tpu.region"() ({
      %run_scoped3A = tpu.sem_alloc : memref<!tpu.dma_semaphore, #tpu.memory_space<semaphore_mem>>
      %dma_start3A_566 = arith.constant 0 : i32
      %dma_start3A_567 = tpu.memref_slice %arg26[%add3A_59, %dma_start3A_566] : memref<10000x128xf32, #tpu.memory_space<vmem_shared>> -> memref<80x128xf32, #tpu.memory_space<vmem_shared>>
      %dma_start3A_568 = arith.constant 0 : i32
      %dma_start3A_569 = tpu.memref_slice %arg26[%add3A_59, %dma_start3A_568] : memref<10000x128xf32, #tpu.memory_space<vmem_shared>> -> memref<80x128xf32, #tpu.memory_space<vmem_shared>>
      tpu.enqueue_dma source(%arg22 : memref<80x128xf32, #tpu.memory_space<vmem>>) target(%dma_start3A_569 : memref<80x128xf32, #tpu.memory_space<vmem_shared>>) target_semaphore(%run_scoped3A : memref<!tpu.dma_semaphore, #tpu.memory_space<semaphore_mem>>)
      %dma_wait3A_570 = arith.constant 0 : i32
      %dma_wait3A_571 = tpu.memref_slice %arg26[%add3A_59, %dma_wait3A_570] : memref<10000x128xf32, #tpu.memory_space<vmem_shared>> -> memref<80x128xf32, #tpu.memory_space<vmem_shared>>
      %dma_wait3A_572 = arith.constant 0 : i32
      %dma_wait3A_573 = tpu.memref_slice %arg26[%add3A_59, %dma_wait3A_572] : memref<10000x128xf32, #tpu.memory_space<vmem_shared>> -> memref<80x128xf32, #tpu.memory_space<vmem_shared>>
      tpu.wait_dma2 semaphore(%run_scoped3A : memref<!tpu.dma_semaphore, #tpu.memory_space<semaphore_mem>>) src(%arg22 : memref<80x128xf32, #tpu.memory_space<vmem>>) dst(%dma_wait3A_573 : memref<80x128xf32, #tpu.memory_space<vmem_shared>>)
      tpu.yield
    }) : () -> ()
    %add3A_60 = arith.constant 160 : i32
    %add3A_61 = arith.addi %mul3A_55, %add3A_60 : i32
    "tpu.region"() ({
      %run_scoped3A = tpu.sem_alloc : memref<!tpu.dma_semaphore, #tpu.memory_space<semaphore_mem>>
      %dma_start3A_566 = arith.constant 0 : i32
      %dma_start3A_567 = tpu.memref_slice %arg26[%add3A_61, %dma_start3A_566] : memref<10000x128xf32, #tpu.memory_space<vmem_shared>> -> memref<80x128xf32, #tpu.memory_space<vmem_shared>>
      %dma_start3A_568 = arith.constant 0 : i32
      %dma_start3A_569 = tpu.memref_slice %arg26[%add3A_61, %dma_start3A_568] : memref<10000x128xf32, #tpu.memory_space<vmem_shared>> -> memref<80x128xf32, #tpu.memory_space<vmem_shared>>
      tpu.enqueue_dma source(%arg22 : memref<80x128xf32, #tpu.memory_space<vmem>>) target(%dma_start3A_569 : memref<80x128xf32, #tpu.memory_space<vmem_shared>>) target_semaphore(%run_scoped3A : memref<!tpu.dma_semaphore, #tpu.memory_space<semaphore_mem>>)
      %dma_wait3A_570 = arith.constant 0 : i32
      %dma_wait3A_571 = tpu.memref_slice %arg26[%add3A_61, %dma_wait3A_570] : memref<10000x128xf32, #tpu.memory_space<vmem_shared>> -> memref<80x128xf32, #tpu.memory_space<vmem_shared>>
      %dma_wait3A_572 = arith.constant 0 : i32
      %dma_wait3A_573 = tpu.memref_slice %arg26[%add3A_61, %dma_wait3A_572] : memref<10000x128xf32, #tpu.memory_space<vmem_shared>> -> memref<80x128xf32, #tpu.memory_space<vmem_shared>>
      tpu.wait_dma2 semaphore(%run_scoped3A : memref<!tpu.dma_semaphore, #tpu.memory_space<semaphore_mem>>) src(%arg22 : memref<80x128xf32, #tpu.memory_space<vmem>>) dst(%dma_wait3A_573 : memref<80x128xf32, #tpu.memory_space<vmem_shared>>)
      tpu.yield
    }) : () -> ()
    %add3A_62 = arith.constant 240 : i32
    %add3A_63 = arith.addi %mul3A_55, %add3A_62 : i32
    "tpu.region"() ({
      %run_scoped3A = tpu.sem_alloc : memref<!tpu.dma_semaphore, #tpu.memory_space<semaphore_mem>>
      %dma_start3A_566 = arith.constant 0 : i32
      %dma_start3A_567 = tpu.memref_slice %arg26[%add3A_63, %dma_start3A_566] : memref<10000x128xf32, #tpu.memory_space<vmem_shared>> -> memref<80x128xf32, #tpu.memory_space<vmem_shared>>
      %dma_start3A_568 = arith.constant 0 : i32
      %dma_start3A_569 = tpu.memref_slice %arg26[%add3A_63, %dma_start3A_568] : memref<10000x128xf32, #tpu.memory_space<vmem_shared>> -> memref<80x128xf32, #tpu.memory_space<vmem_shared>>
      tpu.enqueue_dma source(%arg22 : memref<80x128xf32, #tpu.memory_space<vmem>>) target(%dma_start3A_569 : memref<80x128xf32, #tpu.memory_space<vmem_shared>>) target_semaphore(%run_scoped3A : memref<!tpu.dma_semaphore, #tpu.memory_space<semaphore_mem>>)
      %dma_wait3A_570 = arith.constant 0 : i32
      %dma_wait3A_571 = tpu.memref_slice %arg26[%add3A_63, %dma_wait3A_570] : memref<10000x128xf32, #tpu.memory_space<vmem_shared>> -> memref<80x128xf32, #tpu.memory_space<vmem_shared>>
      %dma_wait3A_572 = arith.constant 0 : i32
      %dma_wait3A_573 = tpu.memref_slice %arg26[%add3A_63, %dma_wait3A_572] : memref<10000x128xf32, #tpu.memory_space<vmem_shared>> -> memref<80x128xf32, #tpu.memory_space<vmem_shared>>
      tpu.wait_dma2 semaphore(%run_scoped3A : memref<!tpu.dma_semaphore, #tpu.memory_space<semaphore_mem>>) src(%arg22 : memref<80x128xf32, #tpu.memory_space<vmem>>) dst(%dma_wait3A_573 : memref<80x128xf32, #tpu.memory_space<vmem_shared>>)
      tpu.yield
    }) : () -> ()
    %add3A_64 = arith.constant 320 : i32
    %add3A_65 = arith.addi %mul3A_55, %add3A_64 : i32
    "tpu.region"() ({
      %run_scoped3A = tpu.sem_alloc : memref<!tpu.dma_semaphore, #tpu.memory_space<semaphore_mem>>
      %dma_start3A_566 = arith.constant 0 : i32
      %dma_start3A_567 = tpu.memref_slice %arg26[%add3A_65, %dma_start3A_566] : memref<10000x128xf32, #tpu.memory_space<vmem_shared>> -> memref<80x128xf32, #tpu.memory_space<vmem_shared>>
      %dma_start3A_568 = arith.constant 0 : i32
      %dma_start3A_569 = tpu.memref_slice %arg26[%add3A_65, %dma_start3A_568] : memref<10000x128xf32, #tpu.memory_space<vmem_shared>> -> memref<80x128xf32, #tpu.memory_space<vmem_shared>>
      tpu.enqueue_dma source(%arg22 : memref<80x128xf32, #tpu.memory_space<vmem>>) target(%dma_start3A_569 : memref<80x128xf32, #tpu.memory_space<vmem_shared>>) target_semaphore(%run_scoped3A : memref<!tpu.dma_semaphore, #tpu.memory_space<semaphore_mem>>)
      %dma_wait3A_570 = arith.constant 0 : i32
      %dma_wait3A_571 = tpu.memref_slice %arg26[%add3A_65, %dma_wait3A_570] : memref<10000x128xf32, #tpu.memory_space<vmem_shared>> -> memref<80x128xf32, #tpu.memory_space<vmem_shared>>
      %dma_wait3A_572 = arith.constant 0 : i32
      %dma_wait3A_573 = tpu.memref_slice %arg26[%add3A_65, %dma_wait3A_572] : memref<10000x128xf32, #tpu.memory_space<vmem_shared>> -> memref<80x128xf32, #tpu.memory_space<vmem_shared>>
      tpu.wait_dma2 semaphore(%run_scoped3A : memref<!tpu.dma_semaphore, #tpu.memory_space<semaphore_mem>>) src(%arg22 : memref<80x128xf32, #tpu.memory_space<vmem>>) dst(%dma_wait3A_573 : memref<80x128xf32, #tpu.memory_space<vmem_shared>>)
      tpu.yield
    }) : () -> ()
    %add3A_66 = arith.constant 400 : i32
    %add3A_67 = arith.addi %mul3A_55, %add3A_66 : i32
    "tpu.region"() ({
      %run_scoped3A = tpu.sem_alloc : memref<!tpu.dma_semaphore, #tpu.memory_space<semaphore_mem>>
      %dma_start3A_566 = arith.constant 0 : i32
      %dma_start3A_567 = tpu.memref_slice %arg26[%add3A_67, %dma_start3A_566] : memref<10000x128xf32, #tpu.memory_space<vmem_shared>> -> memref<80x128xf32, #tpu.memory_space<vmem_shared>>
      %dma_start3A_568 = arith.constant 0 : i32
      %dma_start3A_569 = tpu.memref_slice %arg26[%add3A_67, %dma_start3A_568] : memref<10000x128xf32, #tpu.memory_space<vmem_shared>> -> memref<80x128xf32, #tpu.memory_space<vmem_shared>>
      tpu.enqueue_dma source(%arg22 : memref<80x128xf32, #tpu.memory_space<vmem>>) target(%dma_start3A_569 : memref<80x128xf32, #tpu.memory_space<vmem_shared>>) target_semaphore(%run_scoped3A : memref<!tpu.dma_semaphore, #tpu.memory_space<semaphore_mem>>)
      %dma_wait3A_570 = arith.constant 0 : i32
      %dma_wait3A_571 = tpu.memref_slice %arg26[%add3A_67, %dma_wait3A_570] : memref<10000x128xf32, #tpu.memory_space<vmem_shared>> -> memref<80x128xf32, #tpu.memory_space<vmem_shared>>
      %dma_wait3A_572 = arith.constant 0 : i32
      %dma_wait3A_573 = tpu.memref_slice %arg26[%add3A_67, %dma_wait3A_572] : memref<10000x128xf32, #tpu.memory_space<vmem_shared>> -> memref<80x128xf32, #tpu.memory_space<vmem_shared>>
      tpu.wait_dma2 semaphore(%run_scoped3A : memref<!tpu.dma_semaphore, #tpu.memory_space<semaphore_mem>>) src(%arg22 : memref<80x128xf32, #tpu.memory_space<vmem>>) dst(%dma_wait3A_573 : memref<80x128xf32, #tpu.memory_space<vmem_shared>>)
      tpu.yield
    }) : () -> ()
    %add3A_68 = arith.constant 480 : i32
    %add3A_69 = arith.addi %mul3A_55, %add3A_68 : i32
    "tpu.region"() ({
      %run_scoped3A = tpu.sem_alloc : memref<!tpu.dma_semaphore, #tpu.memory_space<semaphore_mem>>
      %dma_start3A_566 = arith.constant 0 : i32
      %dma_start3A_567 = tpu.memref_slice %arg26[%add3A_69, %dma_start3A_566] : memref<10000x128xf32, #tpu.memory_space<vmem_shared>> -> memref<80x128xf32, #tpu.memory_space<vmem_shared>>
      %dma_start3A_568 = arith.constant 0 : i32
      %dma_start3A_569 = tpu.memref_slice %arg26[%add3A_69, %dma_start3A_568] : memref<10000x128xf32, #tpu.memory_space<vmem_shared>> -> memref<80x128xf32, #tpu.memory_space<vmem_shared>>
      tpu.enqueue_dma source(%arg22 : memref<80x128xf32, #tpu.memory_space<vmem>>) target(%dma_start3A_569 : memref<80x128xf32, #tpu.memory_space<vmem_shared>>) target_semaphore(%run_scoped3A : memref<!tpu.dma_semaphore, #tpu.memory_space<semaphore_mem>>)
      %dma_wait3A_570 = arith.constant 0 : i32
      %dma_wait3A_571 = tpu.memref_slice %arg26[%add3A_69, %dma_wait3A_570] : memref<10000x128xf32, #tpu.memory_space<vmem_shared>> -> memref<80x128xf32, #tpu.memory_space<vmem_shared>>
      %dma_wait3A_572 = arith.constant 0 : i32
      %dma_wait3A_573 = tpu.memref_slice %arg26[%add3A_69, %dma_wait3A_572] : memref<10000x128xf32, #tpu.memory_space<vmem_shared>> -> memref<80x128xf32, #tpu.memory_space<vmem_shared>>
      tpu.wait_dma2 semaphore(%run_scoped3A : memref<!tpu.dma_semaphore, #tpu.memory_space<semaphore_mem>>) src(%arg22 : memref<80x128xf32, #tpu.memory_space<vmem>>) dst(%dma_wait3A_573 : memref<80x128xf32, #tpu.memory_space<vmem_shared>>)
      tpu.yield
    }) : () -> ()
    %add3A_70 = arith.constant 560 : i32
    %add3A_71 = arith.addi %mul3A_55, %add3A_70 : i32
    "tpu.region"() ({
      %run_scoped3A = tpu.sem_alloc : memref<!tpu.dma_semaphore, #tpu.memory_space<semaphore_mem>>
      %dma_start3A_566 = arith.constant 0 : i32
      %dma_start3A_567 = arith.constant 0 : i32
      %dma_start3A_568 = tpu.memref_slice %arg22[%dma_start3A_566, %dma_start3A_567] : memref<80x128xf32, #tpu.memory_space<vmem>> -> memref<64x128xf32, #tpu.memory_space<vmem>>
      %dma_start3A_569 = arith.constant 0 : i32
      %dma_start3A_570 = tpu.memref_slice %arg26[%add3A_71, %dma_start3A_569] : memref<10000x128xf32, #tpu.memory_space<vmem_shared>> -> memref<64x128xf32, #tpu.memory_space<vmem_shared>>
      %dma_start3A_571 = arith.constant 0 : i32
      %dma_start3A_572 = tpu.memref_slice %arg26[%add3A_71, %dma_start3A_571] : memref<10000x128xf32, #tpu.memory_space<vmem_shared>> -> memref<64x128xf32, #tpu.memory_space<vmem_shared>>
      %dma_start3A_573 = arith.constant 0 : i32
      %dma_start3A_574 = arith.constant 0 : i32
      %dma_start3A_575 = tpu.memref_slice %arg22[%dma_start3A_573, %dma_start3A_574] : memref<80x128xf32, #tpu.memory_space<vmem>> -> memref<64x128xf32, #tpu.memory_space<vmem>>
      tpu.enqueue_dma source(%dma_start3A_575 : memref<64x128xf32, #tpu.memory_space<vmem>>) target(%dma_start3A_572 : memref<64x128xf32, #tpu.memory_space<vmem_shared>>) target_semaphore(%run_scoped3A : memref<!tpu.dma_semaphore, #tpu.memory_space<semaphore_mem>>)
      %dma_wait3A_576 = arith.constant 0 : i32
      %dma_wait3A_577 = arith.constant 0 : i32
      %dma_wait3A_578 = tpu.memref_slice %arg22[%dma_wait3A_576, %dma_wait3A_577] : memref<80x128xf32, #tpu.memory_space<vmem>> -> memref<64x128xf32, #tpu.memory_space<vmem>>
      %dma_wait3A_579 = arith.constant 0 : i32
      %dma_wait3A_580 = tpu.memref_slice %arg26[%add3A_71, %dma_wait3A_579] : memref<10000x128xf32, #tpu.memory_space<vmem_shared>> -> memref<64x128xf32, #tpu.memory_space<vmem_shared>>
      %dma_wait3A_581 = arith.constant 0 : i32
      %dma_wait3A_582 = tpu.memref_slice %arg26[%add3A_71, %dma_wait3A_581] : memref<10000x128xf32, #tpu.memory_space<vmem_shared>> -> memref<64x128xf32, #tpu.memory_space<vmem_shared>>
      %dma_wait3A_583 = arith.constant 0 : i32
      %dma_wait3A_584 = arith.constant 0 : i32
      %dma_wait3A_585 = tpu.memref_slice %arg22[%dma_wait3A_583, %dma_wait3A_584] : memref<80x128xf32, #tpu.memory_space<vmem>> -> memref<64x128xf32, #tpu.memory_space<vmem>>
      tpu.wait_dma2 semaphore(%run_scoped3A : memref<!tpu.dma_semaphore, #tpu.memory_space<semaphore_mem>>) src(%dma_wait3A_585 : memref<64x128xf32, #tpu.memory_space<vmem>>) dst(%dma_wait3A_582 : memref<64x128xf32, #tpu.memory_space<vmem_shared>>)
      tpu.yield
    }) : () -> ()
    %eq3A = arith.constant 15 : i32
    %eq3A_72 = arith.cmpi eq, %arg1, %eq3A : i32
    %convert_element_type3A = arith.extui %eq3A_72 : i1 to i32
    %cond3A = arith.constant 0 : i32
    %cond3A_73 = arith.cmpi ne, %convert_element_type3A, %cond3A : i32
    scf.if %cond3A_73 {
      "tpu.region"() ({
        %run_scoped3A = tpu.sem_alloc : memref<!tpu.dma_semaphore, #tpu.memory_space<semaphore_mem>>
        %dma_start3A_566 = arith.constant 0 : i32
        %dma_start3A_567 = arith.constant 0 : i32
        %dma_start3A_568 = tpu.memref_slice %arg22[%dma_start3A_566, %dma_start3A_567] : memref<80x128xf32, #tpu.memory_space<vmem>> -> memref<16x128xf32, #tpu.memory_space<vmem>>
        %dma_start3A_569 = arith.constant 9984 : i32
        %dma_start3A_570 = arith.constant 0 : i32
        %dma_start3A_571 = tpu.memref_slice %arg26[%dma_start3A_569, %dma_start3A_570] : memref<10000x128xf32, #tpu.memory_space<vmem_shared>> -> memref<16x128xf32, #tpu.memory_space<vmem_shared>>
        %dma_start3A_572 = arith.constant 9984 : i32
        %dma_start3A_573 = arith.constant 0 : i32
        %dma_start3A_574 = tpu.memref_slice %arg26[%dma_start3A_572, %dma_start3A_573] : memref<10000x128xf32, #tpu.memory_space<vmem_shared>> -> memref<16x128xf32, #tpu.memory_space<vmem_shared>>
        %dma_start3A_575 = arith.constant 0 : i32
        %dma_start3A_576 = arith.constant 0 : i32
        %dma_start3A_577 = tpu.memref_slice %arg22[%dma_start3A_575, %dma_start3A_576] : memref<80x128xf32, #tpu.memory_space<vmem>> -> memref<16x128xf32, #tpu.memory_space<vmem>>
        tpu.enqueue_dma source(%dma_start3A_577 : memref<16x128xf32, #tpu.memory_space<vmem>>) target(%dma_start3A_574 : memref<16x128xf32, #tpu.memory_space<vmem_shared>>) target_semaphore(%run_scoped3A : memref<!tpu.dma_semaphore, #tpu.memory_space<semaphore_mem>>)
        %dma_wait3A_578 = arith.constant 0 : i32
        %dma_wait3A_579 = arith.constant 0 : i32
        %dma_wait3A_580 = tpu.memref_slice %arg22[%dma_wait3A_578, %dma_wait3A_579] : memref<80x128xf32, #tpu.memory_space<vmem>> -> memref<16x128xf32, #tpu.memory_space<vmem>>
        %dma_wait3A_581 = arith.constant 9984 : i32
        %dma_wait3A_582 = arith.constant 0 : i32
        %dma_wait3A_583 = tpu.memref_slice %arg26[%dma_wait3A_581, %dma_wait3A_582] : memref<10000x128xf32, #tpu.memory_space<vmem_shared>> -> memref<16x128xf32, #tpu.memory_space<vmem_shared>>
        %dma_wait3A_584 = arith.constant 9984 : i32
        %dma_wait3A_585 = arith.constant 0 : i32
        %dma_wait3A_586 = tpu.memref_slice %arg26[%dma_wait3A_584, %dma_wait3A_585] : memref<10000x128xf32, #tpu.memory_space<vmem_shared>> -> memref<16x128xf32, #tpu.memory_space<vmem_shared>>
        %dma_wait3A_587 = arith.constant 0 : i32
        %dma_wait3A_588 = arith.constant 0 : i32
        %dma_wait3A_589 = tpu.memref_slice %arg22[%dma_wait3A_587, %dma_wait3A_588] : memref<80x128xf32, #tpu.memory_space<vmem>> -> memref<16x128xf32, #tpu.memory_space<vmem>>
        tpu.wait_dma2 semaphore(%run_scoped3A : memref<!tpu.dma_semaphore, #tpu.memory_space<semaphore_mem>>) src(%dma_wait3A_589 : memref<16x128xf32, #tpu.memory_space<vmem>>) dst(%dma_wait3A_586 : memref<16x128xf32, #tpu.memory_space<vmem_shared>>)
        tpu.yield
      }) : () -> ()
    } else {
    }
    %barrier3A = arith.constant 0 : index
    tpu.barrier barrier_id(%barrier3A)
    %mul3A_74 = arith.constant 10000 : i32
    %mul3A_75 = arith.muli %add3A, %mul3A_74 : i32
    %add3A_76 = arith.constant 0 : i32
    %add3A_77 = arith.addi %mul3A_75, %add3A_76 : i32
    %add3A_78 = arith.constant 320000 : i32
    %add3A_79 = arith.addi %add3A_78, %add3A_77 : i32
    %dma_wait3A = tpu.memref_slice %arg3[%add3A_77] : memref<640000xi32, #tpu.memory_space<hbm>> -> memref<80xi32, #tpu.memory_space<hbm>>
    %dma_wait3A_80 = tpu.memref_slice %arg3[%add3A_77] : memref<640000xi32, #tpu.memory_space<hbm>> -> memref<80xi32, #tpu.memory_space<hbm>>
    tpu.wait_dma2 semaphore(%arg27 : memref<!tpu.dma_semaphore, #tpu.memory_space<semaphore_mem>>) src(%dma_wait3A_80 : memref<80xi32, #tpu.memory_space<hbm>>) dst(%arg10 : memref<80xi32, #tpu.memory_space<vmem>>)
    %dma_wait3A_81 = tpu.memref_slice %arg3[%add3A_79] : memref<640000xi32, #tpu.memory_space<hbm>> -> memref<80xi32, #tpu.memory_space<hbm>>
    %dma_wait3A_82 = tpu.memref_slice %arg3[%add3A_79] : memref<640000xi32, #tpu.memory_space<hbm>> -> memref<80xi32, #tpu.memory_space<hbm>>
    tpu.wait_dma2 semaphore(%arg27 : memref<!tpu.dma_semaphore, #tpu.memory_space<semaphore_mem>>) src(%dma_wait3A_82 : memref<80xi32, #tpu.memory_space<hbm>>) dst(%arg14 : memref<80xi32, #tpu.memory_space<vmem>>)
    %dma_wait3A_83 = tpu.memref_slice %arg4[%add3A_77] : memref<320000xi32, #tpu.memory_space<hbm>> -> memref<80xi32, #tpu.memory_space<hbm>>
    %dma_wait3A_84 = tpu.memref_slice %arg4[%add3A_77] : memref<320000xi32, #tpu.memory_space<hbm>> -> memref<80xi32, #tpu.memory_space<hbm>>
    tpu.wait_dma2 semaphore(%arg27 : memref<!tpu.dma_semaphore, #tpu.memory_space<semaphore_mem>>) src(%dma_wait3A_84 : memref<80xi32, #tpu.memory_space<hbm>>) dst(%arg18 : memref<80xi32, #tpu.memory_space<vmem>>)
    %get3A = arith.constant 0 : index
    %get3A_85 = tpu.vector_load %arg18[%get3A] {strides = array<i32>} : memref<80xi32, #tpu.memory_space<vmem>>, vector<16xi32>,
    %get3A_86 = vector.shape_cast %get3A_85 : vector<16xi32> to vector<16xi32>
    %mul3A_87 = arith.constant 10000 : i32
    %mul3A_88 = vector.broadcast %mul3A_87 : i32 to vector<16xi32>
    %mul3A_89 = arith.muli %get3A_86, %mul3A_88 : vector<16xi32>
    %get3A_90 = arith.constant 0 : index
    %get3A_91 = tpu.vector_load %arg14[%get3A_90] {strides = array<i32>} : memref<80xi32, #tpu.memory_space<vmem>>, vector<16xi32>,
    %get3A_92 = vector.shape_cast %get3A_91 : vector<16xi32> to vector<16xi32>
    %add3A_93 = arith.addi %mul3A_89, %get3A_92 : vector<16xi32>
    %swap3A = arith.constant 0 : index
    %swap3A_94 = tpu.vector_load %arg6[%swap3A] {strides = array<i32>} : memref<80xi32, #tpu.memory_space<vmem>>, vector<16xi32>,
    %swap3A_95 = vector.shape_cast %swap3A_94 : vector<16xi32> to vector<16xi32>
    %swap3A_96 = vector.shape_cast %add3A_93 : vector<16xi32> to vector<16xi32>
    tpu.vector_store %arg6[%swap3A], %swap3A_96 {strides = array<i32>} : memref<80xi32, #tpu.memory_space<vmem>>, vector<16xi32>,
    %get3A_97 = arith.constant 16 : index
    %get3A_98 = tpu.vector_load %arg18[%get3A_97] {strides = array<i32>} : memref<80xi32, #tpu.memory_space<vmem>>, vector<16xi32>,
    %get3A_99 = vector.shape_cast %get3A_98 : vector<16xi32> to vector<16xi32>
    %mul3A_100 = arith.constant 10000 : i32
    %mul3A_101 = vector.broadcast %mul3A_100 : i32 to vector<16xi32>
    %mul3A_102 = arith.muli %get3A_99, %mul3A_101 : vector<16xi32>
    %get3A_103 = arith.constant 16 : index
    %get3A_104 = tpu.vector_load %arg14[%get3A_103] {strides = array<i32>} : memref<80xi32, #tpu.memory_space<vmem>>, vector<16xi32>,
    %get3A_105 = vector.shape_cast %get3A_104 : vector<16xi32> to vector<16xi32>
    %add3A_106 = arith.addi %mul3A_102, %get3A_105 : vector<16xi32>
    %swap3A_107 = arith.constant 16 : index
    %swap3A_108 = tpu.vector_load %arg6[%swap3A_107] {strides = array<i32>} : memref<80xi32, #tpu.memory_space<vmem>>, vector<16xi32>,
    %swap3A_109 = vector.shape_cast %swap3A_108 : vector<16xi32> to vector<16xi32>
    %swap3A_110 = vector.shape_cast %add3A_106 : vector<16xi32> to vector<16xi32>
    tpu.vector_store %arg6[%swap3A_107], %swap3A_110 {strides = array<i32>} : memref<80xi32, #tpu.memory_space<vmem>>, vector<16xi32>,
    %get3A_111 = arith.constant 32 : index
    %get3A_112 = tpu.vector_load %arg18[%get3A_111] {strides = array<i32>} : memref<80xi32, #tpu.memory_space<vmem>>, vector<16xi32>,
    %get3A_113 = vector.shape_cast %get3A_112 : vector<16xi32> to vector<16xi32>
    %mul3A_114 = arith.constant 10000 : i32
    %mul3A_115 = vector.broadcast %mul3A_114 : i32 to vector<16xi32>
    %mul3A_116 = arith.muli %get3A_113, %mul3A_115 : vector<16xi32>
    %get3A_117 = arith.constant 32 : index
    %get3A_118 = tpu.vector_load %arg14[%get3A_117] {strides = array<i32>} : memref<80xi32, #tpu.memory_space<vmem>>, vector<16xi32>,
    %get3A_119 = vector.shape_cast %get3A_118 : vector<16xi32> to vector<16xi32>
    %add3A_120 = arith.addi %mul3A_116, %get3A_119 : vector<16xi32>
    %swap3A_121 = arith.constant 32 : index
    %swap3A_122 = tpu.vector_load %arg6[%swap3A_121] {strides = array<i32>} : memref<80xi32, #tpu.memory_space<vmem>>, vector<16xi32>,
    %swap3A_123 = vector.shape_cast %swap3A_122 : vector<16xi32> to vector<16xi32>
    %swap3A_124 = vector.shape_cast %add3A_120 : vector<16xi32> to vector<16xi32>
    tpu.vector_store %arg6[%swap3A_121], %swap3A_124 {strides = array<i32>} : memref<80xi32, #tpu.memory_space<vmem>>, vector<16xi32>,
    %get3A_125 = arith.constant 48 : index
    %get3A_126 = tpu.vector_load %arg18[%get3A_125] {strides = array<i32>} : memref<80xi32, #tpu.memory_space<vmem>>, vector<16xi32>,
    %get3A_127 = vector.shape_cast %get3A_126 : vector<16xi32> to vector<16xi32>
    %mul3A_128 = arith.constant 10000 : i32
    %mul3A_129 = vector.broadcast %mul3A_128 : i32 to vector<16xi32>
    %mul3A_130 = arith.muli %get3A_127, %mul3A_129 : vector<16xi32>
    %get3A_131 = arith.constant 48 : index
    %get3A_132 = tpu.vector_load %arg14[%get3A_131] {strides = array<i32>} : memref<80xi32, #tpu.memory_space<vmem>>, vector<16xi32>,
    %get3A_133 = vector.shape_cast %get3A_132 : vector<16xi32> to vector<16xi32>
    %add3A_134 = arith.addi %mul3A_130, %get3A_133 : vector<16xi32>
    %swap3A_135 = arith.constant 48 : index
    %swap3A_136 = tpu.vector_load %arg6[%swap3A_135] {strides = array<i32>} : memref<80xi32, #tpu.memory_space<vmem>>, vector<16xi32>,
    %swap3A_137 = vector.shape_cast %swap3A_136 : vector<16xi32> to vector<16xi32>
    %swap3A_138 = vector.shape_cast %add3A_134 : vector<16xi32> to vector<16xi32>
    tpu.vector_store %arg6[%swap3A_135], %swap3A_138 {strides = array<i32>} : memref<80xi32, #tpu.memory_space<vmem>>, vector<16xi32>,
    %get3A_139 = arith.constant 64 : index
    %get3A_140 = tpu.vector_load %arg18[%get3A_139] {strides = array<i32>} : memref<80xi32, #tpu.memory_space<vmem>>, vector<16xi32>,
    %get3A_141 = vector.shape_cast %get3A_140 : vector<16xi32> to vector<16xi32>
    %mul3A_142 = arith.constant 10000 : i32
    %mul3A_143 = vector.broadcast %mul3A_142 : i32 to vector<16xi32>
    %mul3A_144 = arith.muli %get3A_141, %mul3A_143 : vector<16xi32>
    %get3A_145 = arith.constant 64 : index
    %get3A_146 = tpu.vector_load %arg14[%get3A_145] {strides = array<i32>} : memref<80xi32, #tpu.memory_space<vmem>>, vector<16xi32>,
    %get3A_147 = vector.shape_cast %get3A_146 : vector<16xi32> to vector<16xi32>
    %add3A_148 = arith.addi %mul3A_144, %get3A_147 : vector<16xi32>
    %swap3A_149 = arith.constant 64 : index
    %swap3A_150 = tpu.vector_load %arg6[%swap3A_149] {strides = array<i32>} : memref<80xi32, #tpu.memory_space<vmem>>, vector<16xi32>,
    %swap3A_151 = vector.shape_cast %swap3A_150 : vector<16xi32> to vector<16xi32>
    %swap3A_152 = vector.shape_cast %add3A_148 : vector<16xi32> to vector<16xi32>
    tpu.vector_store %arg6[%swap3A_149], %swap3A_152 {strides = array<i32>} : memref<80xi32, #tpu.memory_space<vmem>>, vector<16xi32>,
    %dma_start3A_153 = arith.constant 0 : i32
    %dma_start3A_154 = arith.constant 0 : i32
    %dma_start3A_155 = tpu.memref_slice %arg2[%dma_start3A_153, %dma_start3A_154] : memref<240000x128xf32, #tpu.memory_space<hbm>> -> memref<240000x128xf32, #tpu.memory_space<hbm>>
    tpu.enqueue_indirect_dma source(%dma_start3A_155 : memref<240000x128xf32, #tpu.memory_space<hbm>>) target(%arg22 : memref<80x128xf32, #tpu.memory_space<vmem>>) offsets(%arg6 : memref<80xi32, #tpu.memory_space<vmem>>) semaphore(%arg31 : memref<!tpu.dma_semaphore, #tpu.memory_space<semaphore_mem>>)
    %mul3A_156 = arith.constant 10000 : i32
    %mul3A_157 = arith.muli %add3A, %mul3A_156 : i32
    %add3A_158 = arith.constant 80 : i32
    %add3A_159 = arith.addi %mul3A_157, %add3A_158 : i32
    %add3A_160 = arith.constant 320000 : i32
    %add3A_161 = arith.addi %add3A_160, %add3A_159 : i32
    %dma_wait3A_162 = tpu.memref_slice %arg3[%add3A_159] : memref<640000xi32, #tpu.memory_space<hbm>> -> memref<80xi32, #tpu.memory_space<hbm>>
    %dma_wait3A_163 = tpu.memref_slice %arg3[%add3A_159] : memref<640000xi32, #tpu.memory_space<hbm>> -> memref<80xi32, #tpu.memory_space<hbm>>
    tpu.wait_dma2 semaphore(%arg28 : memref<!tpu.dma_semaphore, #tpu.memory_space<semaphore_mem>>) src(%dma_wait3A_163 : memref<80xi32, #tpu.memory_space<hbm>>) dst(%arg11 : memref<80xi32, #tpu.memory_space<vmem>>)
    %dma_wait3A_164 = tpu.memref_slice %arg3[%add3A_161] : memref<640000xi32, #tpu.memory_space<hbm>> -> memref<80xi32, #tpu.memory_space<hbm>>
    %dma_wait3A_165 = tpu.memref_slice %arg3[%add3A_161] : memref<640000xi32, #tpu.memory_space<hbm>> -> memref<80xi32, #tpu.memory_space<hbm>>
    tpu.wait_dma2 semaphore(%arg28 : memref<!tpu.dma_semaphore, #tpu.memory_space<semaphore_mem>>) src(%dma_wait3A_165 : memref<80xi32, #tpu.memory_space<hbm>>) dst(%arg15 : memref<80xi32, #tpu.memory_space<vmem>>)
    %dma_wait3A_166 = tpu.memref_slice %arg4[%add3A_159] : memref<320000xi32, #tpu.memory_space<hbm>> -> memref<80xi32, #tpu.memory_space<hbm>>
    %dma_wait3A_167 = tpu.memref_slice %arg4[%add3A_159] : memref<320000xi32, #tpu.memory_space<hbm>> -> memref<80xi32, #tpu.memory_space<hbm>>
    tpu.wait_dma2 semaphore(%arg28 : memref<!tpu.dma_semaphore, #tpu.memory_space<semaphore_mem>>) src(%dma_wait3A_167 : memref<80xi32, #tpu.memory_space<hbm>>) dst(%arg19 : memref<80xi32, #tpu.memory_space<vmem>>)
    %get3A_168 = arith.constant 0 : index
    %get3A_169 = tpu.vector_load %arg19[%get3A_168] {strides = array<i32>} : memref<80xi32, #tpu.memory_space<vmem>>, vector<16xi32>,
    %get3A_170 = vector.shape_cast %get3A_169 : vector<16xi32> to vector<16xi32>
    %mul3A_171 = arith.constant 10000 : i32
    %mul3A_172 = vector.broadcast %mul3A_171 : i32 to vector<16xi32>
    %mul3A_173 = arith.muli %get3A_170, %mul3A_172 : vector<16xi32>
    %get3A_174 = arith.constant 0 : index
    %get3A_175 = tpu.vector_load %arg15[%get3A_174] {strides = array<i32>} : memref<80xi32, #tpu.memory_space<vmem>>, vector<16xi32>,
    %get3A_176 = vector.shape_cast %get3A_175 : vector<16xi32> to vector<16xi32>
    %add3A_177 = arith.addi %mul3A_173, %get3A_176 : vector<16xi32>
    %swap3A_178 = arith.constant 0 : index
    %swap3A_179 = tpu.vector_load %arg7[%swap3A_178] {strides = array<i32>} : memref<80xi32, #tpu.memory_space<vmem>>, vector<16xi32>,
    %swap3A_180 = vector.shape_cast %swap3A_179 : vector<16xi32> to vector<16xi32>
    %swap3A_181 = vector.shape_cast %add3A_177 : vector<16xi32> to vector<16xi32>
    tpu.vector_store %arg7[%swap3A_178], %swap3A_181 {strides = array<i32>} : memref<80xi32, #tpu.memory_space<vmem>>, vector<16xi32>,
    %get3A_182 = arith.constant 16 : index
    %get3A_183 = tpu.vector_load %arg19[%get3A_182] {strides = array<i32>} : memref<80xi32, #tpu.memory_space<vmem>>, vector<16xi32>,
    %get3A_184 = vector.shape_cast %get3A_183 : vector<16xi32> to vector<16xi32>
    %mul3A_185 = arith.constant 10000 : i32
    %mul3A_186 = vector.broadcast %mul3A_185 : i32 to vector<16xi32>
    %mul3A_187 = arith.muli %get3A_184, %mul3A_186 : vector<16xi32>
    %get3A_188 = arith.constant 16 : index
    %get3A_189 = tpu.vector_load %arg15[%get3A_188] {strides = array<i32>} : memref<80xi32, #tpu.memory_space<vmem>>, vector<16xi32>,
    %get3A_190 = vector.shape_cast %get3A_189 : vector<16xi32> to vector<16xi32>
    %add3A_191 = arith.addi %mul3A_187, %get3A_190 : vector<16xi32>
    %swap3A_192 = arith.constant 16 : index
    %swap3A_193 = tpu.vector_load %arg7[%swap3A_192] {strides = array<i32>} : memref<80xi32, #tpu.memory_space<vmem>>, vector<16xi32>,
    %swap3A_194 = vector.shape_cast %swap3A_193 : vector<16xi32> to vector<16xi32>
    %swap3A_195 = vector.shape_cast %add3A_191 : vector<16xi32> to vector<16xi32>
    tpu.vector_store %arg7[%swap3A_192], %swap3A_195 {strides = array<i32>} : memref<80xi32, #tpu.memory_space<vmem>>, vector<16xi32>,
    %get3A_196 = arith.constant 32 : index
    %get3A_197 = tpu.vector_load %arg19[%get3A_196] {strides = array<i32>} : memref<80xi32, #tpu.memory_space<vmem>>, vector<16xi32>,
    %get3A_198 = vector.shape_cast %get3A_197 : vector<16xi32> to vector<16xi32>
    %mul3A_199 = arith.constant 10000 : i32
    %mul3A_200 = vector.broadcast %mul3A_199 : i32 to vector<16xi32>
    %mul3A_201 = arith.muli %get3A_198, %mul3A_200 : vector<16xi32>
    %get3A_202 = arith.constant 32 : index
    %get3A_203 = tpu.vector_load %arg15[%get3A_202] {strides = array<i32>} : memref<80xi32, #tpu.memory_space<vmem>>, vector<16xi32>,
    %get3A_204 = vector.shape_cast %get3A_203 : vector<16xi32> to vector<16xi32>
    %add3A_205 = arith.addi %mul3A_201, %get3A_204 : vector<16xi32>
    %swap3A_206 = arith.constant 32 : index
    %swap3A_207 = tpu.vector_load %arg7[%swap3A_206] {strides = array<i32>} : memref<80xi32, #tpu.memory_space<vmem>>, vector<16xi32>,
    %swap3A_208 = vector.shape_cast %swap3A_207 : vector<16xi32> to vector<16xi32>
    %swap3A_209 = vector.shape_cast %add3A_205 : vector<16xi32> to vector<16xi32>
    tpu.vector_store %arg7[%swap3A_206], %swap3A_209 {strides = array<i32>} : memref<80xi32, #tpu.memory_space<vmem>>, vector<16xi32>,
    %get3A_210 = arith.constant 48 : index
    %get3A_211 = tpu.vector_load %arg19[%get3A_210] {strides = array<i32>} : memref<80xi32, #tpu.memory_space<vmem>>, vector<16xi32>,
    %get3A_212 = vector.shape_cast %get3A_211 : vector<16xi32> to vector<16xi32>
    %mul3A_213 = arith.constant 10000 : i32
    %mul3A_214 = vector.broadcast %mul3A_213 : i32 to vector<16xi32>
    %mul3A_215 = arith.muli %get3A_212, %mul3A_214 : vector<16xi32>
    %get3A_216 = arith.constant 48 : index
    %get3A_217 = tpu.vector_load %arg15[%get3A_216] {strides = array<i32>} : memref<80xi32, #tpu.memory_space<vmem>>, vector<16xi32>,
    %get3A_218 = vector.shape_cast %get3A_217 : vector<16xi32> to vector<16xi32>
    %add3A_219 = arith.addi %mul3A_215, %get3A_218 : vector<16xi32>
    %swap3A_220 = arith.constant 48 : index
    %swap3A_221 = tpu.vector_load %arg7[%swap3A_220] {strides = array<i32>} : memref<80xi32, #tpu.memory_space<vmem>>, vector<16xi32>,
    %swap3A_222 = vector.shape_cast %swap3A_221 : vector<16xi32> to vector<16xi32>
    %swap3A_223 = vector.shape_cast %add3A_219 : vector<16xi32> to vector<16xi32>
    tpu.vector_store %arg7[%swap3A_220], %swap3A_223 {strides = array<i32>} : memref<80xi32, #tpu.memory_space<vmem>>, vector<16xi32>,
    %get3A_224 = arith.constant 64 : index
    %get3A_225 = tpu.vector_load %arg19[%get3A_224] {strides = array<i32>} : memref<80xi32, #tpu.memory_space<vmem>>, vector<16xi32>,
    %get3A_226 = vector.shape_cast %get3A_225 : vector<16xi32> to vector<16xi32>
    %mul3A_227 = arith.constant 10000 : i32
    %mul3A_228 = vector.broadcast %mul3A_227 : i32 to vector<16xi32>
    %mul3A_229 = arith.muli %get3A_226, %mul3A_228 : vector<16xi32>
    %get3A_230 = arith.constant 64 : index
    %get3A_231 = tpu.vector_load %arg15[%get3A_230] {strides = array<i32>} : memref<80xi32, #tpu.memory_space<vmem>>, vector<16xi32>,
    %get3A_232 = vector.shape_cast %get3A_231 : vector<16xi32> to vector<16xi32>
    %add3A_233 = arith.addi %mul3A_229, %get3A_232 : vector<16xi32>
    %swap3A_234 = arith.constant 64 : index
    %swap3A_235 = tpu.vector_load %arg7[%swap3A_234] {strides = array<i32>} : memref<80xi32, #tpu.memory_space<vmem>>, vector<16xi32>,
    %swap3A_236 = vector.shape_cast %swap3A_235 : vector<16xi32> to vector<16xi32>
    %swap3A_237 = vector.shape_cast %add3A_233 : vector<16xi32> to vector<16xi32>
    tpu.vector_store %arg7[%swap3A_234], %swap3A_237 {strides = array<i32>} : memref<80xi32, #tpu.memory_space<vmem>>, vector<16xi32>,
    %dma_start3A_238 = arith.constant 0 : i32
    %dma_start3A_239 = arith.constant 0 : i32
    %dma_start3A_240 = tpu.memref_slice %arg2[%dma_start3A_238, %dma_start3A_239] : memref<240000x128xf32, #tpu.memory_space<hbm>> -> memref<240000x128xf32, #tpu.memory_space<hbm>>
    tpu.enqueue_indirect_dma source(%dma_start3A_240 : memref<240000x128xf32, #tpu.memory_space<hbm>>) target(%arg23 : memref<80x128xf32, #tpu.memory_space<vmem>>) offsets(%arg7 : memref<80xi32, #tpu.memory_space<vmem>>) semaphore(%arg32 : memref<!tpu.dma_semaphore, #tpu.memory_space<semaphore_mem>>)
    %mul3A_241 = arith.constant 10000 : i32
    %mul3A_242 = arith.muli %add3A, %mul3A_241 : i32
    %add3A_243 = arith.constant 160 : i32
    %add3A_244 = arith.addi %mul3A_242, %add3A_243 : i32
    %add3A_245 = arith.constant 320000 : i32
    %add3A_246 = arith.addi %add3A_245, %add3A_244 : i32
    %dma_wait3A_247 = tpu.memref_slice %arg3[%add3A_244] : memref<640000xi32, #tpu.memory_space<hbm>> -> memref<80xi32, #tpu.memory_space<hbm>>
    %dma_wait3A_248 = tpu.memref_slice %arg3[%add3A_244] : memref<640000xi32, #tpu.memory_space<hbm>> -> memref<80xi32, #tpu.memory_space<hbm>>
    tpu.wait_dma2 semaphore(%arg29 : memref<!tpu.dma_semaphore, #tpu.memory_space<semaphore_mem>>) src(%dma_wait3A_248 : memref<80xi32, #tpu.memory_space<hbm>>) dst(%arg12 : memref<80xi32, #tpu.memory_space<vmem>>)
    %dma_wait3A_249 = tpu.memref_slice %arg3[%add3A_246] : memref<640000xi32, #tpu.memory_space<hbm>> -> memref<80xi32, #tpu.memory_space<hbm>>
    %dma_wait3A_250 = tpu.memref_slice %arg3[%add3A_246] : memref<640000xi32, #tpu.memory_space<hbm>> -> memref<80xi32, #tpu.memory_space<hbm>>
    tpu.wait_dma2 semaphore(%arg29 : memref<!tpu.dma_semaphore, #tpu.memory_space<semaphore_mem>>) src(%dma_wait3A_250 : memref<80xi32, #tpu.memory_space<hbm>>) dst(%arg16 : memref<80xi32, #tpu.memory_space<vmem>>)
    %dma_wait3A_251 = tpu.memref_slice %arg4[%add3A_244] : memref<320000xi32, #tpu.memory_space<hbm>> -> memref<80xi32, #tpu.memory_space<hbm>>
    %dma_wait3A_252 = tpu.memref_slice %arg4[%add3A_244] : memref<320000xi32, #tpu.memory_space<hbm>> -> memref<80xi32, #tpu.memory_space<hbm>>
    tpu.wait_dma2 semaphore(%arg29 : memref<!tpu.dma_semaphore, #tpu.memory_space<semaphore_mem>>) src(%dma_wait3A_252 : memref<80xi32, #tpu.memory_space<hbm>>) dst(%arg20 : memref<80xi32, #tpu.memory_space<vmem>>)
    %get3A_253 = arith.constant 0 : index
    %get3A_254 = tpu.vector_load %arg20[%get3A_253] {strides = array<i32>} : memref<80xi32, #tpu.memory_space<vmem>>, vector<16xi32>,
    %get3A_255 = vector.shape_cast %get3A_254 : vector<16xi32> to vector<16xi32>
    %mul3A_256 = arith.constant 10000 : i32
    %mul3A_257 = vector.broadcast %mul3A_256 : i32 to vector<16xi32>
    %mul3A_258 = arith.muli %get3A_255, %mul3A_257 : vector<16xi32>
    %get3A_259 = arith.constant 0 : index
    %get3A_260 = tpu.vector_load %arg16[%get3A_259] {strides = array<i32>} : memref<80xi32, #tpu.memory_space<vmem>>, vector<16xi32>,
    %get3A_261 = vector.shape_cast %get3A_260 : vector<16xi32> to vector<16xi32>
    %add3A_262 = arith.addi %mul3A_258, %get3A_261 : vector<16xi32>
    %swap3A_263 = arith.constant 0 : index
    %swap3A_264 = tpu.vector_load %arg8[%swap3A_263] {strides = array<i32>} : memref<80xi32, #tpu.memory_space<vmem>>, vector<16xi32>,
    %swap3A_265 = vector.shape_cast %swap3A_264 : vector<16xi32> to vector<16xi32>
    %swap3A_266 = vector.shape_cast %add3A_262 : vector<16xi32> to vector<16xi32>
    tpu.vector_store %arg8[%swap3A_263], %swap3A_266 {strides = array<i32>} : memref<80xi32, #tpu.memory_space<vmem>>, vector<16xi32>,
    %get3A_267 = arith.constant 16 : index
    %get3A_268 = tpu.vector_load %arg20[%get3A_267] {strides = array<i32>} : memref<80xi32, #tpu.memory_space<vmem>>, vector<16xi32>,
    %get3A_269 = vector.shape_cast %get3A_268 : vector<16xi32> to vector<16xi32>
    %mul3A_270 = arith.constant 10000 : i32
    %mul3A_271 = vector.broadcast %mul3A_270 : i32 to vector<16xi32>
    %mul3A_272 = arith.muli %get3A_269, %mul3A_271 : vector<16xi32>
    %get3A_273 = arith.constant 16 : index
    %get3A_274 = tpu.vector_load %arg16[%get3A_273] {strides = array<i32>} : memref<80xi32, #tpu.memory_space<vmem>>, vector<16xi32>,
    %get3A_275 = vector.shape_cast %get3A_274 : vector<16xi32> to vector<16xi32>
    %add3A_276 = arith.addi %mul3A_272, %get3A_275 : vector<16xi32>
    %swap3A_277 = arith.constant 16 : index
    %swap3A_278 = tpu.vector_load %arg8[%swap3A_277] {strides = array<i32>} : memref<80xi32, #tpu.memory_space<vmem>>, vector<16xi32>,
    %swap3A_279 = vector.shape_cast %swap3A_278 : vector<16xi32> to vector<16xi32>
    %swap3A_280 = vector.shape_cast %add3A_276 : vector<16xi32> to vector<16xi32>
    tpu.vector_store %arg8[%swap3A_277], %swap3A_280 {strides = array<i32>} : memref<80xi32, #tpu.memory_space<vmem>>, vector<16xi32>,
    %get3A_281 = arith.constant 32 : index
    %get3A_282 = tpu.vector_load %arg20[%get3A_281] {strides = array<i32>} : memref<80xi32, #tpu.memory_space<vmem>>, vector<16xi32>,
    %get3A_283 = vector.shape_cast %get3A_282 : vector<16xi32> to vector<16xi32>
    %mul3A_284 = arith.constant 10000 : i32
    %mul3A_285 = vector.broadcast %mul3A_284 : i32 to vector<16xi32>
    %mul3A_286 = arith.muli %get3A_283, %mul3A_285 : vector<16xi32>
    %get3A_287 = arith.constant 32 : index
    %get3A_288 = tpu.vector_load %arg16[%get3A_287] {strides = array<i32>} : memref<80xi32, #tpu.memory_space<vmem>>, vector<16xi32>,
    %get3A_289 = vector.shape_cast %get3A_288 : vector<16xi32> to vector<16xi32>
    %add3A_290 = arith.addi %mul3A_286, %get3A_289 : vector<16xi32>
    %swap3A_291 = arith.constant 32 : index
    %swap3A_292 = tpu.vector_load %arg8[%swap3A_291] {strides = array<i32>} : memref<80xi32, #tpu.memory_space<vmem>>, vector<16xi32>,
    %swap3A_293 = vector.shape_cast %swap3A_292 : vector<16xi32> to vector<16xi32>
    %swap3A_294 = vector.shape_cast %add3A_290 : vector<16xi32> to vector<16xi32>
    tpu.vector_store %arg8[%swap3A_291], %swap3A_294 {strides = array<i32>} : memref<80xi32, #tpu.memory_space<vmem>>, vector<16xi32>,
    %get3A_295 = arith.constant 48 : index
    %get3A_296 = tpu.vector_load %arg20[%get3A_295] {strides = array<i32>} : memref<80xi32, #tpu.memory_space<vmem>>, vector<16xi32>,
    %get3A_297 = vector.shape_cast %get3A_296 : vector<16xi32> to vector<16xi32>
    %mul3A_298 = arith.constant 10000 : i32
    %mul3A_299 = vector.broadcast %mul3A_298 : i32 to vector<16xi32>
    %mul3A_300 = arith.muli %get3A_297, %mul3A_299 : vector<16xi32>
    %get3A_301 = arith.constant 48 : index
    %get3A_302 = tpu.vector_load %arg16[%get3A_301] {strides = array<i32>} : memref<80xi32, #tpu.memory_space<vmem>>, vector<16xi32>,
    %get3A_303 = vector.shape_cast %get3A_302 : vector<16xi32> to vector<16xi32>
    %add3A_304 = arith.addi %mul3A_300, %get3A_303 : vector<16xi32>
    %swap3A_305 = arith.constant 48 : index
    %swap3A_306 = tpu.vector_load %arg8[%swap3A_305] {strides = array<i32>} : memref<80xi32, #tpu.memory_space<vmem>>, vector<16xi32>,
    %swap3A_307 = vector.shape_cast %swap3A_306 : vector<16xi32> to vector<16xi32>
    %swap3A_308 = vector.shape_cast %add3A_304 : vector<16xi32> to vector<16xi32>
    tpu.vector_store %arg8[%swap3A_305], %swap3A_308 {strides = array<i32>} : memref<80xi32, #tpu.memory_space<vmem>>, vector<16xi32>,
    %get3A_309 = arith.constant 64 : index
    %get3A_310 = tpu.vector_load %arg20[%get3A_309] {strides = array<i32>} : memref<80xi32, #tpu.memory_space<vmem>>, vector<16xi32>,
    %get3A_311 = vector.shape_cast %get3A_310 : vector<16xi32> to vector<16xi32>
    %mul3A_312 = arith.constant 10000 : i32
    %mul3A_313 = vector.broadcast %mul3A_312 : i32 to vector<16xi32>
    %mul3A_314 = arith.muli %get3A_311, %mul3A_313 : vector<16xi32>
    %get3A_315 = arith.constant 64 : index
    %get3A_316 = tpu.vector_load %arg16[%get3A_315] {strides = array<i32>} : memref<80xi32, #tpu.memory_space<vmem>>, vector<16xi32>,
    %get3A_317 = vector.shape_cast %get3A_316 : vector<16xi32> to vector<16xi32>
    %add3A_318 = arith.addi %mul3A_314, %get3A_317 : vector<16xi32>
    %swap3A_319 = arith.constant 64 : index
    %swap3A_320 = tpu.vector_load %arg8[%swap3A_319] {strides = array<i32>} : memref<80xi32, #tpu.memory_space<vmem>>, vector<16xi32>,
    %swap3A_321 = vector.shape_cast %swap3A_320 : vector<16xi32> to vector<16xi32>
    %swap3A_322 = vector.shape_cast %add3A_318 : vector<16xi32> to vector<16xi32>
    tpu.vector_store %arg8[%swap3A_319], %swap3A_322 {strides = array<i32>} : memref<80xi32, #tpu.memory_space<vmem>>, vector<16xi32>,
    %dma_start3A_323 = arith.constant 0 : i32
    %dma_start3A_324 = arith.constant 0 : i32
    %dma_start3A_325 = tpu.memref_slice %arg2[%dma_start3A_323, %dma_start3A_324] : memref<240000x128xf32, #tpu.memory_space<hbm>> -> memref<240000x128xf32, #tpu.memory_space<hbm>>
    tpu.enqueue_indirect_dma source(%dma_start3A_325 : memref<240000x128xf32, #tpu.memory_space<hbm>>) target(%arg24 : memref<80x128xf32, #tpu.memory_space<vmem>>) offsets(%arg8 : memref<80xi32, #tpu.memory_space<vmem>>) semaphore(%arg33 : memref<!tpu.dma_semaphore, #tpu.memory_space<semaphore_mem>>)
    %mul3A_326 = arith.constant 10000 : i32
    %mul3A_327 = arith.muli %add3A, %mul3A_326 : i32
    %add3A_328 = arith.constant 240 : i32
    %add3A_329 = arith.addi %mul3A_327, %add3A_328 : i32
    %add3A_330 = arith.constant 320000 : i32
    %add3A_331 = arith.addi %add3A_330, %add3A_329 : i32
    %dma_wait3A_332 = tpu.memref_slice %arg3[%add3A_329] : memref<640000xi32, #tpu.memory_space<hbm>> -> memref<80xi32, #tpu.memory_space<hbm>>
    %dma_wait3A_333 = tpu.memref_slice %arg3[%add3A_329] : memref<640000xi32, #tpu.memory_space<hbm>> -> memref<80xi32, #tpu.memory_space<hbm>>
    tpu.wait_dma2 semaphore(%arg30 : memref<!tpu.dma_semaphore, #tpu.memory_space<semaphore_mem>>) src(%dma_wait3A_333 : memref<80xi32, #tpu.memory_space<hbm>>) dst(%arg13 : memref<80xi32, #tpu.memory_space<vmem>>)
    %dma_wait3A_334 = tpu.memref_slice %arg3[%add3A_331] : memref<640000xi32, #tpu.memory_space<hbm>> -> memref<80xi32, #tpu.memory_space<hbm>>
    %dma_wait3A_335 = tpu.memref_slice %arg3[%add3A_331] : memref<640000xi32, #tpu.memory_space<hbm>> -> memref<80xi32, #tpu.memory_space<hbm>>
    tpu.wait_dma2 semaphore(%arg30 : memref<!tpu.dma_semaphore, #tpu.memory_space<semaphore_mem>>) src(%dma_wait3A_335 : memref<80xi32, #tpu.memory_space<hbm>>) dst(%arg17 : memref<80xi32, #tpu.memory_space<vmem>>)
    %dma_wait3A_336 = tpu.memref_slice %arg4[%add3A_329] : memref<320000xi32, #tpu.memory_space<hbm>> -> memref<80xi32, #tpu.memory_space<hbm>>
    %dma_wait3A_337 = tpu.memref_slice %arg4[%add3A_329] : memref<320000xi32, #tpu.memory_space<hbm>> -> memref<80xi32, #tpu.memory_space<hbm>>
    tpu.wait_dma2 semaphore(%arg30 : memref<!tpu.dma_semaphore, #tpu.memory_space<semaphore_mem>>) src(%dma_wait3A_337 : memref<80xi32, #tpu.memory_space<hbm>>) dst(%arg21 : memref<80xi32, #tpu.memory_space<vmem>>)
    %get3A_338 = arith.constant 0 : index
    %get3A_339 = tpu.vector_load %arg21[%get3A_338] {strides = array<i32>} : memref<80xi32, #tpu.memory_space<vmem>>, vector<16xi32>,
    %get3A_340 = vector.shape_cast %get3A_339 : vector<16xi32> to vector<16xi32>
    %mul3A_341 = arith.constant 10000 : i32
    %mul3A_342 = vector.broadcast %mul3A_341 : i32 to vector<16xi32>
    %mul3A_343 = arith.muli %get3A_340, %mul3A_342 : vector<16xi32>
    %get3A_344 = arith.constant 0 : index
    %get3A_345 = tpu.vector_load %arg17[%get3A_344] {strides = array<i32>} : memref<80xi32, #tpu.memory_space<vmem>>, vector<16xi32>,
    %get3A_346 = vector.shape_cast %get3A_345 : vector<16xi32> to vector<16xi32>
    %add3A_347 = arith.addi %mul3A_343, %get3A_346 : vector<16xi32>
    %swap3A_348 = arith.constant 0 : index
    %swap3A_349 = tpu.vector_load %arg9[%swap3A_348] {strides = array<i32>} : memref<80xi32, #tpu.memory_space<vmem>>, vector<16xi32>,
    %swap3A_350 = vector.shape_cast %swap3A_349 : vector<16xi32> to vector<16xi32>
    %swap3A_351 = vector.shape_cast %add3A_347 : vector<16xi32> to vector<16xi32>
    tpu.vector_store %arg9[%swap3A_348], %swap3A_351 {strides = array<i32>} : memref<80xi32, #tpu.memory_space<vmem>>, vector<16xi32>,
    %get3A_352 = arith.constant 16 : index
    %get3A_353 = tpu.vector_load %arg21[%get3A_352] {strides = array<i32>} : memref<80xi32, #tpu.memory_space<vmem>>, vector<16xi32>,
    %get3A_354 = vector.shape_cast %get3A_353 : vector<16xi32> to vector<16xi32>
    %mul3A_355 = arith.constant 10000 : i32
    %mul3A_356 = vector.broadcast %mul3A_355 : i32 to vector<16xi32>
    %mul3A_357 = arith.muli %get3A_354, %mul3A_356 : vector<16xi32>
    %get3A_358 = arith.constant 16 : index
    %get3A_359 = tpu.vector_load %arg17[%get3A_358] {strides = array<i32>} : memref<80xi32, #tpu.memory_space<vmem>>, vector<16xi32>,
    %get3A_360 = vector.shape_cast %get3A_359 : vector<16xi32> to vector<16xi32>
    %add3A_361 = arith.addi %mul3A_357, %get3A_360 : vector<16xi32>
    %swap3A_362 = arith.constant 16 : index
    %swap3A_363 = tpu.vector_load %arg9[%swap3A_362] {strides = array<i32>} : memref<80xi32, #tpu.memory_space<vmem>>, vector<16xi32>,
    %swap3A_364 = vector.shape_cast %swap3A_363 : vector<16xi32> to vector<16xi32>
    %swap3A_365 = vector.shape_cast %add3A_361 : vector<16xi32> to vector<16xi32>
    tpu.vector_store %arg9[%swap3A_362], %swap3A_365 {strides = array<i32>} : memref<80xi32, #tpu.memory_space<vmem>>, vector<16xi32>,
    %get3A_366 = arith.constant 32 : index
    %get3A_367 = tpu.vector_load %arg21[%get3A_366] {strides = array<i32>} : memref<80xi32, #tpu.memory_space<vmem>>, vector<16xi32>,
    %get3A_368 = vector.shape_cast %get3A_367 : vector<16xi32> to vector<16xi32>
    %mul3A_369 = arith.constant 10000 : i32
    %mul3A_370 = vector.broadcast %mul3A_369 : i32 to vector<16xi32>
    %mul3A_371 = arith.muli %get3A_368, %mul3A_370 : vector<16xi32>
    %get3A_372 = arith.constant 32 : index
    %get3A_373 = tpu.vector_load %arg17[%get3A_372] {strides = array<i32>} : memref<80xi32, #tpu.memory_space<vmem>>, vector<16xi32>,
    %get3A_374 = vector.shape_cast %get3A_373 : vector<16xi32> to vector<16xi32>
    %add3A_375 = arith.addi %mul3A_371, %get3A_374 : vector<16xi32>
    %swap3A_376 = arith.constant 32 : index
    %swap3A_377 = tpu.vector_load %arg9[%swap3A_376] {strides = array<i32>} : memref<80xi32, #tpu.memory_space<vmem>>, vector<16xi32>,
    %swap3A_378 = vector.shape_cast %swap3A_377 : vector<16xi32> to vector<16xi32>
    %swap3A_379 = vector.shape_cast %add3A_375 : vector<16xi32> to vector<16xi32>
    tpu.vector_store %arg9[%swap3A_376], %swap3A_379 {strides = array<i32>} : memref<80xi32, #tpu.memory_space<vmem>>, vector<16xi32>,
    %get3A_380 = arith.constant 48 : index
    %get3A_381 = tpu.vector_load %arg21[%get3A_380] {strides = array<i32>} : memref<80xi32, #tpu.memory_space<vmem>>, vector<16xi32>,
    %get3A_382 = vector.shape_cast %get3A_381 : vector<16xi32> to vector<16xi32>
    %mul3A_383 = arith.constant 10000 : i32
    %mul3A_384 = vector.broadcast %mul3A_383 : i32 to vector<16xi32>
    %mul3A_385 = arith.muli %get3A_382, %mul3A_384 : vector<16xi32>
    %get3A_386 = arith.constant 48 : index
    %get3A_387 = tpu.vector_load %arg17[%get3A_386] {strides = array<i32>} : memref<80xi32, #tpu.memory_space<vmem>>, vector<16xi32>,
    %get3A_388 = vector.shape_cast %get3A_387 : vector<16xi32> to vector<16xi32>
    %add3A_389 = arith.addi %mul3A_385, %get3A_388 : vector<16xi32>
    %swap3A_390 = arith.constant 48 : index
    %swap3A_391 = tpu.vector_load %arg9[%swap3A_390] {strides = array<i32>} : memref<80xi32, #tpu.memory_space<vmem>>, vector<16xi32>,
    %swap3A_392 = vector.shape_cast %swap3A_391 : vector<16xi32> to vector<16xi32>
    %swap3A_393 = vector.shape_cast %add3A_389 : vector<16xi32> to vector<16xi32>
    tpu.vector_store %arg9[%swap3A_390], %swap3A_393 {strides = array<i32>} : memref<80xi32, #tpu.memory_space<vmem>>, vector<16xi32>,
    %get3A_394 = arith.constant 64 : index
    %get3A_395 = tpu.vector_load %arg21[%get3A_394] {strides = array<i32>} : memref<80xi32, #tpu.memory_space<vmem>>, vector<16xi32>,
    %get3A_396 = vector.shape_cast %get3A_395 : vector<16xi32> to vector<16xi32>
    %mul3A_397 = arith.constant 10000 : i32
    %mul3A_398 = vector.broadcast %mul3A_397 : i32 to vector<16xi32>
    %mul3A_399 = arith.muli %get3A_396, %mul3A_398 : vector<16xi32>
    %get3A_400 = arith.constant 64 : index
    %get3A_401 = tpu.vector_load %arg17[%get3A_400] {strides = array<i32>} : memref<80xi32, #tpu.memory_space<vmem>>, vector<16xi32>,
    %get3A_402 = vector.shape_cast %get3A_401 : vector<16xi32> to vector<16xi32>
    %add3A_403 = arith.addi %mul3A_399, %get3A_402 : vector<16xi32>
    %swap3A_404 = arith.constant 64 : index
    %swap3A_405 = tpu.vector_load %arg9[%swap3A_404] {strides = array<i32>} : memref<80xi32, #tpu.memory_space<vmem>>, vector<16xi32>,
    %swap3A_406 = vector.shape_cast %swap3A_405 : vector<16xi32> to vector<16xi32>
    %swap3A_407 = vector.shape_cast %add3A_403 : vector<16xi32> to vector<16xi32>
    tpu.vector_store %arg9[%swap3A_404], %swap3A_407 {strides = array<i32>} : memref<80xi32, #tpu.memory_space<vmem>>, vector<16xi32>,
    %dma_start3A_408 = arith.constant 0 : i32
    %dma_start3A_409 = arith.constant 0 : i32
    %dma_start3A_410 = tpu.memref_slice %arg2[%dma_start3A_408, %dma_start3A_409] : memref<240000x128xf32, #tpu.memory_space<hbm>> -> memref<240000x128xf32, #tpu.memory_space<hbm>>
    tpu.enqueue_indirect_dma source(%dma_start3A_410 : memref<240000x128xf32, #tpu.memory_space<hbm>>) target(%arg25 : memref<80x128xf32, #tpu.memory_space<vmem>>) offsets(%arg9 : memref<80xi32, #tpu.memory_space<vmem>>) semaphore(%arg34 : memref<!tpu.dma_semaphore, #tpu.memory_space<semaphore_mem>>)
    %dma_wait3A_411 = arith.constant 0 : i32
    %dma_wait3A_412 = arith.constant 0 : i32
    %dma_wait3A_413 = tpu.memref_slice %arg2[%dma_wait3A_411, %dma_wait3A_412] : memref<240000x128xf32, #tpu.memory_space<hbm>> -> memref<240000x128xf32, #tpu.memory_space<hbm>>
    tpu.wait_indirect_dma semaphore(%arg31 : memref<!tpu.dma_semaphore, #tpu.memory_space<semaphore_mem>>) src(%dma_wait3A_413 : memref<240000x128xf32, #tpu.memory_space<hbm>>) dst(%arg22 : memref<80x128xf32, #tpu.memory_space<vmem>>)
    %dma_start3A_414 = arith.constant 0 : i32
    %dma_start3A_415 = arith.constant 0 : i32
    %dma_start3A_416 = tpu.memref_slice %arg26[%dma_start3A_414, %dma_start3A_415] : memref<10000x128xf32, #tpu.memory_space<vmem_shared>> -> memref<10000x128xf32, #tpu.memory_space<vmem_shared>>
    tpu.enqueue_indirect_dma source(%arg22 : memref<80x128xf32, #tpu.memory_space<vmem>>) target(%dma_start3A_416 : memref<10000x128xf32, #tpu.memory_space<vmem_shared>>) offsets(%arg10 : memref<80xi32, #tpu.memory_space<vmem>>) semaphore(%arg35 : memref<!tpu.dma_semaphore, #tpu.memory_space<semaphore_mem>>) {add = true}
    %dma_wait3A_417 = arith.constant 0 : i32
    %dma_wait3A_418 = arith.constant 0 : i32
    %dma_wait3A_419 = tpu.memref_slice %arg2[%dma_wait3A_417, %dma_wait3A_418] : memref<240000x128xf32, #tpu.memory_space<hbm>> -> memref<240000x128xf32, #tpu.memory_space<hbm>>
    tpu.wait_indirect_dma semaphore(%arg32 : memref<!tpu.dma_semaphore, #tpu.memory_space<semaphore_mem>>) src(%dma_wait3A_419 : memref<240000x128xf32, #tpu.memory_space<hbm>>) dst(%arg23 : memref<80x128xf32, #tpu.memory_space<vmem>>)
    %dma_start3A_420 = arith.constant 0 : i32
    %dma_start3A_421 = arith.constant 0 : i32
    %dma_start3A_422 = tpu.memref_slice %arg26[%dma_start3A_420, %dma_start3A_421] : memref<10000x128xf32, #tpu.memory_space<vmem_shared>> -> memref<10000x128xf32, #tpu.memory_space<vmem_shared>>
    tpu.enqueue_indirect_dma source(%arg23 : memref<80x128xf32, #tpu.memory_space<vmem>>) target(%dma_start3A_422 : memref<10000x128xf32, #tpu.memory_space<vmem_shared>>) offsets(%arg11 : memref<80xi32, #tpu.memory_space<vmem>>) semaphore(%arg36 : memref<!tpu.dma_semaphore, #tpu.memory_space<semaphore_mem>>) {add = true}
    %dma_wait3A_423 = arith.constant 0 : i32
    %dma_wait3A_424 = arith.constant 0 : i32
    %dma_wait3A_425 = tpu.memref_slice %arg2[%dma_wait3A_423, %dma_wait3A_424] : memref<240000x128xf32, #tpu.memory_space<hbm>> -> memref<240000x128xf32, #tpu.memory_space<hbm>>
    tpu.wait_indirect_dma semaphore(%arg33 : memref<!tpu.dma_semaphore, #tpu.memory_space<semaphore_mem>>) src(%dma_wait3A_425 : memref<240000x128xf32, #tpu.memory_space<hbm>>) dst(%arg24 : memref<80x128xf32, #tpu.memory_space<vmem>>)
    %dma_start3A_426 = arith.constant 0 : i32
    %dma_start3A_427 = arith.constant 0 : i32
    %dma_start3A_428 = tpu.memref_slice %arg26[%dma_start3A_426, %dma_start3A_427] : memref<10000x128xf32, #tpu.memory_space<vmem_shared>> -> memref<10000x128xf32, #tpu.memory_space<vmem_shared>>
    tpu.enqueue_indirect_dma source(%arg24 : memref<80x128xf32, #tpu.memory_space<vmem>>) target(%dma_start3A_428 : memref<10000x128xf32, #tpu.memory_space<vmem_shared>>) offsets(%arg12 : memref<80xi32, #tpu.memory_space<vmem>>) semaphore(%arg37 : memref<!tpu.dma_semaphore, #tpu.memory_space<semaphore_mem>>) {add = true}
    %dma_wait3A_429 = arith.constant 0 : i32
    %dma_wait3A_430 = arith.constant 0 : i32
    %dma_wait3A_431 = tpu.memref_slice %arg2[%dma_wait3A_429, %dma_wait3A_430] : memref<240000x128xf32, #tpu.memory_space<hbm>> -> memref<240000x128xf32, #tpu.memory_space<hbm>>
    tpu.wait_indirect_dma semaphore(%arg34 : memref<!tpu.dma_semaphore, #tpu.memory_space<semaphore_mem>>) src(%dma_wait3A_431 : memref<240000x128xf32, #tpu.memory_space<hbm>>) dst(%arg25 : memref<80x128xf32, #tpu.memory_space<vmem>>)
    %dma_start3A_432 = arith.constant 0 : i32
    %dma_start3A_433 = arith.constant 0 : i32
    %dma_start3A_434 = tpu.memref_slice %arg26[%dma_start3A_432, %dma_start3A_433] : memref<10000x128xf32, #tpu.memory_space<vmem_shared>> -> memref<10000x128xf32, #tpu.memory_space<vmem_shared>>
    tpu.enqueue_indirect_dma source(%arg25 : memref<80x128xf32, #tpu.memory_space<vmem>>) target(%dma_start3A_434 : memref<10000x128xf32, #tpu.memory_space<vmem_shared>>) offsets(%arg13 : memref<80xi32, #tpu.memory_space<vmem>>) semaphore(%arg38 : memref<!tpu.dma_semaphore, #tpu.memory_space<semaphore_mem>>) {add = true}
    %scan3A_435 = arith.constant 0 : i32
    %scan3A_436 = arith.constant 1 : i32
    %scan3A_437 = arith.constant 30 : i32
    %scan3A_438 = arith.addi %scan3A_436, %scan3A_437 : i32
    %scan3A_439 = arith.constant 1 : i32
    %scan3A_440 = scf.for %scan3A_566 = %scan3A_436 to %scan3A_438 step %scan3A_439 iter_args(%scan3A_567 = %scan3A_435) -> (i32)  : i32 {
      %mul3A_568 = arith.constant 4 : i32
      %mul3A_569 = arith.muli %scan3A_566, %mul3A_568 : i32
      %dma_wait3A_570 = arith.constant 0 : i32
      %dma_wait3A_571 = arith.constant 0 : i32
      %dma_wait3A_572 = tpu.memref_slice %arg26[%dma_wait3A_570, %dma_wait3A_571] : memref<10000x128xf32, #tpu.memory_space<vmem_shared>> -> memref<10000x128xf32, #tpu.memory_space<vmem_shared>>
      tpu.wait_indirect_dma semaphore(%arg35 : memref<!tpu.dma_semaphore, #tpu.memory_space<semaphore_mem>>) src(%arg22 : memref<80x128xf32, #tpu.memory_space<vmem>>) dst(%dma_wait3A_572 : memref<10000x128xf32, #tpu.memory_space<vmem_shared>>)
      %add3A_573 = arith.constant 0 : i32
      %add3A_574 = arith.addi %mul3A_569, %add3A_573 : i32
      %mul3A_575 = arith.constant 10000 : i32
      %mul3A_576 = arith.muli %add3A, %mul3A_575 : i32
      %mul3A_577 = arith.constant 80 : i32
      %mul3A_578 = arith.muli %add3A_574, %mul3A_577 : i32
      %add3A_579 = arith.addi %mul3A_576, %mul3A_578 : i32
      %add3A_580 = arith.constant 320000 : i32
      %add3A_581 = arith.addi %add3A_580, %add3A_579 : i32
      %dma_start3A_582 = tpu.memref_slice %arg3[%add3A_579] : memref<640000xi32, #tpu.memory_space<hbm>> -> memref<80xi32, #tpu.memory_space<hbm>>
      %dma_start3A_583 = tpu.memref_slice %arg3[%add3A_579] : memref<640000xi32, #tpu.memory_space<hbm>> -> memref<80xi32, #tpu.memory_space<hbm>>
      tpu.enqueue_dma source(%dma_start3A_583 : memref<80xi32, #tpu.memory_space<hbm>>) target(%arg10 : memref<80xi32, #tpu.memory_space<vmem>>) target_semaphore(%arg27 : memref<!tpu.dma_semaphore, #tpu.memory_space<semaphore_mem>>)
      %dma_start3A_584 = tpu.memref_slice %arg3[%add3A_581] : memref<640000xi32, #tpu.memory_space<hbm>> -> memref<80xi32, #tpu.memory_space<hbm>>
      %dma_start3A_585 = tpu.memref_slice %arg3[%add3A_581] : memref<640000xi32, #tpu.memory_space<hbm>> -> memref<80xi32, #tpu.memory_space<hbm>>
      tpu.enqueue_dma source(%dma_start3A_585 : memref<80xi32, #tpu.memory_space<hbm>>) target(%arg14 : memref<80xi32, #tpu.memory_space<vmem>>) target_semaphore(%arg27 : memref<!tpu.dma_semaphore, #tpu.memory_space<semaphore_mem>>)
      %dma_start3A_586 = tpu.memref_slice %arg4[%add3A_579] : memref<320000xi32, #tpu.memory_space<hbm>> -> memref<80xi32, #tpu.memory_space<hbm>>
      %dma_start3A_587 = tpu.memref_slice %arg4[%add3A_579] : memref<320000xi32, #tpu.memory_space<hbm>> -> memref<80xi32, #tpu.memory_space<hbm>>
      tpu.enqueue_dma source(%dma_start3A_587 : memref<80xi32, #tpu.memory_space<hbm>>) target(%arg18 : memref<80xi32, #tpu.memory_space<vmem>>) target_semaphore(%arg27 : memref<!tpu.dma_semaphore, #tpu.memory_space<semaphore_mem>>)
      %dma_wait3A_588 = arith.constant 0 : i32
      %dma_wait3A_589 = arith.constant 0 : i32
      %dma_wait3A_590 = tpu.memref_slice %arg26[%dma_wait3A_588, %dma_wait3A_589] : memref<10000x128xf32, #tpu.memory_space<vmem_shared>> -> memref<10000x128xf32, #tpu.memory_space<vmem_shared>>
      tpu.wait_indirect_dma semaphore(%arg36 : memref<!tpu.dma_semaphore, #tpu.memory_space<semaphore_mem>>) src(%arg23 : memref<80x128xf32, #tpu.memory_space<vmem>>) dst(%dma_wait3A_590 : memref<10000x128xf32, #tpu.memory_space<vmem_shared>>)
      %add3A_591 = arith.constant 1 : i32
      %add3A_592 = arith.addi %mul3A_569, %add3A_591 : i32
      %mul3A_593 = arith.constant 10000 : i32
      %mul3A_594 = arith.muli %add3A, %mul3A_593 : i32
      %mul3A_595 = arith.constant 80 : i32
      %mul3A_596 = arith.muli %add3A_592, %mul3A_595 : i32
      %add3A_597 = arith.addi %mul3A_594, %mul3A_596 : i32
      %add3A_598 = arith.constant 320000 : i32
      %add3A_599 = arith.addi %add3A_598, %add3A_597 : i32
      %dma_start3A_600 = tpu.memref_slice %arg3[%add3A_597] : memref<640000xi32, #tpu.memory_space<hbm>> -> memref<80xi32, #tpu.memory_space<hbm>>
      %dma_start3A_601 = tpu.memref_slice %arg3[%add3A_597] : memref<640000xi32, #tpu.memory_space<hbm>> -> memref<80xi32, #tpu.memory_space<hbm>>
      tpu.enqueue_dma source(%dma_start3A_601 : memref<80xi32, #tpu.memory_space<hbm>>) target(%arg11 : memref<80xi32, #tpu.memory_space<vmem>>) target_semaphore(%arg28 : memref<!tpu.dma_semaphore, #tpu.memory_space<semaphore_mem>>)
      %dma_start3A_602 = tpu.memref_slice %arg3[%add3A_599] : memref<640000xi32, #tpu.memory_space<hbm>> -> memref<80xi32, #tpu.memory_space<hbm>>
      %dma_start3A_603 = tpu.memref_slice %arg3[%add3A_599] : memref<640000xi32, #tpu.memory_space<hbm>> -> memref<80xi32, #tpu.memory_space<hbm>>
      tpu.enqueue_dma source(%dma_start3A_603 : memref<80xi32, #tpu.memory_space<hbm>>) target(%arg15 : memref<80xi32, #tpu.memory_space<vmem>>) target_semaphore(%arg28 : memref<!tpu.dma_semaphore, #tpu.memory_space<semaphore_mem>>)
      %dma_start3A_604 = tpu.memref_slice %arg4[%add3A_597] : memref<320000xi32, #tpu.memory_space<hbm>> -> memref<80xi32, #tpu.memory_space<hbm>>
      %dma_start3A_605 = tpu.memref_slice %arg4[%add3A_597] : memref<320000xi32, #tpu.memory_space<hbm>> -> memref<80xi32, #tpu.memory_space<hbm>>
      tpu.enqueue_dma source(%dma_start3A_605 : memref<80xi32, #tpu.memory_space<hbm>>) target(%arg19 : memref<80xi32, #tpu.memory_space<vmem>>) target_semaphore(%arg28 : memref<!tpu.dma_semaphore, #tpu.memory_space<semaphore_mem>>)
      %dma_wait3A_606 = arith.constant 0 : i32
      %dma_wait3A_607 = arith.constant 0 : i32
      %dma_wait3A_608 = tpu.memref_slice %arg26[%dma_wait3A_606, %dma_wait3A_607] : memref<10000x128xf32, #tpu.memory_space<vmem_shared>> -> memref<10000x128xf32, #tpu.memory_space<vmem_shared>>
      tpu.wait_indirect_dma semaphore(%arg37 : memref<!tpu.dma_semaphore, #tpu.memory_space<semaphore_mem>>) src(%arg24 : memref<80x128xf32, #tpu.memory_space<vmem>>) dst(%dma_wait3A_608 : memref<10000x128xf32, #tpu.memory_space<vmem_shared>>)
      %add3A_609 = arith.constant 2 : i32
      %add3A_610 = arith.addi %mul3A_569, %add3A_609 : i32
      %mul3A_611 = arith.constant 10000 : i32
      %mul3A_612 = arith.muli %add3A, %mul3A_611 : i32
      %mul3A_613 = arith.constant 80 : i32
      %mul3A_614 = arith.muli %add3A_610, %mul3A_613 : i32
      %add3A_615 = arith.addi %mul3A_612, %mul3A_614 : i32
      %add3A_616 = arith.constant 320000 : i32
      %add3A_617 = arith.addi %add3A_616, %add3A_615 : i32
      %dma_start3A_618 = tpu.memref_slice %arg3[%add3A_615] : memref<640000xi32, #tpu.memory_space<hbm>> -> memref<80xi32, #tpu.memory_space<hbm>>
      %dma_start3A_619 = tpu.memref_slice %arg3[%add3A_615] : memref<640000xi32, #tpu.memory_space<hbm>> -> memref<80xi32, #tpu.memory_space<hbm>>
      tpu.enqueue_dma source(%dma_start3A_619 : memref<80xi32, #tpu.memory_space<hbm>>) target(%arg12 : memref<80xi32, #tpu.memory_space<vmem>>) target_semaphore(%arg29 : memref<!tpu.dma_semaphore, #tpu.memory_space<semaphore_mem>>)
      %dma_start3A_620 = tpu.memref_slice %arg3[%add3A_617] : memref<640000xi32, #tpu.memory_space<hbm>> -> memref<80xi32, #tpu.memory_space<hbm>>
      %dma_start3A_621 = tpu.memref_slice %arg3[%add3A_617] : memref<640000xi32, #tpu.memory_space<hbm>> -> memref<80xi32, #tpu.memory_space<hbm>>
      tpu.enqueue_dma source(%dma_start3A_621 : memref<80xi32, #tpu.memory_space<hbm>>) target(%arg16 : memref<80xi32, #tpu.memory_space<vmem>>) target_semaphore(%arg29 : memref<!tpu.dma_semaphore, #tpu.memory_space<semaphore_mem>>)
      %dma_start3A_622 = tpu.memref_slice %arg4[%add3A_615] : memref<320000xi32, #tpu.memory_space<hbm>> -> memref<80xi32, #tpu.memory_space<hbm>>
      %dma_start3A_623 = tpu.memref_slice %arg4[%add3A_615] : memref<320000xi32, #tpu.memory_space<hbm>> -> memref<80xi32, #tpu.memory_space<hbm>>
      tpu.enqueue_dma source(%dma_start3A_623 : memref<80xi32, #tpu.memory_space<hbm>>) target(%arg20 : memref<80xi32, #tpu.memory_space<vmem>>) target_semaphore(%arg29 : memref<!tpu.dma_semaphore, #tpu.memory_space<semaphore_mem>>)
      %dma_wait3A_624 = arith.constant 0 : i32
      %dma_wait3A_625 = arith.constant 0 : i32
      %dma_wait3A_626 = tpu.memref_slice %arg26[%dma_wait3A_624, %dma_wait3A_625] : memref<10000x128xf32, #tpu.memory_space<vmem_shared>> -> memref<10000x128xf32, #tpu.memory_space<vmem_shared>>
      tpu.wait_indirect_dma semaphore(%arg38 : memref<!tpu.dma_semaphore, #tpu.memory_space<semaphore_mem>>) src(%arg25 : memref<80x128xf32, #tpu.memory_space<vmem>>) dst(%dma_wait3A_626 : memref<10000x128xf32, #tpu.memory_space<vmem_shared>>)
      %add3A_627 = arith.constant 3 : i32
      %add3A_628 = arith.addi %mul3A_569, %add3A_627 : i32
      %mul3A_629 = arith.constant 10000 : i32
      %mul3A_630 = arith.muli %add3A, %mul3A_629 : i32
      %mul3A_631 = arith.constant 80 : i32
      %mul3A_632 = arith.muli %add3A_628, %mul3A_631 : i32
      %add3A_633 = arith.addi %mul3A_630, %mul3A_632 : i32
      %add3A_634 = arith.constant 320000 : i32
      %add3A_635 = arith.addi %add3A_634, %add3A_633 : i32
      %dma_start3A_636 = tpu.memref_slice %arg3[%add3A_633] : memref<640000xi32, #tpu.memory_space<hbm>> -> memref<80xi32, #tpu.memory_space<hbm>>
      %dma_start3A_637 = tpu.memref_slice %arg3[%add3A_633] : memref<640000xi32, #tpu.memory_space<hbm>> -> memref<80xi32, #tpu.memory_space<hbm>>
      tpu.enqueue_dma source(%dma_start3A_637 : memref<80xi32, #tpu.memory_space<hbm>>) target(%arg13 : memref<80xi32, #tpu.memory_space<vmem>>) target_semaphore(%arg30 : memref<!tpu.dma_semaphore, #tpu.memory_space<semaphore_mem>>)
      %dma_start3A_638 = tpu.memref_slice %arg3[%add3A_635] : memref<640000xi32, #tpu.memory_space<hbm>> -> memref<80xi32, #tpu.memory_space<hbm>>
      %dma_start3A_639 = tpu.memref_slice %arg3[%add3A_635] : memref<640000xi32, #tpu.memory_space<hbm>> -> memref<80xi32, #tpu.memory_space<hbm>>
      tpu.enqueue_dma source(%dma_start3A_639 : memref<80xi32, #tpu.memory_space<hbm>>) target(%arg17 : memref<80xi32, #tpu.memory_space<vmem>>) target_semaphore(%arg30 : memref<!tpu.dma_semaphore, #tpu.memory_space<semaphore_mem>>)
      %dma_start3A_640 = tpu.memref_slice %arg4[%add3A_633] : memref<320000xi32, #tpu.memory_space<hbm>> -> memref<80xi32, #tpu.memory_space<hbm>>
      %dma_start3A_641 = tpu.memref_slice %arg4[%add3A_633] : memref<320000xi32, #tpu.memory_space<hbm>> -> memref<80xi32, #tpu.memory_space<hbm>>
      tpu.enqueue_dma source(%dma_start3A_641 : memref<80xi32, #tpu.memory_space<hbm>>) target(%arg21 : memref<80xi32, #tpu.memory_space<vmem>>) target_semaphore(%arg30 : memref<!tpu.dma_semaphore, #tpu.memory_space<semaphore_mem>>)
      %add3A_642 = arith.constant 0 : i32
      %add3A_643 = arith.addi %mul3A_569, %add3A_642 : i32
      %mul3A_644 = arith.constant 10000 : i32
      %mul3A_645 = arith.muli %add3A, %mul3A_644 : i32
      %mul3A_646 = arith.constant 80 : i32
      %mul3A_647 = arith.muli %add3A_643, %mul3A_646 : i32
      %add3A_648 = arith.addi %mul3A_645, %mul3A_647 : i32
      %add3A_649 = arith.constant 320000 : i32
      %add3A_650 = arith.addi %add3A_649, %add3A_648 : i32
      %dma_wait3A_651 = tpu.memref_slice %arg3[%add3A_648] : memref<640000xi32, #tpu.memory_space<hbm>> -> memref<80xi32, #tpu.memory_space<hbm>>
      %dma_wait3A_652 = tpu.memref_slice %arg3[%add3A_648] : memref<640000xi32, #tpu.memory_space<hbm>> -> memref<80xi32, #tpu.memory_space<hbm>>
      tpu.wait_dma2 semaphore(%arg27 : memref<!tpu.dma_semaphore, #tpu.memory_space<semaphore_mem>>) src(%dma_wait3A_652 : memref<80xi32, #tpu.memory_space<hbm>>) dst(%arg10 : memref<80xi32, #tpu.memory_space<vmem>>)
      %dma_wait3A_653 = tpu.memref_slice %arg3[%add3A_650] : memref<640000xi32, #tpu.memory_space<hbm>> -> memref<80xi32, #tpu.memory_space<hbm>>
      %dma_wait3A_654 = tpu.memref_slice %arg3[%add3A_650] : memref<640000xi32, #tpu.memory_space<hbm>> -> memref<80xi32, #tpu.memory_space<hbm>>
      tpu.wait_dma2 semaphore(%arg27 : memref<!tpu.dma_semaphore, #tpu.memory_space<semaphore_mem>>) src(%dma_wait3A_654 : memref<80xi32, #tpu.memory_space<hbm>>) dst(%arg14 : memref<80xi32, #tpu.memory_space<vmem>>)
      %dma_wait3A_655 = tpu.memref_slice %arg4[%add3A_648] : memref<320000xi32, #tpu.memory_space<hbm>> -> memref<80xi32, #tpu.memory_space<hbm>>
      %dma_wait3A_656 = tpu.memref_slice %arg4[%add3A_648] : memref<320000xi32, #tpu.memory_space<hbm>> -> memref<80xi32, #tpu.memory_space<hbm>>
      tpu.wait_dma2 semaphore(%arg27 : memref<!tpu.dma_semaphore, #tpu.memory_space<semaphore_mem>>) src(%dma_wait3A_656 : memref<80xi32, #tpu.memory_space<hbm>>) dst(%arg18 : memref<80xi32, #tpu.memory_space<vmem>>)
      %get3A_657 = arith.constant 0 : index
      %get3A_658 = tpu.vector_load %arg18[%get3A_657] {strides = array<i32>} : memref<80xi32, #tpu.memory_space<vmem>>, vector<16xi32>,
      %get3A_659 = vector.shape_cast %get3A_658 : vector<16xi32> to vector<16xi32>
      %mul3A_660 = arith.constant 10000 : i32
      %mul3A_661 = vector.broadcast %mul3A_660 : i32 to vector<16xi32>
      %mul3A_662 = arith.muli %get3A_659, %mul3A_661 : vector<16xi32>
      %get3A_663 = arith.constant 0 : index
      %get3A_664 = tpu.vector_load %arg14[%get3A_663] {strides = array<i32>} : memref<80xi32, #tpu.memory_space<vmem>>, vector<16xi32>,
      %get3A_665 = vector.shape_cast %get3A_664 : vector<16xi32> to vector<16xi32>
      %add3A_666 = arith.addi %mul3A_662, %get3A_665 : vector<16xi32>
      %swap3A_667 = arith.constant 0 : index
      %swap3A_668 = tpu.vector_load %arg6[%swap3A_667] {strides = array<i32>} : memref<80xi32, #tpu.memory_space<vmem>>, vector<16xi32>,
      %swap3A_669 = vector.shape_cast %swap3A_668 : vector<16xi32> to vector<16xi32>
      %swap3A_670 = vector.shape_cast %add3A_666 : vector<16xi32> to vector<16xi32>
      tpu.vector_store %arg6[%swap3A_667], %swap3A_670 {strides = array<i32>} : memref<80xi32, #tpu.memory_space<vmem>>, vector<16xi32>,
      %get3A_671 = arith.constant 16 : index
      %get3A_672 = tpu.vector_load %arg18[%get3A_671] {strides = array<i32>} : memref<80xi32, #tpu.memory_space<vmem>>, vector<16xi32>,
      %get3A_673 = vector.shape_cast %get3A_672 : vector<16xi32> to vector<16xi32>
      %mul3A_674 = arith.constant 10000 : i32
      %mul3A_675 = vector.broadcast %mul3A_674 : i32 to vector<16xi32>
      %mul3A_676 = arith.muli %get3A_673, %mul3A_675 : vector<16xi32>
      %get3A_677 = arith.constant 16 : index
      %get3A_678 = tpu.vector_load %arg14[%get3A_677] {strides = array<i32>} : memref<80xi32, #tpu.memory_space<vmem>>, vector<16xi32>,
      %get3A_679 = vector.shape_cast %get3A_678 : vector<16xi32> to vector<16xi32>
      %add3A_680 = arith.addi %mul3A_676, %get3A_679 : vector<16xi32>
      %swap3A_681 = arith.constant 16 : index
      %swap3A_682 = tpu.vector_load %arg6[%swap3A_681] {strides = array<i32>} : memref<80xi32, #tpu.memory_space<vmem>>, vector<16xi32>,
      %swap3A_683 = vector.shape_cast %swap3A_682 : vector<16xi32> to vector<16xi32>
      %swap3A_684 = vector.shape_cast %add3A_680 : vector<16xi32> to vector<16xi32>
      tpu.vector_store %arg6[%swap3A_681], %swap3A_684 {strides = array<i32>} : memref<80xi32, #tpu.memory_space<vmem>>, vector<16xi32>,
      %get3A_685 = arith.constant 32 : index
      %get3A_686 = tpu.vector_load %arg18[%get3A_685] {strides = array<i32>} : memref<80xi32, #tpu.memory_space<vmem>>, vector<16xi32>,
      %get3A_687 = vector.shape_cast %get3A_686 : vector<16xi32> to vector<16xi32>
      %mul3A_688 = arith.constant 10000 : i32
      %mul3A_689 = vector.broadcast %mul3A_688 : i32 to vector<16xi32>
      %mul3A_690 = arith.muli %get3A_687, %mul3A_689 : vector<16xi32>
      %get3A_691 = arith.constant 32 : index
      %get3A_692 = tpu.vector_load %arg14[%get3A_691] {strides = array<i32>} : memref<80xi32, #tpu.memory_space<vmem>>, vector<16xi32>,
      %get3A_693 = vector.shape_cast %get3A_692 : vector<16xi32> to vector<16xi32>
      %add3A_694 = arith.addi %mul3A_690, %get3A_693 : vector<16xi32>
      %swap3A_695 = arith.constant 32 : index
      %swap3A_696 = tpu.vector_load %arg6[%swap3A_695] {strides = array<i32>} : memref<80xi32, #tpu.memory_space<vmem>>, vector<16xi32>,
      %swap3A_697 = vector.shape_cast %swap3A_696 : vector<16xi32> to vector<16xi32>
      %swap3A_698 = vector.shape_cast %add3A_694 : vector<16xi32> to vector<16xi32>
      tpu.vector_store %arg6[%swap3A_695], %swap3A_698 {strides = array<i32>} : memref<80xi32, #tpu.memory_space<vmem>>, vector<16xi32>,
      %get3A_699 = arith.constant 48 : index
      %get3A_700 = tpu.vector_load %arg18[%get3A_699] {strides = array<i32>} : memref<80xi32, #tpu.memory_space<vmem>>, vector<16xi32>,
      %get3A_701 = vector.shape_cast %get3A_700 : vector<16xi32> to vector<16xi32>
      %mul3A_702 = arith.constant 10000 : i32
      %mul3A_703 = vector.broadcast %mul3A_702 : i32 to vector<16xi32>
      %mul3A_704 = arith.muli %get3A_701, %mul3A_703 : vector<16xi32>
      %get3A_705 = arith.constant 48 : index
      %get3A_706 = tpu.vector_load %arg14[%get3A_705] {strides = array<i32>} : memref<80xi32, #tpu.memory_space<vmem>>, vector<16xi32>,
      %get3A_707 = vector.shape_cast %get3A_706 : vector<16xi32> to vector<16xi32>
      %add3A_708 = arith.addi %mul3A_704, %get3A_707 : vector<16xi32>
      %swap3A_709 = arith.constant 48 : index
      %swap3A_710 = tpu.vector_load %arg6[%swap3A_709] {strides = array<i32>} : memref<80xi32, #tpu.memory_space<vmem>>, vector<16xi32>,
      %swap3A_711 = vector.shape_cast %swap3A_710 : vector<16xi32> to vector<16xi32>
      %swap3A_712 = vector.shape_cast %add3A_708 : vector<16xi32> to vector<16xi32>
      tpu.vector_store %arg6[%swap3A_709], %swap3A_712 {strides = array<i32>} : memref<80xi32, #tpu.memory_space<vmem>>, vector<16xi32>,
      %get3A_713 = arith.constant 64 : index
      %get3A_714 = tpu.vector_load %arg18[%get3A_713] {strides = array<i32>} : memref<80xi32, #tpu.memory_space<vmem>>, vector<16xi32>,
      %get3A_715 = vector.shape_cast %get3A_714 : vector<16xi32> to vector<16xi32>
      %mul3A_716 = arith.constant 10000 : i32
      %mul3A_717 = vector.broadcast %mul3A_716 : i32 to vector<16xi32>
      %mul3A_718 = arith.muli %get3A_715, %mul3A_717 : vector<16xi32>
      %get3A_719 = arith.constant 64 : index
      %get3A_720 = tpu.vector_load %arg14[%get3A_719] {strides = array<i32>} : memref<80xi32, #tpu.memory_space<vmem>>, vector<16xi32>,
      %get3A_721 = vector.shape_cast %get3A_720 : vector<16xi32> to vector<16xi32>
      %add3A_722 = arith.addi %mul3A_718, %get3A_721 : vector<16xi32>
      %swap3A_723 = arith.constant 64 : index
      %swap3A_724 = tpu.vector_load %arg6[%swap3A_723] {strides = array<i32>} : memref<80xi32, #tpu.memory_space<vmem>>, vector<16xi32>,
      %swap3A_725 = vector.shape_cast %swap3A_724 : vector<16xi32> to vector<16xi32>
      %swap3A_726 = vector.shape_cast %add3A_722 : vector<16xi32> to vector<16xi32>
      tpu.vector_store %arg6[%swap3A_723], %swap3A_726 {strides = array<i32>} : memref<80xi32, #tpu.memory_space<vmem>>, vector<16xi32>,
      %dma_start3A_727 = arith.constant 0 : i32
      %dma_start3A_728 = arith.constant 0 : i32
      %dma_start3A_729 = tpu.memref_slice %arg2[%dma_start3A_727, %dma_start3A_728] : memref<240000x128xf32, #tpu.memory_space<hbm>> -> memref<240000x128xf32, #tpu.memory_space<hbm>>
      tpu.enqueue_indirect_dma source(%dma_start3A_729 : memref<240000x128xf32, #tpu.memory_space<hbm>>) target(%arg22 : memref<80x128xf32, #tpu.memory_space<vmem>>) offsets(%arg6 : memref<80xi32, #tpu.memory_space<vmem>>) semaphore(%arg31 : memref<!tpu.dma_semaphore, #tpu.memory_space<semaphore_mem>>)
      %add3A_730 = arith.constant 1 : i32
      %add3A_731 = arith.addi %mul3A_569, %add3A_730 : i32
      %mul3A_732 = arith.constant 10000 : i32
      %mul3A_733 = arith.muli %add3A, %mul3A_732 : i32
      %mul3A_734 = arith.constant 80 : i32
      %mul3A_735 = arith.muli %add3A_731, %mul3A_734 : i32
      %add3A_736 = arith.addi %mul3A_733, %mul3A_735 : i32
      %add3A_737 = arith.constant 320000 : i32
      %add3A_738 = arith.addi %add3A_737, %add3A_736 : i32
      %dma_wait3A_739 = tpu.memref_slice %arg3[%add3A_736] : memref<640000xi32, #tpu.memory_space<hbm>> -> memref<80xi32, #tpu.memory_space<hbm>>
      %dma_wait3A_740 = tpu.memref_slice %arg3[%add3A_736] : memref<640000xi32, #tpu.memory_space<hbm>> -> memref<80xi32, #tpu.memory_space<hbm>>
      tpu.wait_dma2 semaphore(%arg28 : memref<!tpu.dma_semaphore, #tpu.memory_space<semaphore_mem>>) src(%dma_wait3A_740 : memref<80xi32, #tpu.memory_space<hbm>>) dst(%arg11 : memref<80xi32, #tpu.memory_space<vmem>>)
      %dma_wait3A_741 = tpu.memref_slice %arg3[%add3A_738] : memref<640000xi32, #tpu.memory_space<hbm>> -> memref<80xi32, #tpu.memory_space<hbm>>
      %dma_wait3A_742 = tpu.memref_slice %arg3[%add3A_738] : memref<640000xi32, #tpu.memory_space<hbm>> -> memref<80xi32, #tpu.memory_space<hbm>>
      tpu.wait_dma2 semaphore(%arg28 : memref<!tpu.dma_semaphore, #tpu.memory_space<semaphore_mem>>) src(%dma_wait3A_742 : memref<80xi32, #tpu.memory_space<hbm>>) dst(%arg15 : memref<80xi32, #tpu.memory_space<vmem>>)
      %dma_wait3A_743 = tpu.memref_slice %arg4[%add3A_736] : memref<320000xi32, #tpu.memory_space<hbm>> -> memref<80xi32, #tpu.memory_space<hbm>>
      %dma_wait3A_744 = tpu.memref_slice %arg4[%add3A_736] : memref<320000xi32, #tpu.memory_space<hbm>> -> memref<80xi32, #tpu.memory_space<hbm>>
      tpu.wait_dma2 semaphore(%arg28 : memref<!tpu.dma_semaphore, #tpu.memory_space<semaphore_mem>>) src(%dma_wait3A_744 : memref<80xi32, #tpu.memory_space<hbm>>) dst(%arg19 : memref<80xi32, #tpu.memory_space<vmem>>)
      %get3A_745 = arith.constant 0 : index
      %get3A_746 = tpu.vector_load %arg19[%get3A_745] {strides = array<i32>} : memref<80xi32, #tpu.memory_space<vmem>>, vector<16xi32>,
      %get3A_747 = vector.shape_cast %get3A_746 : vector<16xi32> to vector<16xi32>
      %mul3A_748 = arith.constant 10000 : i32
      %mul3A_749 = vector.broadcast %mul3A_748 : i32 to vector<16xi32>
      %mul3A_750 = arith.muli %get3A_747, %mul3A_749 : vector<16xi32>
      %get3A_751 = arith.constant 0 : index
      %get3A_752 = tpu.vector_load %arg15[%get3A_751] {strides = array<i32>} : memref<80xi32, #tpu.memory_space<vmem>>, vector<16xi32>,
      %get3A_753 = vector.shape_cast %get3A_752 : vector<16xi32> to vector<16xi32>
      %add3A_754 = arith.addi %mul3A_750, %get3A_753 : vector<16xi32>
      %swap3A_755 = arith.constant 0 : index
      %swap3A_756 = tpu.vector_load %arg7[%swap3A_755] {strides = array<i32>} : memref<80xi32, #tpu.memory_space<vmem>>, vector<16xi32>,
      %swap3A_757 = vector.shape_cast %swap3A_756 : vector<16xi32> to vector<16xi32>
      %swap3A_758 = vector.shape_cast %add3A_754 : vector<16xi32> to vector<16xi32>
      tpu.vector_store %arg7[%swap3A_755], %swap3A_758 {strides = array<i32>} : memref<80xi32, #tpu.memory_space<vmem>>, vector<16xi32>,
      %get3A_759 = arith.constant 16 : index
      %get3A_760 = tpu.vector_load %arg19[%get3A_759] {strides = array<i32>} : memref<80xi32, #tpu.memory_space<vmem>>, vector<16xi32>,
      %get3A_761 = vector.shape_cast %get3A_760 : vector<16xi32> to vector<16xi32>
      %mul3A_762 = arith.constant 10000 : i32
      %mul3A_763 = vector.broadcast %mul3A_762 : i32 to vector<16xi32>
      %mul3A_764 = arith.muli %get3A_761, %mul3A_763 : vector<16xi32>
      %get3A_765 = arith.constant 16 : index
      %get3A_766 = tpu.vector_load %arg15[%get3A_765] {strides = array<i32>} : memref<80xi32, #tpu.memory_space<vmem>>, vector<16xi32>,
      %get3A_767 = vector.shape_cast %get3A_766 : vector<16xi32> to vector<16xi32>
      %add3A_768 = arith.addi %mul3A_764, %get3A_767 : vector<16xi32>
      %swap3A_769 = arith.constant 16 : index
      %swap3A_770 = tpu.vector_load %arg7[%swap3A_769] {strides = array<i32>} : memref<80xi32, #tpu.memory_space<vmem>>, vector<16xi32>,
      %swap3A_771 = vector.shape_cast %swap3A_770 : vector<16xi32> to vector<16xi32>
      %swap3A_772 = vector.shape_cast %add3A_768 : vector<16xi32> to vector<16xi32>
      tpu.vector_store %arg7[%swap3A_769], %swap3A_772 {strides = array<i32>} : memref<80xi32, #tpu.memory_space<vmem>>, vector<16xi32>,
      %get3A_773 = arith.constant 32 : index
      %get3A_774 = tpu.vector_load %arg19[%get3A_773] {strides = array<i32>} : memref<80xi32, #tpu.memory_space<vmem>>, vector<16xi32>,
      %get3A_775 = vector.shape_cast %get3A_774 : vector<16xi32> to vector<16xi32>
      %mul3A_776 = arith.constant 10000 : i32
      %mul3A_777 = vector.broadcast %mul3A_776 : i32 to vector<16xi32>
      %mul3A_778 = arith.muli %get3A_775, %mul3A_777 : vector<16xi32>
      %get3A_779 = arith.constant 32 : index
      %get3A_780 = tpu.vector_load %arg15[%get3A_779] {strides = array<i32>} : memref<80xi32, #tpu.memory_space<vmem>>, vector<16xi32>,
      %get3A_781 = vector.shape_cast %get3A_780 : vector<16xi32> to vector<16xi32>
      %add3A_782 = arith.addi %mul3A_778, %get3A_781 : vector<16xi32>
      %swap3A_783 = arith.constant 32 : index
      %swap3A_784 = tpu.vector_load %arg7[%swap3A_783] {strides = array<i32>} : memref<80xi32, #tpu.memory_space<vmem>>, vector<16xi32>,
      %swap3A_785 = vector.shape_cast %swap3A_784 : vector<16xi32> to vector<16xi32>
      %swap3A_786 = vector.shape_cast %add3A_782 : vector<16xi32> to vector<16xi32>
      tpu.vector_store %arg7[%swap3A_783], %swap3A_786 {strides = array<i32>} : memref<80xi32, #tpu.memory_space<vmem>>, vector<16xi32>,
      %get3A_787 = arith.constant 48 : index
      %get3A_788 = tpu.vector_load %arg19[%get3A_787] {strides = array<i32>} : memref<80xi32, #tpu.memory_space<vmem>>, vector<16xi32>,
      %get3A_789 = vector.shape_cast %get3A_788 : vector<16xi32> to vector<16xi32>
      %mul3A_790 = arith.constant 10000 : i32
      %mul3A_791 = vector.broadcast %mul3A_790 : i32 to vector<16xi32>
      %mul3A_792 = arith.muli %get3A_789, %mul3A_791 : vector<16xi32>
      %get3A_793 = arith.constant 48 : index
      %get3A_794 = tpu.vector_load %arg15[%get3A_793] {strides = array<i32>} : memref<80xi32, #tpu.memory_space<vmem>>, vector<16xi32>,
      %get3A_795 = vector.shape_cast %get3A_794 : vector<16xi32> to vector<16xi32>
      %add3A_796 = arith.addi %mul3A_792, %get3A_795 : vector<16xi32>
      %swap3A_797 = arith.constant 48 : index
      %swap3A_798 = tpu.vector_load %arg7[%swap3A_797] {strides = array<i32>} : memref<80xi32, #tpu.memory_space<vmem>>, vector<16xi32>,
      %swap3A_799 = vector.shape_cast %swap3A_798 : vector<16xi32> to vector<16xi32>
      %swap3A_800 = vector.shape_cast %add3A_796 : vector<16xi32> to vector<16xi32>
      tpu.vector_store %arg7[%swap3A_797], %swap3A_800 {strides = array<i32>} : memref<80xi32, #tpu.memory_space<vmem>>, vector<16xi32>,
      %get3A_801 = arith.constant 64 : index
      %get3A_802 = tpu.vector_load %arg19[%get3A_801] {strides = array<i32>} : memref<80xi32, #tpu.memory_space<vmem>>, vector<16xi32>,
      %get3A_803 = vector.shape_cast %get3A_802 : vector<16xi32> to vector<16xi32>
      %mul3A_804 = arith.constant 10000 : i32
      %mul3A_805 = vector.broadcast %mul3A_804 : i32 to vector<16xi32>
      %mul3A_806 = arith.muli %get3A_803, %mul3A_805 : vector<16xi32>
      %get3A_807 = arith.constant 64 : index
      %get3A_808 = tpu.vector_load %arg15[%get3A_807] {strides = array<i32>} : memref<80xi32, #tpu.memory_space<vmem>>, vector<16xi32>,
      %get3A_809 = vector.shape_cast %get3A_808 : vector<16xi32> to vector<16xi32>
      %add3A_810 = arith.addi %mul3A_806, %get3A_809 : vector<16xi32>
      %swap3A_811 = arith.constant 64 : index
      %swap3A_812 = tpu.vector_load %arg7[%swap3A_811] {strides = array<i32>} : memref<80xi32, #tpu.memory_space<vmem>>, vector<16xi32>,
      %swap3A_813 = vector.shape_cast %swap3A_812 : vector<16xi32> to vector<16xi32>
      %swap3A_814 = vector.shape_cast %add3A_810 : vector<16xi32> to vector<16xi32>
      tpu.vector_store %arg7[%swap3A_811], %swap3A_814 {strides = array<i32>} : memref<80xi32, #tpu.memory_space<vmem>>, vector<16xi32>,
      %dma_start3A_815 = arith.constant 0 : i32
      %dma_start3A_816 = arith.constant 0 : i32
      %dma_start3A_817 = tpu.memref_slice %arg2[%dma_start3A_815, %dma_start3A_816] : memref<240000x128xf32, #tpu.memory_space<hbm>> -> memref<240000x128xf32, #tpu.memory_space<hbm>>
      tpu.enqueue_indirect_dma source(%dma_start3A_817 : memref<240000x128xf32, #tpu.memory_space<hbm>>) target(%arg23 : memref<80x128xf32, #tpu.memory_space<vmem>>) offsets(%arg7 : memref<80xi32, #tpu.memory_space<vmem>>) semaphore(%arg32 : memref<!tpu.dma_semaphore, #tpu.memory_space<semaphore_mem>>)
      %add3A_818 = arith.constant 2 : i32
      %add3A_819 = arith.addi %mul3A_569, %add3A_818 : i32
      %mul3A_820 = arith.constant 10000 : i32
      %mul3A_821 = arith.muli %add3A, %mul3A_820 : i32
      %mul3A_822 = arith.constant 80 : i32
      %mul3A_823 = arith.muli %add3A_819, %mul3A_822 : i32
      %add3A_824 = arith.addi %mul3A_821, %mul3A_823 : i32
      %add3A_825 = arith.constant 320000 : i32
      %add3A_826 = arith.addi %add3A_825, %add3A_824 : i32
      %dma_wait3A_827 = tpu.memref_slice %arg3[%add3A_824] : memref<640000xi32, #tpu.memory_space<hbm>> -> memref<80xi32, #tpu.memory_space<hbm>>
      %dma_wait3A_828 = tpu.memref_slice %arg3[%add3A_824] : memref<640000xi32, #tpu.memory_space<hbm>> -> memref<80xi32, #tpu.memory_space<hbm>>
      tpu.wait_dma2 semaphore(%arg29 : memref<!tpu.dma_semaphore, #tpu.memory_space<semaphore_mem>>) src(%dma_wait3A_828 : memref<80xi32, #tpu.memory_space<hbm>>) dst(%arg12 : memref<80xi32, #tpu.memory_space<vmem>>)
      %dma_wait3A_829 = tpu.memref_slice %arg3[%add3A_826] : memref<640000xi32, #tpu.memory_space<hbm>> -> memref<80xi32, #tpu.memory_space<hbm>>
      %dma_wait3A_830 = tpu.memref_slice %arg3[%add3A_826] : memref<640000xi32, #tpu.memory_space<hbm>> -> memref<80xi32, #tpu.memory_space<hbm>>
      tpu.wait_dma2 semaphore(%arg29 : memref<!tpu.dma_semaphore, #tpu.memory_space<semaphore_mem>>) src(%dma_wait3A_830 : memref<80xi32, #tpu.memory_space<hbm>>) dst(%arg16 : memref<80xi32, #tpu.memory_space<vmem>>)
      %dma_wait3A_831 = tpu.memref_slice %arg4[%add3A_824] : memref<320000xi32, #tpu.memory_space<hbm>> -> memref<80xi32, #tpu.memory_space<hbm>>
      %dma_wait3A_832 = tpu.memref_slice %arg4[%add3A_824] : memref<320000xi32, #tpu.memory_space<hbm>> -> memref<80xi32, #tpu.memory_space<hbm>>
      tpu.wait_dma2 semaphore(%arg29 : memref<!tpu.dma_semaphore, #tpu.memory_space<semaphore_mem>>) src(%dma_wait3A_832 : memref<80xi32, #tpu.memory_space<hbm>>) dst(%arg20 : memref<80xi32, #tpu.memory_space<vmem>>)
      %get3A_833 = arith.constant 0 : index
      %get3A_834 = tpu.vector_load %arg20[%get3A_833] {strides = array<i32>} : memref<80xi32, #tpu.memory_space<vmem>>, vector<16xi32>,
      %get3A_835 = vector.shape_cast %get3A_834 : vector<16xi32> to vector<16xi32>
      %mul3A_836 = arith.constant 10000 : i32
      %mul3A_837 = vector.broadcast %mul3A_836 : i32 to vector<16xi32>
      %mul3A_838 = arith.muli %get3A_835, %mul3A_837 : vector<16xi32>
      %get3A_839 = arith.constant 0 : index
      %get3A_840 = tpu.vector_load %arg16[%get3A_839] {strides = array<i32>} : memref<80xi32, #tpu.memory_space<vmem>>, vector<16xi32>,
      %get3A_841 = vector.shape_cast %get3A_840 : vector<16xi32> to vector<16xi32>
      %add3A_842 = arith.addi %mul3A_838, %get3A_841 : vector<16xi32>
      %swap3A_843 = arith.constant 0 : index
      %swap3A_844 = tpu.vector_load %arg8[%swap3A_843] {strides = array<i32>} : memref<80xi32, #tpu.memory_space<vmem>>, vector<16xi32>,
      %swap3A_845 = vector.shape_cast %swap3A_844 : vector<16xi32> to vector<16xi32>
      %swap3A_846 = vector.shape_cast %add3A_842 : vector<16xi32> to vector<16xi32>
      tpu.vector_store %arg8[%swap3A_843], %swap3A_846 {strides = array<i32>} : memref<80xi32, #tpu.memory_space<vmem>>, vector<16xi32>,
      %get3A_847 = arith.constant 16 : index
      %get3A_848 = tpu.vector_load %arg20[%get3A_847] {strides = array<i32>} : memref<80xi32, #tpu.memory_space<vmem>>, vector<16xi32>,
      %get3A_849 = vector.shape_cast %get3A_848 : vector<16xi32> to vector<16xi32>
      %mul3A_850 = arith.constant 10000 : i32
      %mul3A_851 = vector.broadcast %mul3A_850 : i32 to vector<16xi32>
      %mul3A_852 = arith.muli %get3A_849, %mul3A_851 : vector<16xi32>
      %get3A_853 = arith.constant 16 : index
      %get3A_854 = tpu.vector_load %arg16[%get3A_853] {strides = array<i32>} : memref<80xi32, #tpu.memory_space<vmem>>, vector<16xi32>,
      %get3A_855 = vector.shape_cast %get3A_854 : vector<16xi32> to vector<16xi32>
      %add3A_856 = arith.addi %mul3A_852, %get3A_855 : vector<16xi32>
      %swap3A_857 = arith.constant 16 : index
      %swap3A_858 = tpu.vector_load %arg8[%swap3A_857] {strides = array<i32>} : memref<80xi32, #tpu.memory_space<vmem>>, vector<16xi32>,
      %swap3A_859 = vector.shape_cast %swap3A_858 : vector<16xi32> to vector<16xi32>
      %swap3A_860 = vector.shape_cast %add3A_856 : vector<16xi32> to vector<16xi32>
      tpu.vector_store %arg8[%swap3A_857], %swap3A_860 {strides = array<i32>} : memref<80xi32, #tpu.memory_space<vmem>>, vector<16xi32>,
      %get3A_861 = arith.constant 32 : index
      %get3A_862 = tpu.vector_load %arg20[%get3A_861] {strides = array<i32>} : memref<80xi32, #tpu.memory_space<vmem>>, vector<16xi32>,
      %get3A_863 = vector.shape_cast %get3A_862 : vector<16xi32> to vector<16xi32>
      %mul3A_864 = arith.constant 10000 : i32
      %mul3A_865 = vector.broadcast %mul3A_864 : i32 to vector<16xi32>
      %mul3A_866 = arith.muli %get3A_863, %mul3A_865 : vector<16xi32>
      %get3A_867 = arith.constant 32 : index
      %get3A_868 = tpu.vector_load %arg16[%get3A_867] {strides = array<i32>} : memref<80xi32, #tpu.memory_space<vmem>>, vector<16xi32>,
      %get3A_869 = vector.shape_cast %get3A_868 : vector<16xi32> to vector<16xi32>
      %add3A_870 = arith.addi %mul3A_866, %get3A_869 : vector<16xi32>
      %swap3A_871 = arith.constant 32 : index
      %swap3A_872 = tpu.vector_load %arg8[%swap3A_871] {strides = array<i32>} : memref<80xi32, #tpu.memory_space<vmem>>, vector<16xi32>,
      %swap3A_873 = vector.shape_cast %swap3A_872 : vector<16xi32> to vector<16xi32>
      %swap3A_874 = vector.shape_cast %add3A_870 : vector<16xi32> to vector<16xi32>
      tpu.vector_store %arg8[%swap3A_871], %swap3A_874 {strides = array<i32>} : memref<80xi32, #tpu.memory_space<vmem>>, vector<16xi32>,
      %get3A_875 = arith.constant 48 : index
      %get3A_876 = tpu.vector_load %arg20[%get3A_875] {strides = array<i32>} : memref<80xi32, #tpu.memory_space<vmem>>, vector<16xi32>,
      %get3A_877 = vector.shape_cast %get3A_876 : vector<16xi32> to vector<16xi32>
      %mul3A_878 = arith.constant 10000 : i32
      %mul3A_879 = vector.broadcast %mul3A_878 : i32 to vector<16xi32>
      %mul3A_880 = arith.muli %get3A_877, %mul3A_879 : vector<16xi32>
      %get3A_881 = arith.constant 48 : index
      %get3A_882 = tpu.vector_load %arg16[%get3A_881] {strides = array<i32>} : memref<80xi32, #tpu.memory_space<vmem>>, vector<16xi32>,
      %get3A_883 = vector.shape_cast %get3A_882 : vector<16xi32> to vector<16xi32>
      %add3A_884 = arith.addi %mul3A_880, %get3A_883 : vector<16xi32>
      %swap3A_885 = arith.constant 48 : index
      %swap3A_886 = tpu.vector_load %arg8[%swap3A_885] {strides = array<i32>} : memref<80xi32, #tpu.memory_space<vmem>>, vector<16xi32>,
      %swap3A_887 = vector.shape_cast %swap3A_886 : vector<16xi32> to vector<16xi32>
      %swap3A_888 = vector.shape_cast %add3A_884 : vector<16xi32> to vector<16xi32>
      tpu.vector_store %arg8[%swap3A_885], %swap3A_888 {strides = array<i32>} : memref<80xi32, #tpu.memory_space<vmem>>, vector<16xi32>,
      %get3A_889 = arith.constant 64 : index
      %get3A_890 = tpu.vector_load %arg20[%get3A_889] {strides = array<i32>} : memref<80xi32, #tpu.memory_space<vmem>>, vector<16xi32>,
      %get3A_891 = vector.shape_cast %get3A_890 : vector<16xi32> to vector<16xi32>
      %mul3A_892 = arith.constant 10000 : i32
      %mul3A_893 = vector.broadcast %mul3A_892 : i32 to vector<16xi32>
      %mul3A_894 = arith.muli %get3A_891, %mul3A_893 : vector<16xi32>
      %get3A_895 = arith.constant 64 : index
      %get3A_896 = tpu.vector_load %arg16[%get3A_895] {strides = array<i32>} : memref<80xi32, #tpu.memory_space<vmem>>, vector<16xi32>,
      %get3A_897 = vector.shape_cast %get3A_896 : vector<16xi32> to vector<16xi32>
      %add3A_898 = arith.addi %mul3A_894, %get3A_897 : vector<16xi32>
      %swap3A_899 = arith.constant 64 : index
      %swap3A_900 = tpu.vector_load %arg8[%swap3A_899] {strides = array<i32>} : memref<80xi32, #tpu.memory_space<vmem>>, vector<16xi32>,
      %swap3A_901 = vector.shape_cast %swap3A_900 : vector<16xi32> to vector<16xi32>
      %swap3A_902 = vector.shape_cast %add3A_898 : vector<16xi32> to vector<16xi32>
      tpu.vector_store %arg8[%swap3A_899], %swap3A_902 {strides = array<i32>} : memref<80xi32, #tpu.memory_space<vmem>>, vector<16xi32>,
      %dma_start3A_903 = arith.constant 0 : i32
      %dma_start3A_904 = arith.constant 0 : i32
      %dma_start3A_905 = tpu.memref_slice %arg2[%dma_start3A_903, %dma_start3A_904] : memref<240000x128xf32, #tpu.memory_space<hbm>> -> memref<240000x128xf32, #tpu.memory_space<hbm>>
      tpu.enqueue_indirect_dma source(%dma_start3A_905 : memref<240000x128xf32, #tpu.memory_space<hbm>>) target(%arg24 : memref<80x128xf32, #tpu.memory_space<vmem>>) offsets(%arg8 : memref<80xi32, #tpu.memory_space<vmem>>) semaphore(%arg33 : memref<!tpu.dma_semaphore, #tpu.memory_space<semaphore_mem>>)
      %add3A_906 = arith.constant 3 : i32
      %add3A_907 = arith.addi %mul3A_569, %add3A_906 : i32
      %mul3A_908 = arith.constant 10000 : i32
      %mul3A_909 = arith.muli %add3A, %mul3A_908 : i32
      %mul3A_910 = arith.constant 80 : i32
      %mul3A_911 = arith.muli %add3A_907, %mul3A_910 : i32
      %add3A_912 = arith.addi %mul3A_909, %mul3A_911 : i32
      %add3A_913 = arith.constant 320000 : i32
      %add3A_914 = arith.addi %add3A_913, %add3A_912 : i32
      %dma_wait3A_915 = tpu.memref_slice %arg3[%add3A_912] : memref<640000xi32, #tpu.memory_space<hbm>> -> memref<80xi32, #tpu.memory_space<hbm>>
      %dma_wait3A_916 = tpu.memref_slice %arg3[%add3A_912] : memref<640000xi32, #tpu.memory_space<hbm>> -> memref<80xi32, #tpu.memory_space<hbm>>
      tpu.wait_dma2 semaphore(%arg30 : memref<!tpu.dma_semaphore, #tpu.memory_space<semaphore_mem>>) src(%dma_wait3A_916 : memref<80xi32, #tpu.memory_space<hbm>>) dst(%arg13 : memref<80xi32, #tpu.memory_space<vmem>>)
      %dma_wait3A_917 = tpu.memref_slice %arg3[%add3A_914] : memref<640000xi32, #tpu.memory_space<hbm>> -> memref<80xi32, #tpu.memory_space<hbm>>
      %dma_wait3A_918 = tpu.memref_slice %arg3[%add3A_914] : memref<640000xi32, #tpu.memory_space<hbm>> -> memref<80xi32, #tpu.memory_space<hbm>>
      tpu.wait_dma2 semaphore(%arg30 : memref<!tpu.dma_semaphore, #tpu.memory_space<semaphore_mem>>) src(%dma_wait3A_918 : memref<80xi32, #tpu.memory_space<hbm>>) dst(%arg17 : memref<80xi32, #tpu.memory_space<vmem>>)
      %dma_wait3A_919 = tpu.memref_slice %arg4[%add3A_912] : memref<320000xi32, #tpu.memory_space<hbm>> -> memref<80xi32, #tpu.memory_space<hbm>>
      %dma_wait3A_920 = tpu.memref_slice %arg4[%add3A_912] : memref<320000xi32, #tpu.memory_space<hbm>> -> memref<80xi32, #tpu.memory_space<hbm>>
      tpu.wait_dma2 semaphore(%arg30 : memref<!tpu.dma_semaphore, #tpu.memory_space<semaphore_mem>>) src(%dma_wait3A_920 : memref<80xi32, #tpu.memory_space<hbm>>) dst(%arg21 : memref<80xi32, #tpu.memory_space<vmem>>)
      %get3A_921 = arith.constant 0 : index
      %get3A_922 = tpu.vector_load %arg21[%get3A_921] {strides = array<i32>} : memref<80xi32, #tpu.memory_space<vmem>>, vector<16xi32>,
      %get3A_923 = vector.shape_cast %get3A_922 : vector<16xi32> to vector<16xi32>
      %mul3A_924 = arith.constant 10000 : i32
      %mul3A_925 = vector.broadcast %mul3A_924 : i32 to vector<16xi32>
      %mul3A_926 = arith.muli %get3A_923, %mul3A_925 : vector<16xi32>
      %get3A_927 = arith.constant 0 : index
      %get3A_928 = tpu.vector_load %arg17[%get3A_927] {strides = array<i32>} : memref<80xi32, #tpu.memory_space<vmem>>, vector<16xi32>,
      %get3A_929 = vector.shape_cast %get3A_928 : vector<16xi32> to vector<16xi32>
      %add3A_930 = arith.addi %mul3A_926, %get3A_929 : vector<16xi32>
      %swap3A_931 = arith.constant 0 : index
      %swap3A_932 = tpu.vector_load %arg9[%swap3A_931] {strides = array<i32>} : memref<80xi32, #tpu.memory_space<vmem>>, vector<16xi32>,
      %swap3A_933 = vector.shape_cast %swap3A_932 : vector<16xi32> to vector<16xi32>
      %swap3A_934 = vector.shape_cast %add3A_930 : vector<16xi32> to vector<16xi32>
      tpu.vector_store %arg9[%swap3A_931], %swap3A_934 {strides = array<i32>} : memref<80xi32, #tpu.memory_space<vmem>>, vector<16xi32>,
      %get3A_935 = arith.constant 16 : index
      %get3A_936 = tpu.vector_load %arg21[%get3A_935] {strides = array<i32>} : memref<80xi32, #tpu.memory_space<vmem>>, vector<16xi32>,
      %get3A_937 = vector.shape_cast %get3A_936 : vector<16xi32> to vector<16xi32>
      %mul3A_938 = arith.constant 10000 : i32
      %mul3A_939 = vector.broadcast %mul3A_938 : i32 to vector<16xi32>
      %mul3A_940 = arith.muli %get3A_937, %mul3A_939 : vector<16xi32>
      %get3A_941 = arith.constant 16 : index
      %get3A_942 = tpu.vector_load %arg17[%get3A_941] {strides = array<i32>} : memref<80xi32, #tpu.memory_space<vmem>>, vector<16xi32>,
      %get3A_943 = vector.shape_cast %get3A_942 : vector<16xi32> to vector<16xi32>
      %add3A_944 = arith.addi %mul3A_940, %get3A_943 : vector<16xi32>
      %swap3A_945 = arith.constant 16 : index
      %swap3A_946 = tpu.vector_load %arg9[%swap3A_945] {strides = array<i32>} : memref<80xi32, #tpu.memory_space<vmem>>, vector<16xi32>,
      %swap3A_947 = vector.shape_cast %swap3A_946 : vector<16xi32> to vector<16xi32>
      %swap3A_948 = vector.shape_cast %add3A_944 : vector<16xi32> to vector<16xi32>
      tpu.vector_store %arg9[%swap3A_945], %swap3A_948 {strides = array<i32>} : memref<80xi32, #tpu.memory_space<vmem>>, vector<16xi32>,
      %get3A_949 = arith.constant 32 : index
      %get3A_950 = tpu.vector_load %arg21[%get3A_949] {strides = array<i32>} : memref<80xi32, #tpu.memory_space<vmem>>, vector<16xi32>,
      %get3A_951 = vector.shape_cast %get3A_950 : vector<16xi32> to vector<16xi32>
      %mul3A_952 = arith.constant 10000 : i32
      %mul3A_953 = vector.broadcast %mul3A_952 : i32 to vector<16xi32>
      %mul3A_954 = arith.muli %get3A_951, %mul3A_953 : vector<16xi32>
      %get3A_955 = arith.constant 32 : index
      %get3A_956 = tpu.vector_load %arg17[%get3A_955] {strides = array<i32>} : memref<80xi32, #tpu.memory_space<vmem>>, vector<16xi32>,
      %get3A_957 = vector.shape_cast %get3A_956 : vector<16xi32> to vector<16xi32>
      %add3A_958 = arith.addi %mul3A_954, %get3A_957 : vector<16xi32>
      %swap3A_959 = arith.constant 32 : index
      %swap3A_960 = tpu.vector_load %arg9[%swap3A_959] {strides = array<i32>} : memref<80xi32, #tpu.memory_space<vmem>>, vector<16xi32>,
      %swap3A_961 = vector.shape_cast %swap3A_960 : vector<16xi32> to vector<16xi32>
      %swap3A_962 = vector.shape_cast %add3A_958 : vector<16xi32> to vector<16xi32>
      tpu.vector_store %arg9[%swap3A_959], %swap3A_962 {strides = array<i32>} : memref<80xi32, #tpu.memory_space<vmem>>, vector<16xi32>,
      %get3A_963 = arith.constant 48 : index
      %get3A_964 = tpu.vector_load %arg21[%get3A_963] {strides = array<i32>} : memref<80xi32, #tpu.memory_space<vmem>>, vector<16xi32>,
      %get3A_965 = vector.shape_cast %get3A_964 : vector<16xi32> to vector<16xi32>
      %mul3A_966 = arith.constant 10000 : i32
      %mul3A_967 = vector.broadcast %mul3A_966 : i32 to vector<16xi32>
      %mul3A_968 = arith.muli %get3A_965, %mul3A_967 : vector<16xi32>
      %get3A_969 = arith.constant 48 : index
      %get3A_970 = tpu.vector_load %arg17[%get3A_969] {strides = array<i32>} : memref<80xi32, #tpu.memory_space<vmem>>, vector<16xi32>,
      %get3A_971 = vector.shape_cast %get3A_970 : vector<16xi32> to vector<16xi32>
      %add3A_972 = arith.addi %mul3A_968, %get3A_971 : vector<16xi32>
      %swap3A_973 = arith.constant 48 : index
      %swap3A_974 = tpu.vector_load %arg9[%swap3A_973] {strides = array<i32>} : memref<80xi32, #tpu.memory_space<vmem>>, vector<16xi32>,
      %swap3A_975 = vector.shape_cast %swap3A_974 : vector<16xi32> to vector<16xi32>
      %swap3A_976 = vector.shape_cast %add3A_972 : vector<16xi32> to vector<16xi32>
      tpu.vector_store %arg9[%swap3A_973], %swap3A_976 {strides = array<i32>} : memref<80xi32, #tpu.memory_space<vmem>>, vector<16xi32>,
      %get3A_977 = arith.constant 64 : index
      %get3A_978 = tpu.vector_load %arg21[%get3A_977] {strides = array<i32>} : memref<80xi32, #tpu.memory_space<vmem>>, vector<16xi32>,
      %get3A_979 = vector.shape_cast %get3A_978 : vector<16xi32> to vector<16xi32>
      %mul3A_980 = arith.constant 10000 : i32
      %mul3A_981 = vector.broadcast %mul3A_980 : i32 to vector<16xi32>
      %mul3A_982 = arith.muli %get3A_979, %mul3A_981 : vector<16xi32>
      %get3A_983 = arith.constant 64 : index
      %get3A_984 = tpu.vector_load %arg17[%get3A_983] {strides = array<i32>} : memref<80xi32, #tpu.memory_space<vmem>>, vector<16xi32>,
      %get3A_985 = vector.shape_cast %get3A_984 : vector<16xi32> to vector<16xi32>
      %add3A_986 = arith.addi %mul3A_982, %get3A_985 : vector<16xi32>
      %swap3A_987 = arith.constant 64 : index
      %swap3A_988 = tpu.vector_load %arg9[%swap3A_987] {strides = array<i32>} : memref<80xi32, #tpu.memory_space<vmem>>, vector<16xi32>,
      %swap3A_989 = vector.shape_cast %swap3A_988 : vector<16xi32> to vector<16xi32>
      %swap3A_990 = vector.shape_cast %add3A_986 : vector<16xi32> to vector<16xi32>
      tpu.vector_store %arg9[%swap3A_987], %swap3A_990 {strides = array<i32>} : memref<80xi32, #tpu.memory_space<vmem>>, vector<16xi32>,
      %dma_start3A_991 = arith.constant 0 : i32
      %dma_start3A_992 = arith.constant 0 : i32
      %dma_start3A_993 = tpu.memref_slice %arg2[%dma_start3A_991, %dma_start3A_992] : memref<240000x128xf32, #tpu.memory_space<hbm>> -> memref<240000x128xf32, #tpu.memory_space<hbm>>
      tpu.enqueue_indirect_dma source(%dma_start3A_993 : memref<240000x128xf32, #tpu.memory_space<hbm>>) target(%arg25 : memref<80x128xf32, #tpu.memory_space<vmem>>) offsets(%arg9 : memref<80xi32, #tpu.memory_space<vmem>>) semaphore(%arg34 : memref<!tpu.dma_semaphore, #tpu.memory_space<semaphore_mem>>)
      %dma_wait3A_994 = arith.constant 0 : i32
      %dma_wait3A_995 = arith.constant 0 : i32
      %dma_wait3A_996 = tpu.memref_slice %arg2[%dma_wait3A_994, %dma_wait3A_995] : memref<240000x128xf32, #tpu.memory_space<hbm>> -> memref<240000x128xf32, #tpu.memory_space<hbm>>
      tpu.wait_indirect_dma semaphore(%arg31 : memref<!tpu.dma_semaphore, #tpu.memory_space<semaphore_mem>>) src(%dma_wait3A_996 : memref<240000x128xf32, #tpu.memory_space<hbm>>) dst(%arg22 : memref<80x128xf32, #tpu.memory_space<vmem>>)
      %dma_start3A_997 = arith.constant 0 : i32
      %dma_start3A_998 = arith.constant 0 : i32
      %dma_start3A_999 = tpu.memref_slice %arg26[%dma_start3A_997, %dma_start3A_998] : memref<10000x128xf32, #tpu.memory_space<vmem_shared>> -> memref<10000x128xf32, #tpu.memory_space<vmem_shared>>
      tpu.enqueue_indirect_dma source(%arg22 : memref<80x128xf32, #tpu.memory_space<vmem>>) target(%dma_start3A_999 : memref<10000x128xf32, #tpu.memory_space<vmem_shared>>) offsets(%arg10 : memref<80xi32, #tpu.memory_space<vmem>>) semaphore(%arg35 : memref<!tpu.dma_semaphore, #tpu.memory_space<semaphore_mem>>) {add = true}
      %dma_wait3A_1000 = arith.constant 0 : i32
      %dma_wait3A_1001 = arith.constant 0 : i32
      %dma_wait3A_1002 = tpu.memref_slice %arg2[%dma_wait3A_1000, %dma_wait3A_1001] : memref<240000x128xf32, #tpu.memory_space<hbm>> -> memref<240000x128xf32, #tpu.memory_space<hbm>>
      tpu.wait_indirect_dma semaphore(%arg32 : memref<!tpu.dma_semaphore, #tpu.memory_space<semaphore_mem>>) src(%dma_wait3A_1002 : memref<240000x128xf32, #tpu.memory_space<hbm>>) dst(%arg23 : memref<80x128xf32, #tpu.memory_space<vmem>>)
      %dma_start3A_1003 = arith.constant 0 : i32
      %dma_start3A_1004 = arith.constant 0 : i32
      %dma_start3A_1005 = tpu.memref_slice %arg26[%dma_start3A_1003, %dma_start3A_1004] : memref<10000x128xf32, #tpu.memory_space<vmem_shared>> -> memref<10000x128xf32, #tpu.memory_space<vmem_shared>>
      tpu.enqueue_indirect_dma source(%arg23 : memref<80x128xf32, #tpu.memory_space<vmem>>) target(%dma_start3A_1005 : memref<10000x128xf32, #tpu.memory_space<vmem_shared>>) offsets(%arg11 : memref<80xi32, #tpu.memory_space<vmem>>) semaphore(%arg36 : memref<!tpu.dma_semaphore, #tpu.memory_space<semaphore_mem>>) {add = true}
      %dma_wait3A_1006 = arith.constant 0 : i32
      %dma_wait3A_1007 = arith.constant 0 : i32
      %dma_wait3A_1008 = tpu.memref_slice %arg2[%dma_wait3A_1006, %dma_wait3A_1007] : memref<240000x128xf32, #tpu.memory_space<hbm>> -> memref<240000x128xf32, #tpu.memory_space<hbm>>
      tpu.wait_indirect_dma semaphore(%arg33 : memref<!tpu.dma_semaphore, #tpu.memory_space<semaphore_mem>>) src(%dma_wait3A_1008 : memref<240000x128xf32, #tpu.memory_space<hbm>>) dst(%arg24 : memref<80x128xf32, #tpu.memory_space<vmem>>)
      %dma_start3A_1009 = arith.constant 0 : i32
      %dma_start3A_1010 = arith.constant 0 : i32
      %dma_start3A_1011 = tpu.memref_slice %arg26[%dma_start3A_1009, %dma_start3A_1010] : memref<10000x128xf32, #tpu.memory_space<vmem_shared>> -> memref<10000x128xf32, #tpu.memory_space<vmem_shared>>
      tpu.enqueue_indirect_dma source(%arg24 : memref<80x128xf32, #tpu.memory_space<vmem>>) target(%dma_start3A_1011 : memref<10000x128xf32, #tpu.memory_space<vmem_shared>>) offsets(%arg12 : memref<80xi32, #tpu.memory_space<vmem>>) semaphore(%arg37 : memref<!tpu.dma_semaphore, #tpu.memory_space<semaphore_mem>>) {add = true}
      %dma_wait3A_1012 = arith.constant 0 : i32
      %dma_wait3A_1013 = arith.constant 0 : i32
      %dma_wait3A_1014 = tpu.memref_slice %arg2[%dma_wait3A_1012, %dma_wait3A_1013] : memref<240000x128xf32, #tpu.memory_space<hbm>> -> memref<240000x128xf32, #tpu.memory_space<hbm>>
      tpu.wait_indirect_dma semaphore(%arg34 : memref<!tpu.dma_semaphore, #tpu.memory_space<semaphore_mem>>) src(%dma_wait3A_1014 : memref<240000x128xf32, #tpu.memory_space<hbm>>) dst(%arg25 : memref<80x128xf32, #tpu.memory_space<vmem>>)
      %dma_start3A_1015 = arith.constant 0 : i32
      %dma_start3A_1016 = arith.constant 0 : i32
      %dma_start3A_1017 = tpu.memref_slice %arg26[%dma_start3A_1015, %dma_start3A_1016] : memref<10000x128xf32, #tpu.memory_space<vmem_shared>> -> memref<10000x128xf32, #tpu.memory_space<vmem_shared>>
      tpu.enqueue_indirect_dma source(%arg25 : memref<80x128xf32, #tpu.memory_space<vmem>>) target(%dma_start3A_1017 : memref<10000x128xf32, #tpu.memory_space<vmem_shared>>) offsets(%arg13 : memref<80xi32, #tpu.memory_space<vmem>>) semaphore(%arg38 : memref<!tpu.dma_semaphore, #tpu.memory_space<semaphore_mem>>) {add = true}
      %scan3A_1018 = arith.constant 0 : i32
      scf.yield %scan3A_1018 : i32
    }
    %scan3A_441 = arith.constant 30 : i32
    %dma_wait3A_442 = arith.constant 0 : i32
    %dma_wait3A_443 = arith.constant 0 : i32
    %dma_wait3A_444 = tpu.memref_slice %arg26[%dma_wait3A_442, %dma_wait3A_443] : memref<10000x128xf32, #tpu.memory_space<vmem_shared>> -> memref<10000x128xf32, #tpu.memory_space<vmem_shared>>
    tpu.wait_indirect_dma semaphore(%arg35 : memref<!tpu.dma_semaphore, #tpu.memory_space<semaphore_mem>>) src(%arg22 : memref<80x128xf32, #tpu.memory_space<vmem>>) dst(%dma_wait3A_444 : memref<10000x128xf32, #tpu.memory_space<vmem_shared>>)
    %mul3A_445 = arith.constant 10000 : i32
    %mul3A_446 = arith.muli %add3A, %mul3A_445 : i32
    %add3A_447 = arith.constant 9920 : i32
    %add3A_448 = arith.addi %mul3A_446, %add3A_447 : i32
    %add3A_449 = arith.constant 320000 : i32
    %add3A_450 = arith.addi %add3A_449, %add3A_448 : i32
    %dma_start3A_451 = tpu.memref_slice %arg3[%add3A_448] : memref<640000xi32, #tpu.memory_space<hbm>> -> memref<80xi32, #tpu.memory_space<hbm>>
    %dma_start3A_452 = tpu.memref_slice %arg3[%add3A_448] : memref<640000xi32, #tpu.memory_space<hbm>> -> memref<80xi32, #tpu.memory_space<hbm>>
    tpu.enqueue_dma source(%dma_start3A_452 : memref<80xi32, #tpu.memory_space<hbm>>) target(%arg10 : memref<80xi32, #tpu.memory_space<vmem>>) target_semaphore(%arg27 : memref<!tpu.dma_semaphore, #tpu.memory_space<semaphore_mem>>)
    %dma_start3A_453 = tpu.memref_slice %arg3[%add3A_450] : memref<640000xi32, #tpu.memory_space<hbm>> -> memref<80xi32, #tpu.memory_space<hbm>>
    %dma_start3A_454 = tpu.memref_slice %arg3[%add3A_450] : memref<640000xi32, #tpu.memory_space<hbm>> -> memref<80xi32, #tpu.memory_space<hbm>>
    tpu.enqueue_dma source(%dma_start3A_454 : memref<80xi32, #tpu.memory_space<hbm>>) target(%arg14 : memref<80xi32, #tpu.memory_space<vmem>>) target_semaphore(%arg27 : memref<!tpu.dma_semaphore, #tpu.memory_space<semaphore_mem>>)
    %dma_start3A_455 = tpu.memref_slice %arg4[%add3A_448] : memref<320000xi32, #tpu.memory_space<hbm>> -> memref<80xi32, #tpu.memory_space<hbm>>
    %dma_start3A_456 = tpu.memref_slice %arg4[%add3A_448] : memref<320000xi32, #tpu.memory_space<hbm>> -> memref<80xi32, #tpu.memory_space<hbm>>
    tpu.enqueue_dma source(%dma_start3A_456 : memref<80xi32, #tpu.memory_space<hbm>>) target(%arg18 : memref<80xi32, #tpu.memory_space<vmem>>) target_semaphore(%arg27 : memref<!tpu.dma_semaphore, #tpu.memory_space<semaphore_mem>>)
    %mul3A_457 = arith.constant 10000 : i32
    %mul3A_458 = arith.muli %add3A, %mul3A_457 : i32
    %add3A_459 = arith.constant 9920 : i32
    %add3A_460 = arith.addi %mul3A_458, %add3A_459 : i32
    %add3A_461 = arith.constant 320000 : i32
    %add3A_462 = arith.addi %add3A_461, %add3A_460 : i32
    %dma_wait3A_463 = tpu.memref_slice %arg3[%add3A_460] : memref<640000xi32, #tpu.memory_space<hbm>> -> memref<80xi32, #tpu.memory_space<hbm>>
    %dma_wait3A_464 = tpu.memref_slice %arg3[%add3A_460] : memref<640000xi32, #tpu.memory_space<hbm>> -> memref<80xi32, #tpu.memory_space<hbm>>
    tpu.wait_dma2 semaphore(%arg27 : memref<!tpu.dma_semaphore, #tpu.memory_space<semaphore_mem>>) src(%dma_wait3A_464 : memref<80xi32, #tpu.memory_space<hbm>>) dst(%arg10 : memref<80xi32, #tpu.memory_space<vmem>>)
    %dma_wait3A_465 = tpu.memref_slice %arg3[%add3A_462] : memref<640000xi32, #tpu.memory_space<hbm>> -> memref<80xi32, #tpu.memory_space<hbm>>
    %dma_wait3A_466 = tpu.memref_slice %arg3[%add3A_462] : memref<640000xi32, #tpu.memory_space<hbm>> -> memref<80xi32, #tpu.memory_space<hbm>>
    tpu.wait_dma2 semaphore(%arg27 : memref<!tpu.dma_semaphore, #tpu.memory_space<semaphore_mem>>) src(%dma_wait3A_466 : memref<80xi32, #tpu.memory_space<hbm>>) dst(%arg14 : memref<80xi32, #tpu.memory_space<vmem>>)
    %dma_wait3A_467 = tpu.memref_slice %arg4[%add3A_460] : memref<320000xi32, #tpu.memory_space<hbm>> -> memref<80xi32, #tpu.memory_space<hbm>>
    %dma_wait3A_468 = tpu.memref_slice %arg4[%add3A_460] : memref<320000xi32, #tpu.memory_space<hbm>> -> memref<80xi32, #tpu.memory_space<hbm>>
    tpu.wait_dma2 semaphore(%arg27 : memref<!tpu.dma_semaphore, #tpu.memory_space<semaphore_mem>>) src(%dma_wait3A_468 : memref<80xi32, #tpu.memory_space<hbm>>) dst(%arg18 : memref<80xi32, #tpu.memory_space<vmem>>)
    %get3A_469 = arith.constant 0 : index
    %get3A_470 = tpu.vector_load %arg18[%get3A_469] {strides = array<i32>} : memref<80xi32, #tpu.memory_space<vmem>>, vector<16xi32>,
    %get3A_471 = vector.shape_cast %get3A_470 : vector<16xi32> to vector<16xi32>
    %mul3A_472 = arith.constant 10000 : i32
    %mul3A_473 = vector.broadcast %mul3A_472 : i32 to vector<16xi32>
    %mul3A_474 = arith.muli %get3A_471, %mul3A_473 : vector<16xi32>
    %get3A_475 = arith.constant 0 : index
    %get3A_476 = tpu.vector_load %arg14[%get3A_475] {strides = array<i32>} : memref<80xi32, #tpu.memory_space<vmem>>, vector<16xi32>,
    %get3A_477 = vector.shape_cast %get3A_476 : vector<16xi32> to vector<16xi32>
    %add3A_478 = arith.addi %mul3A_474, %get3A_477 : vector<16xi32>
    %swap3A_479 = arith.constant 0 : index
    %swap3A_480 = tpu.vector_load %arg6[%swap3A_479] {strides = array<i32>} : memref<80xi32, #tpu.memory_space<vmem>>, vector<16xi32>,
    %swap3A_481 = vector.shape_cast %swap3A_480 : vector<16xi32> to vector<16xi32>
    %swap3A_482 = vector.shape_cast %add3A_478 : vector<16xi32> to vector<16xi32>
    tpu.vector_store %arg6[%swap3A_479], %swap3A_482 {strides = array<i32>} : memref<80xi32, #tpu.memory_space<vmem>>, vector<16xi32>,
    %get3A_483 = arith.constant 16 : index
    %get3A_484 = tpu.vector_load %arg18[%get3A_483] {strides = array<i32>} : memref<80xi32, #tpu.memory_space<vmem>>, vector<16xi32>,
    %get3A_485 = vector.shape_cast %get3A_484 : vector<16xi32> to vector<16xi32>
    %mul3A_486 = arith.constant 10000 : i32
    %mul3A_487 = vector.broadcast %mul3A_486 : i32 to vector<16xi32>
    %mul3A_488 = arith.muli %get3A_485, %mul3A_487 : vector<16xi32>
    %get3A_489 = arith.constant 16 : index
    %get3A_490 = tpu.vector_load %arg14[%get3A_489] {strides = array<i32>} : memref<80xi32, #tpu.memory_space<vmem>>, vector<16xi32>,
    %get3A_491 = vector.shape_cast %get3A_490 : vector<16xi32> to vector<16xi32>
    %add3A_492 = arith.addi %mul3A_488, %get3A_491 : vector<16xi32>
    %swap3A_493 = arith.constant 16 : index
    %swap3A_494 = tpu.vector_load %arg6[%swap3A_493] {strides = array<i32>} : memref<80xi32, #tpu.memory_space<vmem>>, vector<16xi32>,
    %swap3A_495 = vector.shape_cast %swap3A_494 : vector<16xi32> to vector<16xi32>
    %swap3A_496 = vector.shape_cast %add3A_492 : vector<16xi32> to vector<16xi32>
    tpu.vector_store %arg6[%swap3A_493], %swap3A_496 {strides = array<i32>} : memref<80xi32, #tpu.memory_space<vmem>>, vector<16xi32>,
    %get3A_497 = arith.constant 32 : index
    %get3A_498 = tpu.vector_load %arg18[%get3A_497] {strides = array<i32>} : memref<80xi32, #tpu.memory_space<vmem>>, vector<16xi32>,
    %get3A_499 = vector.shape_cast %get3A_498 : vector<16xi32> to vector<16xi32>
    %mul3A_500 = arith.constant 10000 : i32
    %mul3A_501 = vector.broadcast %mul3A_500 : i32 to vector<16xi32>
    %mul3A_502 = arith.muli %get3A_499, %mul3A_501 : vector<16xi32>
    %get3A_503 = arith.constant 32 : index
    %get3A_504 = tpu.vector_load %arg14[%get3A_503] {strides = array<i32>} : memref<80xi32, #tpu.memory_space<vmem>>, vector<16xi32>,
    %get3A_505 = vector.shape_cast %get3A_504 : vector<16xi32> to vector<16xi32>
    %add3A_506 = arith.addi %mul3A_502, %get3A_505 : vector<16xi32>
    %swap3A_507 = arith.constant 32 : index
    %swap3A_508 = tpu.vector_load %arg6[%swap3A_507] {strides = array<i32>} : memref<80xi32, #tpu.memory_space<vmem>>, vector<16xi32>,
    %swap3A_509 = vector.shape_cast %swap3A_508 : vector<16xi32> to vector<16xi32>
    %swap3A_510 = vector.shape_cast %add3A_506 : vector<16xi32> to vector<16xi32>
    tpu.vector_store %arg6[%swap3A_507], %swap3A_510 {strides = array<i32>} : memref<80xi32, #tpu.memory_space<vmem>>, vector<16xi32>,
    %get3A_511 = arith.constant 48 : index
    %get3A_512 = tpu.vector_load %arg18[%get3A_511] {strides = array<i32>} : memref<80xi32, #tpu.memory_space<vmem>>, vector<16xi32>,
    %get3A_513 = vector.shape_cast %get3A_512 : vector<16xi32> to vector<16xi32>
    %mul3A_514 = arith.constant 10000 : i32
    %mul3A_515 = vector.broadcast %mul3A_514 : i32 to vector<16xi32>
    %mul3A_516 = arith.muli %get3A_513, %mul3A_515 : vector<16xi32>
    %get3A_517 = arith.constant 48 : index
    %get3A_518 = tpu.vector_load %arg14[%get3A_517] {strides = array<i32>} : memref<80xi32, #tpu.memory_space<vmem>>, vector<16xi32>,
    %get3A_519 = vector.shape_cast %get3A_518 : vector<16xi32> to vector<16xi32>
    %add3A_520 = arith.addi %mul3A_516, %get3A_519 : vector<16xi32>
    %swap3A_521 = arith.constant 48 : index
    %swap3A_522 = tpu.vector_load %arg6[%swap3A_521] {strides = array<i32>} : memref<80xi32, #tpu.memory_space<vmem>>, vector<16xi32>,
    %swap3A_523 = vector.shape_cast %swap3A_522 : vector<16xi32> to vector<16xi32>
    %swap3A_524 = vector.shape_cast %add3A_520 : vector<16xi32> to vector<16xi32>
    tpu.vector_store %arg6[%swap3A_521], %swap3A_524 {strides = array<i32>} : memref<80xi32, #tpu.memory_space<vmem>>, vector<16xi32>,
    %get3A_525 = arith.constant 64 : index
    %get3A_526 = tpu.vector_load %arg18[%get3A_525] {strides = array<i32>} : memref<80xi32, #tpu.memory_space<vmem>>, vector<16xi32>,
    %get3A_527 = vector.shape_cast %get3A_526 : vector<16xi32> to vector<16xi32>
    %mul3A_528 = arith.constant 10000 : i32
    %mul3A_529 = vector.broadcast %mul3A_528 : i32 to vector<16xi32>
    %mul3A_530 = arith.muli %get3A_527, %mul3A_529 : vector<16xi32>
    %get3A_531 = arith.constant 64 : index
    %get3A_532 = tpu.vector_load %arg14[%get3A_531] {strides = array<i32>} : memref<80xi32, #tpu.memory_space<vmem>>, vector<16xi32>,
    %get3A_533 = vector.shape_cast %get3A_532 : vector<16xi32> to vector<16xi32>
    %add3A_534 = arith.addi %mul3A_530, %get3A_533 : vector<16xi32>
    %swap3A_535 = arith.constant 64 : index
    %swap3A_536 = tpu.vector_load %arg6[%swap3A_535] {strides = array<i32>} : memref<80xi32, #tpu.memory_space<vmem>>, vector<16xi32>,
    %swap3A_537 = vector.shape_cast %swap3A_536 : vector<16xi32> to vector<16xi32>
    %swap3A_538 = vector.shape_cast %add3A_534 : vector<16xi32> to vector<16xi32>
    tpu.vector_store %arg6[%swap3A_535], %swap3A_538 {strides = array<i32>} : memref<80xi32, #tpu.memory_space<vmem>>, vector<16xi32>,
    %dma_start3A_539 = arith.constant 0 : i32
    %dma_start3A_540 = arith.constant 0 : i32
    %dma_start3A_541 = tpu.memref_slice %arg2[%dma_start3A_539, %dma_start3A_540] : memref<240000x128xf32, #tpu.memory_space<hbm>> -> memref<240000x128xf32, #tpu.memory_space<hbm>>
    tpu.enqueue_indirect_dma source(%dma_start3A_541 : memref<240000x128xf32, #tpu.memory_space<hbm>>) target(%arg22 : memref<80x128xf32, #tpu.memory_space<vmem>>) offsets(%arg6 : memref<80xi32, #tpu.memory_space<vmem>>) semaphore(%arg31 : memref<!tpu.dma_semaphore, #tpu.memory_space<semaphore_mem>>)
    %dma_wait3A_542 = arith.constant 0 : i32
    %dma_wait3A_543 = arith.constant 0 : i32
    %dma_wait3A_544 = tpu.memref_slice %arg2[%dma_wait3A_542, %dma_wait3A_543] : memref<240000x128xf32, #tpu.memory_space<hbm>> -> memref<240000x128xf32, #tpu.memory_space<hbm>>
    tpu.wait_indirect_dma semaphore(%arg31 : memref<!tpu.dma_semaphore, #tpu.memory_space<semaphore_mem>>) src(%dma_wait3A_544 : memref<240000x128xf32, #tpu.memory_space<hbm>>) dst(%arg22 : memref<80x128xf32, #tpu.memory_space<vmem>>)
    %dma_start3A_545 = arith.constant 0 : i32
    %dma_start3A_546 = arith.constant 0 : i32
    %dma_start3A_547 = tpu.memref_slice %arg26[%dma_start3A_545, %dma_start3A_546] : memref<10000x128xf32, #tpu.memory_space<vmem_shared>> -> memref<10000x128xf32, #tpu.memory_space<vmem_shared>>
    tpu.enqueue_indirect_dma source(%arg22 : memref<80x128xf32, #tpu.memory_space<vmem>>) target(%dma_start3A_547 : memref<10000x128xf32, #tpu.memory_space<vmem_shared>>) offsets(%arg10 : memref<80xi32, #tpu.memory_space<vmem>>) semaphore(%arg35 : memref<!tpu.dma_semaphore, #tpu.memory_space<semaphore_mem>>) {add = true}
    %dma_wait3A_548 = arith.constant 0 : i32
    %dma_wait3A_549 = arith.constant 0 : i32
    %dma_wait3A_550 = tpu.memref_slice %arg26[%dma_wait3A_548, %dma_wait3A_549] : memref<10000x128xf32, #tpu.memory_space<vmem_shared>> -> memref<10000x128xf32, #tpu.memory_space<vmem_shared>>
    tpu.wait_indirect_dma semaphore(%arg35 : memref<!tpu.dma_semaphore, #tpu.memory_space<semaphore_mem>>) src(%arg22 : memref<80x128xf32, #tpu.memory_space<vmem>>) dst(%dma_wait3A_550 : memref<10000x128xf32, #tpu.memory_space<vmem_shared>>)
    %dma_wait3A_551 = arith.constant 0 : i32
    %dma_wait3A_552 = arith.constant 0 : i32
    %dma_wait3A_553 = tpu.memref_slice %arg26[%dma_wait3A_551, %dma_wait3A_552] : memref<10000x128xf32, #tpu.memory_space<vmem_shared>> -> memref<10000x128xf32, #tpu.memory_space<vmem_shared>>
    tpu.wait_indirect_dma semaphore(%arg36 : memref<!tpu.dma_semaphore, #tpu.memory_space<semaphore_mem>>) src(%arg23 : memref<80x128xf32, #tpu.memory_space<vmem>>) dst(%dma_wait3A_553 : memref<10000x128xf32, #tpu.memory_space<vmem_shared>>)
    %dma_wait3A_554 = arith.constant 0 : i32
    %dma_wait3A_555 = arith.constant 0 : i32
    %dma_wait3A_556 = tpu.memref_slice %arg26[%dma_wait3A_554, %dma_wait3A_555] : memref<10000x128xf32, #tpu.memory_space<vmem_shared>> -> memref<10000x128xf32, #tpu.memory_space<vmem_shared>>
    tpu.wait_indirect_dma semaphore(%arg37 : memref<!tpu.dma_semaphore, #tpu.memory_space<semaphore_mem>>) src(%arg24 : memref<80x128xf32, #tpu.memory_space<vmem>>) dst(%dma_wait3A_556 : memref<10000x128xf32, #tpu.memory_space<vmem_shared>>)
    %dma_wait3A_557 = arith.constant 0 : i32
    %dma_wait3A_558 = arith.constant 0 : i32
    %dma_wait3A_559 = tpu.memref_slice %arg26[%dma_wait3A_557, %dma_wait3A_558] : memref<10000x128xf32, #tpu.memory_space<vmem_shared>> -> memref<10000x128xf32, #tpu.memory_space<vmem_shared>>
    tpu.wait_indirect_dma semaphore(%arg38 : memref<!tpu.dma_semaphore, #tpu.memory_space<semaphore_mem>>) src(%arg25 : memref<80x128xf32, #tpu.memory_space<vmem>>) dst(%dma_wait3A_559 : memref<10000x128xf32, #tpu.memory_space<vmem_shared>>)
    %barrier3A_560 = arith.constant 0 : index
    tpu.barrier barrier_id(%barrier3A_560)
    "tpu.region"() ({
      %run_scoped3A = tpu.sem_alloc : memref<!tpu.dma_semaphore, #tpu.memory_space<semaphore_mem>>
      %dma_start3A_566 = arith.constant 0 : i32
      %dma_start3A_567 = tpu.memref_slice %arg5[%arg0, %mul3A_55, %dma_start3A_566] : memref<2x10000x128xf32, #tpu.memory_space<hbm>> -> memref<1x624x128xf32, #tpu.memory_space<hbm>>
      %dma_start3A_568 = tpu.memref_squeeze %dma_start3A_567 : memref<1x624x128xf32, #tpu.memory_space<hbm>> -> memref<624x128xf32, #tpu.memory_space<hbm>>
      %dma_start3A_569 = arith.constant 0 : i32
      %dma_start3A_570 = tpu.memref_slice %arg26[%mul3A_55, %dma_start3A_569] : memref<10000x128xf32, #tpu.memory_space<vmem_shared>> -> memref<624x128xf32, #tpu.memory_space<vmem_shared>>
      tpu.enqueue_dma source(%dma_start3A_570 : memref<624x128xf32, #tpu.memory_space<vmem_shared>>) target(%dma_start3A_568 : memref<624x128xf32, #tpu.memory_space<hbm>>) target_semaphore(%run_scoped3A : memref<!tpu.dma_semaphore, #tpu.memory_space<semaphore_mem>>)
      %dma_wait3A_571 = arith.constant 0 : i32
      %dma_wait3A_572 = tpu.memref_slice %arg5[%arg0, %mul3A_55, %dma_wait3A_571] : memref<2x10000x128xf32, #tpu.memory_space<hbm>> -> memref<1x624x128xf32, #tpu.memory_space<hbm>>
      %dma_wait3A_573 = tpu.memref_squeeze %dma_wait3A_572 : memref<1x624x128xf32, #tpu.memory_space<hbm>> -> memref<624x128xf32, #tpu.memory_space<hbm>>
      %dma_wait3A_574 = arith.constant 0 : i32
      %dma_wait3A_575 = tpu.memref_slice %arg26[%mul3A_55, %dma_wait3A_574] : memref<10000x128xf32, #tpu.memory_space<vmem_shared>> -> memref<624x128xf32, #tpu.memory_space<vmem_shared>>
      tpu.wait_dma2 semaphore(%run_scoped3A : memref<!tpu.dma_semaphore, #tpu.memory_space<semaphore_mem>>) src(%dma_wait3A_575 : memref<624x128xf32, #tpu.memory_space<vmem_shared>>) dst(%dma_wait3A_573 : memref<624x128xf32, #tpu.memory_space<hbm>>)
      tpu.yield
    }) : () -> ()
    %eq3A_561 = arith.constant 15 : i32
    %eq3A_562 = arith.cmpi eq, %arg1, %eq3A_561 : i32
    %convert_element_type3A_563 = arith.extui %eq3A_562 : i1 to i32
    %cond3A_564 = arith.constant 0 : i32
    %cond3A_565 = arith.cmpi ne, %convert_element_type3A_563, %cond3A_564 : i32
    scf.if %cond3A_565 {
      "tpu.region"() ({
        %run_scoped3A = tpu.sem_alloc : memref<!tpu.dma_semaphore, #tpu.memory_space<semaphore_mem>>
        %dma_start3A_566 = arith.constant 9984 : i32
        %dma_start3A_567 = arith.constant 0 : i32
        %dma_start3A_568 = tpu.memref_slice %arg5[%arg0, %dma_start3A_566, %dma_start3A_567] : memref<2x10000x128xf32, #tpu.memory_space<hbm>> -> memref<1x16x128xf32, #tpu.memory_space<hbm>>
        %dma_start3A_569 = tpu.memref_squeeze %dma_start3A_568 : memref<1x16x128xf32, #tpu.memory_space<hbm>> -> memref<16x128xf32, #tpu.memory_space<hbm>>
        %dma_start3A_570 = arith.constant 9984 : i32
        %dma_start3A_571 = arith.constant 0 : i32
        %dma_start3A_572 = tpu.memref_slice %arg26[%dma_start3A_570, %dma_start3A_571] : memref<10000x128xf32, #tpu.memory_space<vmem_shared>> -> memref<16x128xf32, #tpu.memory_space<vmem_shared>>
        tpu.enqueue_dma source(%dma_start3A_572 : memref<16x128xf32, #tpu.memory_space<vmem_shared>>) target(%dma_start3A_569 : memref<16x128xf32, #tpu.memory_space<hbm>>) target_semaphore(%run_scoped3A : memref<!tpu.dma_semaphore, #tpu.memory_space<semaphore_mem>>)
        %dma_wait3A_573 = arith.constant 9984 : i32
        %dma_wait3A_574 = arith.constant 0 : i32
        %dma_wait3A_575 = tpu.memref_slice %arg5[%arg0, %dma_wait3A_573, %dma_wait3A_574] : memref<2x10000x128xf32, #tpu.memory_space<hbm>> -> memref<1x16x128xf32, #tpu.memory_space<hbm>>
        %dma_wait3A_576 = tpu.memref_squeeze %dma_wait3A_575 : memref<1x16x128xf32, #tpu.memory_space<hbm>> -> memref<16x128xf32, #tpu.memory_space<hbm>>
        %dma_wait3A_577 = arith.constant 9984 : i32
        %dma_wait3A_578 = arith.constant 0 : i32
        %dma_wait3A_579 = tpu.memref_slice %arg26[%dma_wait3A_577, %dma_wait3A_578] : memref<10000x128xf32, #tpu.memory_space<vmem_shared>> -> memref<16x128xf32, #tpu.memory_space<vmem_shared>>
        tpu.wait_dma2 semaphore(%run_scoped3A : memref<!tpu.dma_semaphore, #tpu.memory_space<semaphore_mem>>) src(%dma_wait3A_579 : memref<16x128xf32, #tpu.memory_space<vmem_shared>>) dst(%dma_wait3A_576 : memref<16x128xf32, #tpu.memory_space<hbm>>)
        tpu.yield
      }) : () -> ()
    } else {
    }
    return
  }
}

module attributes {stable_mosaic.version = 14 : i64} {
  func.func @body(%arg0: i32, %arg1: memref<1000x128xf32, #tpu.memory_space<vmem>>, %arg2: memref<24x128xf32, #tpu.memory_space<vmem>>, %arg3: memref<24x1000x128xf32, #tpu.memory_space<vmem>>) attributes {dimension_semantics = [#tpu.dimension_semantics<arbitrary>], iteration_bounds = array<i64: 10>, scalar_prefetch = 0 : i64, scratch_operands = 0 : i64, tpu.core_type = #tpu.core_type<tc>, window_params = [{transform_indices = @transform_0, window_bounds = array<i64: 1000, 128>}, {pipeline_mode = #tpu.pipeline_mode<synchronous>, transform_indices = @transform_1, window_bounds = array<i64: 24, 128>}, {transform_indices = @transform_2, window_bounds = array<i64: 24, 1000, 128>}]} {
    %get3A = arith.constant 0 : index
    %get3A_0 = arith.constant 0 : index
    %get3A_1 = vector.load %arg1[%get3A, %get3A_0] : memref<1000x128xf32, #tpu.memory_space<vmem>>, vector<1000x128xf32>
    %get3A_2 = arith.constant 0 : index
    %get3A_3 = arith.constant 0 : index
    %get3A_4 = vector.load %arg2[%get3A_2, %get3A_3] : memref<24x128xf32, #tpu.memory_space<vmem>>, vector<24x128xf32>
    %broadcast_in_dim3A = vector.shape_cast %get3A_4 : vector<24x128xf32> to vector<24x1x128xf32>
    %broadcast_in_dim3A_5 = vector.shape_cast %get3A_1 : vector<1000x128xf32> to vector<1x1000x128xf32>
    %mul3A = vector.broadcast %broadcast_in_dim3A : vector<24x1x128xf32> to vector<24x1000x128xf32>
    %mul3A_6 = vector.broadcast %broadcast_in_dim3A_5 : vector<1x1000x128xf32> to vector<24x1000x128xf32>
    %mul3A_7 = arith.mulf %mul3A, %mul3A_6 : vector<24x1000x128xf32>
    %swap3A = arith.constant 0 : index
    %swap3A_8 = arith.constant 0 : index
    %swap3A_9 = arith.constant 0 : index
    %swap3A_10 = vector.load %arg3[%swap3A, %swap3A_8, %swap3A_9] : memref<24x1000x128xf32, #tpu.memory_space<vmem>>, vector<24x1000x128xf32>
    tpu.vector_store %arg3[%swap3A, %swap3A_8, %swap3A_9], %mul3A_7 {strides = array<i32>} : memref<24x1000x128xf32, #tpu.memory_space<vmem>>, vector<24x1000x128xf32>,
    return
  }
  func.func @transform_0(%arg0: i32) -> (i32, i32) {
    %c0_i32 = arith.constant 0 : i32
    %c0_i32_0 = arith.constant 0 : i32
    return %arg0, %c0_i32 : i32, i32
  }
  func.func @transform_1(%arg0: i32) -> (i32, i32) {
    %c0_i32 = arith.constant 0 : i32
    %c0_i32_0 = arith.constant 0 : i32
    %c0_i32_1 = arith.constant 0 : i32
    return %c0_i32, %c0_i32_0 : i32, i32
  }
  func.func @transform_2(%arg0: i32) -> (i32, i32, i32) {
    %c0_i32 = arith.constant 0 : i32
    %c0_i32_0 = arith.constant 0 : i32
    %c0_i32_1 = arith.constant 0 : i32
    return %c0_i32, %arg0, %c0_i32_0 : i32, i32, i32
  }
}

module attributes {stable_mosaic.version = 14 : i64} {
  func.func @body(%arg0: i32, %arg1: memref<2x1000x128xf32, #tpu.memory_space<vmem>>, %arg2: memref<1000x128xf32, #tpu.memory_space<vmem>>) attributes {dimension_semantics = [#tpu.dimension_semantics<arbitrary>], iteration_bounds = array<i64: 10>, scalar_prefetch = 0 : i64, scratch_operands = 0 : i64, tpu.core_type = #tpu.core_type<tc>, window_params = [{transform_indices = @transform_0, window_bounds = array<i64: 2, 1000, 128>}, {transform_indices = @transform_1, window_bounds = array<i64: 1000, 128>}]} {
    %get3A = arith.constant 0 : index
    %get3A_0 = arith.constant 0 : index
    %get3A_1 = arith.constant 0 : index
    %get3A_2 = vector.load %arg1[%get3A, %get3A_0, %get3A_1] : memref<2x1000x128xf32, #tpu.memory_space<vmem>>, vector<1x1000x128xf32>
    %get3A_3 = vector.shape_cast %get3A_2 : vector<1x1000x128xf32> to vector<1000x128xf32>
    %get3A_4 = arith.constant 1 : index
    %get3A_5 = arith.constant 0 : index
    %get3A_6 = arith.constant 0 : index
    %get3A_7 = vector.load %arg1[%get3A_4, %get3A_5, %get3A_6] : memref<2x1000x128xf32, #tpu.memory_space<vmem>>, vector<1x1000x128xf32>
    %get3A_8 = vector.shape_cast %get3A_7 : vector<1x1000x128xf32> to vector<1000x128xf32>
    %add3A = arith.addf %get3A_3, %get3A_8 : vector<1000x128xf32>
    %swap3A = arith.constant 0 : index
    %swap3A_9 = arith.constant 0 : index
    %swap3A_10 = vector.load %arg2[%swap3A, %swap3A_9] : memref<1000x128xf32, #tpu.memory_space<vmem>>, vector<1000x128xf32>
    tpu.vector_store %arg2[%swap3A, %swap3A_9], %add3A {strides = array<i32>} : memref<1000x128xf32, #tpu.memory_space<vmem>>, vector<1000x128xf32>,
    return
  }
  func.func @transform_0(%arg0: i32) -> (i32, i32, i32) {
    %c0_i32 = arith.constant 0 : i32
    %c0_i32_0 = arith.constant 0 : i32
    %c0_i32_1 = arith.constant 0 : i32
    return %c0_i32, %arg0, %c0_i32_0 : i32, i32, i32
  }
  func.func @transform_1(%arg0: i32) -> (i32, i32) {
    %c0_i32 = arith.constant 0 : i32
    %c0_i32_0 = arith.constant 0 : i32
    return %arg0, %c0_i32 : i32, i32
  }
}

</mosaic_0001>

<sc_bundles>
// kernel: kernel.5.cloned.1.call-start
scs
__scs_entry_jumppad:
0x0: {  	(pc) =	sbr.rel $0x88, $3  }
0x1: {  	(tag) =	ssettag $0x0;
	lr =	simm.s32 $0x1  }
0x2: {  	[smem:$0x3F9D] =	sst lr;
	_ =	strace $0xD0000000  }
0x3: {  	_ = 	snop  }
0x4: {  	_ = 	snop  }
0x5: {  	_ = 	snop  }
0x6: {  	_ = 	snop  }
0x7: {  	_ = 	snop  }
__scs_overlays_trampoline_lowered:
0x8: {  	[smem:$0x3FAC] =	sst s0  }
0x9: {  	[smem:$0x3FAD] =	sst s1  }
0xa: {  	[smem:$0x3FAE] =	sst s2  }
0xb: {  	[smem:$0x3FAF] =	sst s3  }
0xc: {  	[smem:$0x3FB0] =	sst s4  }
0xd: {  	[smem:$0x3FB1] =	sst s5  }
0xe: {  	[smem:$0x3FB2] =	sst s6  }
0xf: {  	[smem:$0x3FB3] =	sst s7  }
0x10: {  	[smem:$0x3FB4] =	sst s8  }
0x11: {  	[smem:$0x3FB5] =	sst s9;
	s0 =	simm.s32 @!p0 $0x0  }
0x12: {  	s1 =	sld [smem:$0x3F9B];
	s0 =	simm.s32 @p0 $0x1  }
0x13: {  	[smem:$0x3FB6] =	sst s0;
	s0 =	simm.s32 @!p1 $0x0  }
0x14: {  	s2 =	sld [smem:$0x3F9A];
	s0 =	simm.s32 @p1 $0x1  }
0x15: {  	[smem:$0x3FB7] =	sst s0;
	s0 =	simm.s32 @!p2 $0x0  }
0x16: {  	s3 =	sld [smem:$0x3FDB];
	s0 =	simm.s32 @p2 $0x1  }
0x17: {  	s4 =	simm.s32 $0x1BF5;
	[smem:$0x3FB9] =	sst s0  }
0x18: {  	s0 =	sld [smem:$0x3F9C];
	_ =	swait.ge [sflag:s4], $0x0  }
0x19: {  	s7 =	sld [smem:$0x3F9D]  }
0x1a: {  	s8 =	sadd.s32 $0xFFFFE003, lr  }
0x1b: {  	s9 =	sadd.s32 $0xFFFFFEF7, lr;
	s5 =	simm.s32 $0xFFFFFFFF;
	p2 =	slt.u32 s8, $0xFFFFF086  }
0x1c: {  	p1 =	slt.u32 s9, $0xF7A;
	s5 =	simm.s32 @!p2 $0x0  }
0x1d: {  	s5 =	simm.s32 @p1 $0x1;
	p0 =	seq.s32 s7, s2  }
0x1e: {  	s7 =	smul.u32 @!p0 $0xF7A, s2;
	p2 =	seq.s32 @!p0 s5, $0x0  }
0x1f: {  	s9 =	smul.u32 $0xF7A, s1;
	s8 =	simm.s32 @!p0 $0x1BF5;
	p2 =	por !p2, p0  }
0x20: {  	[sflag:s8] =	ssyncset.s32 @!p0 $0xFFFFF086;
	s6 =	sadd.s32 @!p0 s3, s7;
	s7 =	simm.s32 @!p0 $0x108  }
0x21: {  	s3 =	sadd.s32 s3, s9;
	s6 =	sadd.s32 @!p0 $0x88, s6;
	s7 =	simm.s32 @p2 $0x1082  }
0x22: {  	[simem:s7], [sflag:s8] =	dma.local @!p0 [hbm:s6], $0xF7A  }
0x23: {  	s9 =	sor.u32 $0xD0000000, s2;
	s6 =	simm.s32 $0x108;
	_ =	swait.ge @!p0 [sflag:s8], $0x0  }
0x24: {  	s3 =	sadd.s32 $0x88, s3;
	s6 =	simm.s32 @!p1 $0x1082;
	[sflag:s4] =	ssyncset.s32 $0xFFFFF086  }
0x25: {  	[simem:s6], [sflag:s4] =	dma.local [hbm:s3], $0xF7A  }
0x26: {  	[smem:$0x3F9D] =	sst s1;
	(tag) =	ssettag s2;
	_ =	strace s9  }
0x27: {  	s1 =	sld [smem:$0x3FAD]  }
0x28: {  	s2 =	sld [smem:$0x3FAE]  }
0x29: {  	s4 =	sld [smem:$0x3FB0]  }
0x2a: {  	p0 =	seq.s32 s5, $0x0;
	s5 =	sld [smem:$0x3FB1]  }
0x2b: {  	s6 =	sld [smem:$0x3FB2]  }
0x2c: {  	s7 =	sld [smem:$0x3FB3]  }
0x2d: {  	s3 =	simm.s32 $0x108;
	s8 =	sld [smem:$0x3FB4]  }
0x2e: {  	s3 =	simm.s32 @!p0 $0x1082;
	s9 =	sld [smem:$0x3FB5]  }
0x2f: {  	lr =	sadd.s32 s0, s3;
	s0 =	sld [smem:$0x3FAC]  }
0x30: {  	s3 =	sld [smem:$0x3FAF]  }
0x31: {  	[smem:$0x3FB8] =	sst s10  }
0x32: {  	s10 =	sld [smem:$0x3FB6];
	_ =	sdelay $0x3  }
0x33: {  	p0 =	seq.s32 s10, $0x1;
	s10 =	sld [smem:$0x3FB8];
	_ =	sdelay $0x3  }
0x34: {  	[smem:$0x3FB8] =	sst s10  }
0x35: {  	s10 =	sld [smem:$0x3FB7];
	_ =	sdelay $0x3  }
0x36: {  	p1 =	seq.s32 s10, $0x1;
	s10 =	sld [smem:$0x3FB8];
	_ =	sdelay $0x3  }
0x37: {  	[smem:$0x3FB8] =	sst s10  }
0x38: {  	s10 =	sld [smem:$0x3FB9]  }
0x39: {  	_ = 	snop;
	(pc) =	sbr.ind lr, $3  }
0x3a: {  	_ = 	snop  }
0x3b: {  	_ = 	snop  }
0x3c: {  	p2 =	seq.s32 s10, $0x1;
	s10 =	sld [smem:$0x3FB8]  }
0x3d: {  	_ =	shalt  }
0x3e: {  	_ =	shalt  }
0x3f: {  	_ =	shalt  }
0x40: {  	_ =	shalt  }
0x41: {  	_ =	shalt  }
0x42: {  	_ =	shalt  }
0x43: {  	_ =	shalt  }
0x44: {  	_ =	shalt  }
0x45: {  	_ =	shalt  }
0x46: {  	_ =	shalt  }
0x47: {  	_ =	shalt  }
0x48: {  	_ =	shalt  }
0x49: {  	_ =	shalt  }
0x4a: {  	_ =	shalt  }
0x4b: {  	_ =	shalt  }
0x4c: {  	_ =	shalt  }
0x4d: {  	_ =	shalt  }
0x4e: {  	_ =	shalt  }
0x4f: {  	_ =	shalt  }
0x50: {  	_ =	shalt  }
0x51: {  	_ =	shalt  }
0x52: {  	_ =	shalt  }
0x53: {  	_ =	shalt  }
0x54: {  	_ =	shalt  }
0x55: {  	_ =	shalt  }
0x56: {  	_ =	shalt  }
0x57: {  	_ =	shalt  }
0x58: {  	_ =	shalt  }
0x59: {  	_ =	shalt  }
0x5a: {  	_ =	shalt  }
0x5b: {  	_ =	shalt  }
0x5c: {  	_ =	shalt  }
0x5d: {  	_ =	shalt  }
0x5e: {  	_ =	shalt  }
0x5f: {  	_ =	shalt  }
0x60: {  	_ =	shalt  }
0x61: {  	_ =	shalt  }
0x62: {  	_ =	shalt  }
0x63: {  	_ =	shalt  }
0x64: {  	_ =	shalt  }
0x65: {  	_ =	shalt  }
0x66: {  	_ =	shalt  }
0x67: {  	_ =	shalt  }
0x68: {  	_ =	shalt  }
0x69: {  	_ =	shalt  }
0x6a: {  	_ =	shalt  }
0x6b: {  	_ =	shalt  }
0x6c: {  	_ =	shalt  }
0x6d: {  	_ =	shalt  }
0x6e: {  	_ =	shalt  }
0x6f: {  	_ =	shalt  }
0x70: {  	_ =	shalt  }
0x71: {  	_ =	shalt  }
0x72: {  	_ =	shalt  }
0x73: {  	_ =	shalt  }
0x74: {  	_ =	shalt  }
0x75: {  	_ =	shalt  }
0x76: {  	_ =	shalt  }
0x77: {  	_ =	shalt  }
0x78: {  	_ =	shalt  }
0x79: {  	_ =	shalt  }
0x7a: {  	_ =	shalt  }
0x7b: {  	_ =	shalt  }
0x7c: {  	_ =	shalt  }
0x7d: {  	_ =	shalt  }
0x7e: {  	_ =	shalt  }
0x7f: {  	_ =	shalt  }
0x80: {  	_ =	shalt  }
0x81: {  	_ =	shalt  }
0x82: {  	_ =	shalt  }
0x83: {  	_ =	shalt  }
0x84: {  	_ =	shalt  }
0x85: {  	_ =	shalt  }
0x86: {  	_ =	shalt  }
0x87: {  	_ =	shalt  }
.Lfunc_end0:
.L_simem_size_0:
called_computation_lowered:
.L_overlay_start_0:
0x88: {  	s2 =	sld [smem:$0x3FD9]  }
0x89: {  	s3 =	sld [smem:$0x3FFE];
	_ =	sdelay $0x1  }
0x8a: {  	s1 =	srdreg.scid  }
0x8b: {  	s0 =	sand.u32 $0x1, s1  }
0x8c: {  	s17 =	sshll.u32 s0, $0xA;
	s2 =	sadd.s32 s3, s2  }
0x8d: {  	s2 =	sadd.s32 s2, s17  }
0x8e: {  	[smem:$0x3FC4] =	sst s2  }
0x8f: {  	_ = 	snop  }
0x90: {  	s2 =	sld [smem:$0x3FC7]  }
0x91: {  	s18 =	sld [smem:$0x3FD0];
	(tm) =	ssettm $0x1  }
0x92: {  	s4 =	sld [smem:$0x3FFB];
	_ =	sdelay $0x3  }
0x93: {  	_ =	strace s4  }
0x94: {  	s4 =	sld [smem:$0x3FFC];
	_ =	sdelay $0x3  }
0x95: {  	_ =	strace s4  }
0x96: {  	s4 =	sld [smem:$0x3FFD];
	_ =	sdelay $0x3  }
0x97: {  	_ =	strace s4  }
0x98: {  	_ =	strace $0x8FFFFFFF  }
0x99: {  	s19 =	sld [smem:$0x3FDB];
	_ =	sdelay $0x1  }
0x9a: {  	s5 =	simm.s32 $_scs_section_size  }
0x9b: {  	s6 =	simm.s32 $_size__tile_overlayer_lowered;
	s7 =	simm.s32 $_tile_overlayer_lowered  }
0x9c: {  	s22 =	simm.s32 $0x1BFF;
	s21 =	sshll.u32 s7, $0x1;
	s4 =	sadd.s32 s5, s19  }
0x9d: {  	s8 =	simm.s32 $0x0;
	s20 =	sshll.u32 s6, $0x1;
	s6 =	sadd.s32 s21, s4  }
0x9e: {  	[timem:s8], [sflag:s22] =	dma.local [hbm:s6], s20  }
0x9f: {  	_ =	swait.ge [sflag:s22], s20  }
0xa0: {  	s5 =	ssub.s32 $0x0, s20;
	[sflag:s22] =	ssyncset.done $0x0  }
0xa1: {  	[sflag:s22] =	ssyncadd.s32 s5;
	_ =	sdelay $0x1  }
0xa2: {  	s23 =	simm.s32 $0x1B8B  }
0xa3: {  	_ =	swait.ge [sflag:s23], $0x1  }
0xa4: {  	[sflag:s23] =	ssyncset.done $0x0  }
0xa5: {  	s25 =	simm.s32 $0x1B8E;
	s24 =	sld [smem:$0x3FFE];
	[sflag:s23] =	ssyncadd.s32 $0xFFFFFFFF  }
0xa6: {  	s26 =	simm.s32 $execute0_lowered;
	[smem:$0x3FD2] =	sst s25  }
0xa7: {  	s6 =	sshll.u32 s26, $0x1;
	_ =	strace $0x80000046;
	[dreg:$0x1] =	wrdreg $0xFFFFFFFF  }
0xa8: {  	s28 =	simm.s32 $_size_execute0_lowered;
	s4 =	sadd.s32 s4, s6;
	[dreg:$0x0] =	wrdreg $0x0  }
0xa9: {  	s6 =	sshll.u32 s28, $0x1;
	[dreg:$0x2] =	wrdreg s4  }
0xaa: {  	[dreg:$0x3] =	wrdreg s6  }
0xab: {  	[dreg:$0x4] =	wrdreg $0xC0  }
0xac: {  	_ =	task [dreg:s8], $0x5FFFF  }
0xad: {  	[dreg:$0x1] =	wrdreg $0xFFFFFFFF  }
0xae: {  	[dreg:$0x0] =	wrdreg $0x60  }
0xaf: {  	[dreg:$0x2] =	wrdreg s24  }
0xb0: {  	[dreg:$0x3] =	wrdreg s18  }
0xb1: {  	[dreg:$0x4] =	wrdreg s2  }
0xb2: {  	[dreg:$0x5] =	wrdreg $0xA8000  }
0xb3: {  	[dreg:$0x6] =	wrdreg $0x9  }
0xb4: {  	_ =	task.clear_ibuf [dreg:s8], $0x7FFFF;
	_ =	strace $0x90000046  }
0xb5: {  	s29 =	simm.s32 $0x9;
	_ =	strace $0x80000048  }
0xb6: {  	_ =	swait.ge [sflag:s29], $0x1  }
0xb7: {  	[sflag:s29] =	ssyncadd.s32 $0xFFFFFFFF  }
0xb8: {  	_ =	strace $0x90000048  }
0xb9: {  	_ =	sfence  }
0xba: {  	s30 =	sld [smem:$0x0];
	_ =	sdelay $0x2  }
0xbb: {  	s31 =	sshll.u32 s1, $0xD;
	s1 =	sshrl.u32 s1, $0x2  }
0xbc: {  	s3 =	sand.u32 $0x4000, s31;
	s1 =	sadd.s32 s1, s30  }
0xbd: {  	s0 =	sor.u32 s3, s0;
	s1 =	sshll.u32 s1, $0x11  }
0xbe: {  	s0 =	sor.u32 s1, s0  }
0xbf: {  	s0 =	sadd.s32 $0x8F2B, s0  }
0xc0: {  	[sflag:s0] =	ssyncadd.remote.s32 $0x1  }
0xc1: {  	_ =	sfence.sel $0xFFFF  }
0xc2: {  	[dreg:$0x0] =	wrdreg $0xFFFFFFFF;
	(pc) =	sbr.abs _section_cstart, $3  }
0xc3: {  	[dreg:$0x1] =	wrdreg $0xFFFFFFFF  }
0xc4: {  	_ =	task.clear_ibuf [dreg:s8], $0x2FFFF;
	_ =	strace $0x9FFFFFFF  }
0xc5: {  	(tm) =	ssettm $0x7FFFFFFF  }
tec
execute0_lowered:
.L_overlay_start_1:
0x0: {  	(tag) =	ssettag $0x1  }
0x1: {  	s0 =	rddreg [dreg:$0x0]  }
0x2: {  	s21 =	rddreg [dreg:$0x1]  }
0x3: {  	s1 =	srdreg.scid;
	s15 =	rddreg [dreg:$0x2]  }
0x4: {  	s4 =	rddreg [dreg:$0x3];
	s12 =	stileid.u32  }
0x5: {  	s5 =	simm.s32 $0x0;
	s28 =	simm.s32 $0x50;
	s29 =	simm.s32 $0x2  }
0x6: {  	s31 =	simm.s32 $0x0;
	s2 =	sand.u32 $0x1, s1;
	[smem:$0x7FF] =	sst s5  }
0x7: {  	s6 =	sadd.s32 $0xA00, s0;
	s9 =	smul.u32 $0x2710, s12;
	s1 =	sshll.u32 s2, $0x4  }
0x8: {  	s3 =	ssub.s32 $0x2, s2;
	s7 =	smul.u32 $0x27100, s2;
	s1 =	sor.u32 s12, s1  }
0x9: {  	s10 =	sadd.s32 $0x3AA200, s0;
	s8 =	sshrl.u32 s3, $0x1;
	s1 =	smul.u32 $0x2710, s1  }
0xa: {  	_ =	strace $0x80000047;
	s0 =	ssub.s32 s3, s8;
	s7 =	sadd.s32 s9, s7  }
0xb: {  	s19 =	sadd.s32 $0x230, s7;
	s0 =	smax.u32 s0, $0x1;
	s1 =	sshrl.u32 s1, $0x3  }
0xc: {  	s8 =	sshrl.u32 s19, $0x3;
	[smem:$0x7F3] =	sst s0;
	s14 =	sadd.s32 s15, s1  }
0xd: {  	p0 =	sne.s32 s12, $0xF;
	s24 =	sadd.s32 s8, s15;
	[dreg:$0x11] =	wrdreg s14  }
0xe: {  	s2 =	smul.u32 $0x138800, s2;
	s8 =	sadd.s32 s8, s21;
	[dreg:$0x5] =	wrdreg s24  }
0xf: {  	s25 =	sadd.s32 $0x4E430, s7;
	s13 =	sadd.s32 s21, s1;
	[dreg:$0x6] =	wrdreg s8  }
0x10: {  	s16 =	sadd.s32 $0xA, s1;
	s11 =	sadd.s32 $0x9C40, s13;
	[dreg:$0xf] =	wrdreg s13  }
0x11: {  	s26 =	sadd.s32 $0x1E0, s7;
	s17 =	sadd.s32 s21, s16;
	[dreg:$0x10] =	wrdreg s11  }
0x12: {  	s0 =	simm.s32 $0x7;
	s18 =	sadd.s32 $0x9C4A, s13;
	[dreg:$0x12] =	wrdreg s17  }
0x13: {  	s20 =	sadd.s32 $0x14, s1;
	s3 =	sadd.s32 s15, s16;
	[dreg:$0x13] =	wrdreg s18  }
0x14: {  	s9 =	sadd.s32 $0x1E, s1;
	s22 =	sadd.s32 s21, s20;
	[dreg:$0x14] =	wrdreg s3  }
0x15: {  	s1 =	sadd.s32 $0x4D8, s1;
	s23 =	sadd.s32 $0x9C54, s13;
	[dreg:$0x15] =	wrdreg s22  }
0x16: {  	s16 =	sadd.s32 $0x4E3E0, s7;
	s24 =	smul.u32 $0x4E000, s12;
	[dreg:$0x16] =	wrdreg s23  }
0x17: {  	s3 =	sadd.s32 s15, s20;
	s11 =	sshrl.u32 s26, $0x3;
	s18 =	smul.u32 $0x13800, s12  }
0x18: {  	s23 =	sadd.s32 $0x4E390, s7;
	s26 =	sadd.s32 $0x9C5E, s13;
	[dreg:$0x17] =	wrdreg s3  }
0x19: {  	s12 =	simm.s32 $0xA;
	s14 =	sadd.s32 s11, s15;
	[dreg:$0x1a] =	wrdreg s26  }
0x1a: {  	s3 =	sshrl.u32 s25, $0x3;
	s8 =	sadd.s32 s11, s21;
	[dreg:$0x8] =	wrdreg s14  }
0x1b: {  	s11 =	sadd.s32 $0x190, s7;
	s26 =	sadd.s32 $0xA118, s13;
	[dreg:$0x9] =	wrdreg s8  }
0x1c: {  	s25 =	sadd.s32 $0x4E340, s7;
	s3 =	sadd.s32 s3, s21;
	[smem:$0x7FD] =	sst s26  }
0x1d: {  	s17 =	sshrl.u32 s11, $0x3;
	s14 =	sadd.s32 s21, s9;
	[dreg:$0x7] =	wrdreg s3  }
0x1e: {  	s13 =	simm.s32 $0x400;
	s19 =	sadd.s32 s17, s15;
	[dreg:$0x18] =	wrdreg s14  }
0x1f: {  	s22 =	sadd.s32 s18, s2;
	s20 =	sadd.s32 s17, s21;
	[dreg:$0xb] =	wrdreg s19  }
0x20: {  	s2 =	sshrl.u32 s2, $0x3;
	s14 =	sadd.s32 s21, s1;
	[dreg:$0xc] =	wrdreg s20  }
0x21: {  	s11 =	sshrl.u32 s24, $0x2;
	s1 =	sadd.s32 s15, s1;
	[dreg:$0x1d] =	wrdreg s14  }
0x22: {  	s3 =	sshrl.u32 s16, $0x3;
	s16 =	sadd.s32 $0x140, s7;
	[dreg:$0x1e] =	wrdreg s1  }
0x23: {  	s26 =	simm.s32 $0x1;
	s30 =	sadd.s32 s11, s4;
	[smem:$0x7F4] =	sst s16  }
0x24: {  	s8 =	sshrl.u32 s22, $0x3;
	s3 =	sadd.s32 s3, s21;
	[dreg:$0x1c] =	wrdreg s30  }
0x25: {  	s2 =	sadd.s32 s10, s2;
	s8 =	sadd.s32 s10, s8;
	[dreg:$0xa] =	wrdreg s3  }
0x26: {  	s7 =	simm.s32 $0x4;
	s10 =	sadd.s32 s15, s9;
	[dreg:$0x19] =	wrdreg s8  }
0x27: {  	s11 =	simm.s32 $0x9;
	s15 =	sadd.s32 $0x27000, s2;
	[dreg:$0x1b] =	wrdreg s10  }
0x28: {  	s17 =	sadd.s32 $0x2800, s30;
	s18 =	sadd.s32 $0x5000, s30;
	[dreg:$0x1f] =	wrdreg s15  }
0x29: {  	s19 =	sadd.s32 $0x7800, s30;
	s20 =	sadd.s32 $0xA000, s30;
	[smem:$0x7F5] =	sst s17  }
0x2a: {  	s22 =	sadd.s32 $0xC800, s30;
	s24 =	sadd.s32 $0x11800, s30;
	[smem:$0x7F6] =	sst s18  }
0x2b: {  	s9 =	simm.s32 $0x680;
	s16 =	simm.s32 $0x380;
	[smem:$0x7F7] =	sst s19  }
0x2c: {  	s1 =	simm.s32 $0x3;
	s14 =	simm.s32 $0xB;
	[smem:$0x7F8] =	sst s20  }
0x2d: {  	s3 =	sshrl.u32 s23, $0x3;
	[smem:$0x7F9] =	sst s22;
	s23 =	sadd.s32 $0xF000, s30  }
0x2e: {  	[smem:$0x7FB] =	sst s24;
	s10 =	simm.s32 $0x200;
	s22 =	simm.s32 $0x600  }
0x2f: {  	s19 =	simm.s32 $0x280;
	s8 =	simm.s32 $0x700;
	s17 =	simm.s32 $0x580  }
0x30: {  	s18 =	simm.s32 $0x780;
	s20 =	simm.s32 $0x5;
	s24 =	simm.s32 $0x6  }
0x31: {  	s15 =	simm.s32 $0xC;
	s3 =	sadd.s32 s3, s21;
	[smem:$0x7FA] =	sst s23  }
0x32: {  	[dreg:$0xd] =	wrdreg s3;
	s3 =	sshrl.u32 s25, $0x3;
	s25 =	sadd.s32 $0x138000, s4  }
0x33: {  	s23 =	simm.s32 $0x480;
	s3 =	sadd.s32 s3, s21;
	[smem:$0x7FC] =	sst s25  }
0x34: {  	v0 =	vimm.f32 $0.0e+00;
	s25 =	simm.s32 $0x300;
	[dreg:$0xe] =	wrdreg s3;
	s3 =	simm.s32 $0x8  }
.LBB2_1:
0x35: {  	[smem:$0x7F2] =	sst s31  }
0x36: {  	s2 =	rddreg [dreg:$0xf]  }
0x37: {  	[tilespmem:s10], [sflag:$0x1] =	stream.linear.gather [hbm4b:s2+s5], $0x50, $0x38;
	[tilespmem:$0x1E080] =	vst v63  }
0x38: {  	s2 =	rddreg [dreg:$0x10]  }
0x39: {  	[tilespmem:s13], [sflag:$0x1] =	stream.linear.gather [hbm4b:s2+s5], $0x50, $0x38;
	[tilespmem:$0x1E080] =	vst v63  }
0x3a: {  	s2 =	rddreg [dreg:$0x11]  }
0x3b: {  	[tilespmem:s22], [sflag:$0x1] =	stream.linear.gather [hbm4b:s2+s5], $0x50, $0x38;
	[tilespmem:$0x1E080] =	vst v63  }
0x3c: {  	s2 =	rddreg [dreg:$0x12]  }
0x3d: {  	[tilespmem:s19], [sflag:$0x2] =	stream.linear.gather [hbm4b:s2+s5], $0x50, $0x38;
	[tilespmem:$0x1E080] =	vst v63  }
0x3e: {  	s2 =	rddreg [dreg:$0x13]  }
0x3f: {  	[tilespmem:s23], [sflag:$0x2] =	stream.linear.gather [hbm4b:s2+s5], $0x50, $0x38;
	[tilespmem:$0x1E080] =	vst v63  }
0x40: {  	s2 =	rddreg [dreg:$0x14]  }
0x41: {  	[tilespmem:s9], [sflag:$0x2] =	stream.linear.gather [hbm4b:s2+s5], $0x50, $0x38;
	[tilespmem:$0x1E080] =	vst v63  }
0x42: {  	s2 =	rddreg [dreg:$0x15]  }
0x43: {  	[tilespmem:s25], [sflag:$0x3] =	stream.linear.gather [hbm4b:s2+s5], $0x50, $0x38;
	[tilespmem:$0x1E080] =	vst v63  }
0x44: {  	s31 =	simm.s32 $0x500;
	s2 =	rddreg [dreg:$0x16]  }
0x45: {  	[tilespmem:s31], [sflag:$0x3] =	stream.linear.gather [hbm4b:s2+s5], $0x50, $0x38;
	[tilespmem:$0x1E080] =	vst v63  }
0x46: {  	s31 =	rddreg [dreg:$0x17]  }
0x47: {  	[tilespmem:s8], [sflag:$0x3] =	stream.linear.gather [hbm4b:s31+s5], $0x50, $0x38;
	[tilespmem:$0x1E080] =	vst v63  }
0x48: {  	s8 =	rddreg [dreg:$0x18]  }
0x49: {  	[tilespmem:s16], [sflag:$0x4] =	stream.linear.gather [hbm4b:s8+s5], $0x50, $0x38;
	[tilespmem:$0x1E080] =	vst v63  }
0x4a: {  	s16 =	rddreg [dreg:$0x1a]  }
0x4b: {  	[tilespmem:s17], [sflag:$0x4] =	stream.linear.gather [hbm4b:s16+s5], $0x50, $0x38;
	[tilespmem:$0x1E080] =	vst v63  }
0x4c: {  	s31 =	rddreg [dreg:$0x1b]  }
0x4d: {  	[tilespmem:s18], [sflag:$0x4] =	stream.linear.gather [hbm4b:s31+s5], $0x50, $0x38;
	[tilespmem:$0x1E080] =	vst v63  }
0x4e: {  	s8 =	simm.s32 $0x380;
	s17 =	simm.s32 $0x0;
	s18 =	simm.s32 $0x200  }
.LBB2_2:
0x4f: {  	p1 =	sne.s32 s18, $0x9E00;
	[tilespmem:s17+$0x870] =	vst v0  }
0x50: {  	[tilespmem:s17+$0x800] =	vst v0  }
0x51: {  	[tilespmem:s17+$0x810] =	vst v0  }
.Ltmp0:
0x52: {  	[tilespmem:s17+$0x820] =	vst v0;
	(pc) =	sbr.rel @p1 .LBB2_2-.Ltmp0, $4  }
0x53: {  	[tilespmem:s17+$0x830] =	vst v0  }
0x54: {  	[tilespmem:s17+$0x840] =	vst v0  }
0x55: {  	[tilespmem:s17+$0x850] =	vst v0  }
0x56: {  	[tilespmem:s17+$0x860] =	vst v0;
	s17 =	sshra.s32 s18, $0x2;
	s18 =	sadd.s32 $0x200, s18  }
0x57: {  	[tilespmem:s17+$0x870] =	vst v0  }
0x58: {  	[tilespmem:s17+$0x800] =	vst v0  }
0x59: {  	[tilespmem:s17+$0x810] =	vst v0  }
0x5a: {  	[tilespmem:s17+$0x820] =	vst v0  }
0x5b: {  	[tilespmem:s17+$0x830] =	vst v0  }
0x5c: {  	[tilespmem:s17+$0x840] =	vst v0  }
0x5d: {  	[tilespmem:s17+$0x850] =	vst v0  }
0x5e: {  	[tilespmem:s17+$0x860] =	vst v0;
	s2 =	simm.s32 $0x800;
	s16 =	simm.s32 $0xD  }
0x5f: {  	[spmem:s30] =	stream.linear.scatter [tilespmem:s2], [sflag:$0xD], $0x2800, $0x38;
	[tilespmem:$0x1E080] =	vst v63  }
0x60: {  	_ =	swait.ge [sflag:s16], $0x2800  }
0x61: {  	s18 =	sld [smem:$0x7F5]  }
0x62: {  	[sflag:s16] =	ssyncset.done $0x0  }
0x63: {  	s30 =	simm.s32 $0x800;
	[sflag:s16] =	ssyncadd.s32 $0xFFFFD800  }
0x64: {  	[spmem:s18] =	stream.linear.scatter [tilespmem:s30], [sflag:$0xD], $0x2800, $0x38;
	[tilespmem:$0x1E080] =	vst v63  }
0x65: {  	_ =	swait.ge [sflag:s16], $0x2800  }
0x66: {  	s17 =	sld [smem:$0x7F6]  }
0x67: {  	[sflag:s16] =	ssyncset.done $0x0  }
0x68: {  	[sflag:s16] =	ssyncadd.s32 $0xFFFFD800  }
0x69: {  	[spmem:s17] =	stream.linear.scatter [tilespmem:s30], [sflag:$0xD], $0x2800, $0x38;
	[tilespmem:$0x1E080] =	vst v63  }
0x6a: {  	_ =	swait.ge [sflag:s16], $0x2800  }
0x6b: {  	s18 =	sld [smem:$0x7F7]  }
0x6c: {  	[sflag:s16] =	ssyncset.done $0x0  }
0x6d: {  	[sflag:s16] =	ssyncadd.s32 $0xFFFFD800  }
0x6e: {  	[spmem:s18] =	stream.linear.scatter [tilespmem:s30], [sflag:$0xD], $0x2800, $0x38;
	[tilespmem:$0x1E080] =	vst v63  }
0x6f: {  	_ =	swait.ge [sflag:s16], $0x2800  }
0x70: {  	s17 =	sld [smem:$0x7F8]  }
0x71: {  	[sflag:s16] =	ssyncset.done $0x0  }
0x72: {  	[sflag:s16] =	ssyncadd.s32 $0xFFFFD800  }
0x73: {  	[spmem:s17] =	stream.linear.scatter [tilespmem:s30], [sflag:$0xD], $0x2800, $0x38;
	[tilespmem:$0x1E080] =	vst v63  }
0x74: {  	_ =	swait.ge [sflag:s16], $0x2800  }
0x75: {  	s18 =	sld [smem:$0x7F9]  }
0x76: {  	[sflag:s16] =	ssyncset.done $0x0  }
0x77: {  	[sflag:s16] =	ssyncadd.s32 $0xFFFFD800  }
0x78: {  	[spmem:s18] =	stream.linear.scatter [tilespmem:s30], [sflag:$0xD], $0x2800, $0x38;
	[tilespmem:$0x1E080] =	vst v63  }
0x79: {  	_ =	swait.ge [sflag:s16], $0x2800  }
0x7a: {  	s17 =	sld [smem:$0x7FA]  }
0x7b: {  	[sflag:s16] =	ssyncset.done $0x0  }
0x7c: {  	[sflag:s16] =	ssyncadd.s32 $0xFFFFD800  }
0x7d: {  	[spmem:s17] =	stream.linear.scatter [tilespmem:s30], [sflag:$0xD], $0x2800, $0x38;
	[tilespmem:$0x1E080] =	vst v63  }
0x7e: {  	_ =	swait.ge [sflag:s16], $0x2800  }
0x7f: {  	s18 =	sld [smem:$0x7FB]  }
0x80: {  	[sflag:s16] =	ssyncset.done $0x0  }
0x81: {  	[sflag:s16] =	ssyncadd.s32 $0xFFFFD800  }
0x82: {  	[spmem:s18] =	stream.linear.scatter [tilespmem:s30], [sflag:$0xD], $0x2000, $0x38;
	[tilespmem:$0x1E080] =	vst v63  }
0x83: {  	_ =	swait.ge [sflag:s16], $0x2000  }
0x84: {  	s2 =	sld [smem:$0x7FC]  }
0x85: {  	[sflag:s16] =	ssyncset.done $0x0  }
0x86: {  	s17 =	simm.s32 @!p0 $0x800;
	[sflag:s16] =	ssyncadd.s32 $0xFFFFE000  }
0x87: {  	[spmem:s2] =	stream.linear.scatter @!p0 [tilespmem:s17], [sflag:$0xD], $0x800, $0x38;
	[tilespmem:$0x1E080] =	vst v63  }
0x88: {  	s17 =	simm.s32 @!p0 $0xD  }
0x89: {  	_ =	swait.ge @!p0 [sflag:s17], $0x800  }
0x8a: {  	[sflag:s17] =	ssyncset.done @!p0 $0x0  }
0x8b: {  	[sflag:s17] =	ssyncadd.s32 @!p0 $0xFFFFF800  }
0x8c: {  	[bflag:$0x0] =	sbarrier.arrive $0xFFFF  }
0x8d: {  	_ =	swait.ge [sflag:s26], $0x50  }
0x8e: {  	[sflag:s26] =	ssyncset.done $0x0  }
0x8f: {  	[sflag:s26] =	ssyncadd.s32 $0xFFFFFFB0  }
0x90: {  	_ =	swait.ge [sflag:s26], $0x50  }
0x91: {  	[sflag:s26] =	ssyncset.done $0x0  }
0x92: {  	[sflag:s26] =	ssyncadd.s32 $0xFFFFFFB0  }
0x93: {  	_ =	swait.ge [sflag:s26], $0x50  }
0x94: {  	[sflag:s26] =	ssyncset.done $0x0  }
0x95: {  	[sflag:s26] =	ssyncadd.s32 $0xFFFFFFB0  }
0x96: {  	v1 =	vld [tilespmem:$0x600]  }
0x97: {  	v2 =	vld [tilespmem:$0x400]  }
0x98: {  	v3 =	vld [tilespmem:$0x610]  }
0x99: {  	v4 =	vld [tilespmem:$0x410]  }
0x9a: {  	v5 =	vld [tilespmem:$0x620]  }
0x9b: {  	v6 =	vld [tilespmem:$0x420]  }
0x9c: {  	v7 =	vld [tilespmem:$0x630]  }
0x9d: {  	v8 =	vld [tilespmem:$0x640]  }
0x9e: {  	v9 =	vld [tilespmem:$0x430];
	v1 =	vmul.u32 $0x2710, v1  }
0x9f: {  	v10 =	vld [tilespmem:$0x440];
	v3 =	vmul.u32 $0x2710, v3  }
0xa0: {  	v1 =	vadd.s32 v2, v1;
	v2 =	vmul.u32 $0x2710, v5  }
0xa1: {  	[tilespmem:$0x0] =	vst v1;
	v1 =	vadd.s32 v4, v3;
	v3 =	vmul.u32 $0x2710, v7  }
0xa2: {  	[tilespmem:$0x10] =	vst v1;
	v1 =	vadd.s32 v6, v2;
	v2 =	vmul.u32 $0x2710, v8  }
0xa3: {  	[tilespmem:$0x20] =	vst v1;
	v1 =	vadd.s32 v9, v3  }
0xa4: {  	[tilespmem:$0x30] =	vst v1;
	v1 =	vadd.s32 v10, v2  }
0xa5: {  	s16 =	simm.s32 $0x0;
	[tilespmem:$0x40] =	vst v1  }
0xa6: {  	[tilespmem:s30], [sflag:$0x5] =	stream.indirect.gather [hbm4b:s6+s28], $0x80, s16, s28, $0xb8;
	[tilespmem:$0x1E080] =	vst v63  }
0xa7: {  	_ =	swait.ge [sflag:s29], $0x50  }
0xa8: {  	[sflag:s29] =	ssyncset.done $0x0  }
0xa9: {  	[sflag:s29] =	ssyncadd.s32 $0xFFFFFFB0  }
0xaa: {  	_ =	swait.ge [sflag:s29], $0x50  }
0xab: {  	[sflag:s29] =	ssyncset.done $0x0  }
0xac: {  	[sflag:s29] =	ssyncadd.s32 $0xFFFFFFB0  }
0xad: {  	_ =	swait.ge [sflag:s29], $0x50  }
0xae: {  	[sflag:s29] =	ssyncset.done $0x0  }
0xaf: {  	[sflag:s29] =	ssyncadd.s32 $0xFFFFFFB0  }
0xb0: {  	v1 =	vld [tilespmem:$0x680]  }
0xb1: {  	v2 =	vld [tilespmem:$0x480]  }
0xb2: {  	v3 =	vld [tilespmem:$0x690]  }
0xb3: {  	v4 =	vld [tilespmem:$0x490]  }
0xb4: {  	v5 =	vld [tilespmem:$0x6A0]  }
0xb5: {  	v6 =	vld [tilespmem:$0x4A0]  }
0xb6: {  	v7 =	vld [tilespmem:$0x6B0]  }
0xb7: {  	v46 =	vld [tilespmem:$0x6C0]  }
0xb8: {  	v47 =	vld [tilespmem:$0x4B0];
	v1 =	vmul.u32 $0x2710, v1  }
0xb9: {  	v48 =	vld [tilespmem:$0x4C0];
	v3 =	vmul.u32 $0x2710, v3  }
0xba: {  	v1 =	vadd.s32 v2, v1;
	v2 =	vmul.u32 $0x2710, v5  }
0xbb: {  	[tilespmem:$0x80] =	vst v1;
	v1 =	vadd.s32 v4, v3;
	v3 =	vmul.u32 $0x2710, v7  }
0xbc: {  	[tilespmem:$0x90] =	vst v1;
	v1 =	vadd.s32 v6, v2;
	v2 =	vmul.u32 $0x2710, v46  }
0xbd: {  	[tilespmem:$0xA0] =	vst v1;
	v1 =	vadd.s32 v47, v3  }
0xbe: {  	[tilespmem:$0xB0] =	vst v1;
	v1 =	vadd.s32 v48, v2  }
0xbf: {  	s18 =	simm.s32 $0x80;
	s2 =	simm.s32 $0x3000;
	[tilespmem:$0xC0] =	vst v1  }
0xc0: {  	[tilespmem:s2], [sflag:$0x6] =	stream.indirect.gather [hbm4b:s6+s28], $0x80, s18, s28, $0xb8;
	[tilespmem:$0x1E080] =	vst v63  }
0xc1: {  	_ =	swait.ge [sflag:s1], $0x50  }
0xc2: {  	[sflag:s1] =	ssyncset.done $0x0  }
0xc3: {  	[sflag:s1] =	ssyncadd.s32 $0xFFFFFFB0  }
0xc4: {  	_ =	swait.ge [sflag:s1], $0x50  }
0xc5: {  	[sflag:s1] =	ssyncset.done $0x0  }
0xc6: {  	[sflag:s1] =	ssyncadd.s32 $0xFFFFFFB0  }
0xc7: {  	_ =	swait.ge [sflag:s1], $0x50  }
0xc8: {  	[sflag:s1] =	ssyncset.done $0x0  }
0xc9: {  	[sflag:s1] =	ssyncadd.s32 $0xFFFFFFB0  }
0xca: {  	v1 =	vld [tilespmem:$0x700]  }
0xcb: {  	v2 =	vld [tilespmem:$0x500]  }
0xcc: {  	v3 =	vld [tilespmem:$0x710]  }
0xcd: {  	v4 =	vld [tilespmem:$0x510]  }
0xce: {  	v5 =	vld [tilespmem:$0x720]  }
0xcf: {  	v6 =	vld [tilespmem:$0x520]  }
0xd0: {  	v7 =	vld [tilespmem:$0x730]  }
0xd1: {  	v49 =	vld [tilespmem:$0x740]  }
0xd2: {  	v50 =	vld [tilespmem:$0x530];
	v1 =	vmul.u32 $0x2710, v1  }
0xd3: {  	v51 =	vld [tilespmem:$0x540];
	v3 =	vmul.u32 $0x2710, v3  }
0xd4: {  	v1 =	vadd.s32 v2, v1;
	v2 =	vmul.u32 $0x2710, v5  }
0xd5: {  	[tilespmem:$0x100] =	vst v1;
	v1 =	vadd.s32 v4, v3;
	v3 =	vmul.u32 $0x2710, v7  }
0xd6: {  	[tilespmem:$0x110] =	vst v1;
	v1 =	vadd.s32 v6, v2;
	v2 =	vmul.u32 $0x2710, v49  }
0xd7: {  	[tilespmem:$0x120] =	vst v1;
	v1 =	vadd.s32 v50, v3  }
0xd8: {  	[tilespmem:$0x130] =	vst v1;
	v1 =	vadd.s32 v51, v2  }
0xd9: {  	s17 =	simm.s32 $0x5800;
	s18 =	simm.s32 $0x100;
	[tilespmem:$0x140] =	vst v1  }
0xda: {  	[tilespmem:s17], [sflag:$0x7] =	stream.indirect.gather [hbm4b:s6+s28], $0x80, s18, s28, $0xb8;
	[tilespmem:$0x1E080] =	vst v63  }
0xdb: {  	_ =	swait.ge [sflag:s7], $0x50  }
0xdc: {  	[sflag:s7] =	ssyncset.done $0x0  }
0xdd: {  	[sflag:s7] =	ssyncadd.s32 $0xFFFFFFB0  }
0xde: {  	_ =	swait.ge [sflag:s7], $0x50  }
0xdf: {  	[sflag:s7] =	ssyncset.done $0x0  }
0xe0: {  	[sflag:s7] =	ssyncadd.s32 $0xFFFFFFB0  }
0xe1: {  	_ =	swait.ge [sflag:s7], $0x50  }
0xe2: {  	[sflag:s7] =	ssyncset.done $0x0  }
0xe3: {  	[sflag:s7] =	ssyncadd.s32 $0xFFFFFFB0  }
0xe4: {  	v1 =	vld [tilespmem:$0x780]  }
0xe5: {  	v2 =	vld [tilespmem:$0x580]  }
0xe6: {  	v3 =	vld [tilespmem:$0x790]  }
0xe7: {  	v4 =	vld [tilespmem:$0x590]  }
0xe8: {  	v5 =	vld [tilespmem:$0x7A0]  }
0xe9: {  	v6 =	vld [tilespmem:$0x5A0]  }
0xea: {  	v7 =	vld [tilespmem:$0x7B0]  }
0xeb: {  	v52 =	vld [tilespmem:$0x7C0]  }
0xec: {  	v53 =	vld [tilespmem:$0x5B0];
	v1 =	vmul.u32 $0x2710, v1  }
0xed: {  	v54 =	vld [tilespmem:$0x5C0];
	v3 =	vmul.u32 $0x2710, v3  }
0xee: {  	v1 =	vadd.s32 v2, v1;
	v2 =	vmul.u32 $0x2710, v5  }
0xef: {  	[tilespmem:$0x180] =	vst v1;
	v1 =	vadd.s32 v4, v3;
	v3 =	vmul.u32 $0x2710, v7  }
0xf0: {  	[tilespmem:$0x190] =	vst v1;
	v1 =	vadd.s32 v6, v2;
	v2 =	vmul.u32 $0x2710, v52  }
0xf1: {  	[tilespmem:$0x1A0] =	vst v1;
	v1 =	vadd.s32 v53, v3  }
0xf2: {  	[tilespmem:$0x1B0] =	vst v1;
	v1 =	vadd.s32 v54, v2  }
0xf3: {  	s31 =	simm.s32 $0x8000;
	s18 =	simm.s32 $0x180;
	[tilespmem:$0x1C0] =	vst v1  }
0xf4: {  	[tilespmem:s31], [sflag:$0x8] =	stream.indirect.gather [hbm4b:s6+s28], $0x80, s18, s28, $0xb8;
	[tilespmem:$0x1E080] =	vst v63  }
0xf5: {  	_ =	swait.ge [sflag:s20], $0x2800  }
0xf6: {  	[sflag:s20] =	ssyncset.done $0x0  }
0xf7: {  	[sflag:s20] =	ssyncadd.s32 $0xFFFFD800  }
0xf8: {  	[spmem:s4] =	stream.indirect.scatter.add.f32 [tilespmem:s30], [sflag:$0x9], $0x80, s10, s28, $0xb8;
	[tilespmem:$0x1E080] =	vst v63  }
0xf9: {  	_ =	swait.ge [sflag:s24], $0x2800  }
0xfa: {  	[sflag:s24] =	ssyncset.done $0x0  }
0xfb: {  	[sflag:s24] =	ssyncadd.s32 $0xFFFFD800  }
0xfc: {  	[spmem:s4] =	stream.indirect.scatter.add.f32 [tilespmem:s2], [sflag:$0xA], $0x80, s19, s28, $0xb8;
	[tilespmem:$0x1E080] =	vst v63  }
0xfd: {  	_ =	swait.ge [sflag:s0], $0x2800  }
0xfe: {  	[sflag:s0] =	ssyncset.done $0x0  }
0xff: {  	s17 =	simm.s32 $0x5800;
	[sflag:s0] =	ssyncadd.s32 $0xFFFFD800  }
0x100: {  	[spmem:s4] =	stream.indirect.scatter.add.f32 [tilespmem:s17], [sflag:$0xB], $0x80, s25, s28, $0xb8;
	[tilespmem:$0x1E080] =	vst v63  }
0x101: {  	_ =	swait.ge [sflag:s3], $0x2800  }
0x102: {  	[sflag:s3] =	ssyncset.done $0x0  }
0x103: {  	[sflag:s3] =	ssyncadd.s32 $0xFFFFD800  }
0x104: {  	[spmem:s4] =	stream.indirect.scatter.add.f32 [tilespmem:s31], [sflag:$0xC], $0x80, s8, s28, $0xb8;
	[tilespmem:$0x1E080] =	vst v63  }
0x105: {  	_ =	swait.ge [sflag:s11], $0x2800  }
0x106: {  	s2 =	sld [smem:$0x7F4];
	_ =	sdelay $0x2  }
0x107: {  	s8 =	smov.u32 s21;
	[sflag:s11] =	ssyncset.done $0x0;
	s17 =	sshrl.u32 s2, $0x3  }
0x108: {  	s18 =	rddreg [dreg:$0xe];
	[sflag:s11] =	ssyncadd.s32 $0xFFFFD800;
	s21 =	sadd.s32 s21, s17  }
0x109: {  	[tilespmem:s10], [sflag:$0x1] =	stream.linear.gather [hbm4b:s21+s5], $0x50, $0x38;
	[tilespmem:$0x1E080] =	vst v63  }
0x10a: {  	s18 =	sadd.s32 $0x0, s18;
	s10 =	rddreg [dreg:$0x2]  }
0x10b: {  	[tilespmem:s13], [sflag:$0x1] =	stream.linear.gather [hbm4b:s18+s5], $0x50, $0x38;
	[tilespmem:$0x1E080] =	vst v63  }
0x10c: {  	s17 =	sadd.s32 s10, s17  }
0x10d: {  	[tilespmem:s22], [sflag:$0x1] =	stream.linear.gather [hbm4b:s17+s5], $0x50, $0x38;
	[tilespmem:$0x1E080] =	vst v63  }
0x10e: {  	_ =	swait.ge [sflag:s12], $0x2800  }
0x10f: {  	s21 =	rddreg [dreg:$0xc];
	[sflag:s12] =	ssyncset.done $0x0  }
0x110: {  	s13 =	rddreg [dreg:$0xd];
	[sflag:s12] =	ssyncadd.s32 $0xFFFFD800;
	s17 =	sadd.s32 $0x0, s21  }
0x111: {  	[tilespmem:s19], [sflag:$0x2] =	stream.linear.gather [hbm4b:s17+s5], $0x50, $0x38;
	[tilespmem:$0x1E080] =	vst v63  }
0x112: {  	s18 =	sadd.s32 $0x0, s13;
	s19 =	rddreg [dreg:$0xb]  }
0x113: {  	[tilespmem:s23], [sflag:$0x2] =	stream.linear.gather [hbm4b:s18+s5], $0x50, $0x38;
	[tilespmem:$0x1E080] =	vst v63  }
0x114: {  	s17 =	sadd.s32 $0x0, s19  }
0x115: {  	[tilespmem:s9], [sflag:$0x2] =	stream.linear.gather [hbm4b:s17+s5], $0x50, $0x38;
	[tilespmem:$0x1E080] =	vst v63  }
0x116: {  	_ =	swait.ge [sflag:s14], $0x2800  }
0x117: {  	s21 =	rddreg [dreg:$0x9];
	[sflag:s14] =	ssyncset.done $0x0  }
0x118: {  	s23 =	rddreg [dreg:$0xa];
	[sflag:s14] =	ssyncadd.s32 $0xFFFFD800;
	s17 =	sadd.s32 $0x0, s21  }
0x119: {  	[tilespmem:s25], [sflag:$0x3] =	stream.linear.gather [hbm4b:s17+s5], $0x50, $0x38;
	[tilespmem:$0x1E080] =	vst v63  }
0x11a: {  	s13 =	simm.s32 $0x500;
	s18 =	sadd.s32 $0x0, s23;
	s25 =	rddreg [dreg:$0x8]  }
0x11b: {  	[tilespmem:s13], [sflag:$0x3] =	stream.linear.gather [hbm4b:s18+s5], $0x50, $0x38;
	[tilespmem:$0x1E080] =	vst v63  }
0x11c: {  	s19 =	simm.s32 $0x700;
	s17 =	sadd.s32 $0x0, s25  }
0x11d: {  	[tilespmem:s19], [sflag:$0x3] =	stream.linear.gather [hbm4b:s17+s5], $0x50, $0x38;
	[tilespmem:$0x1E080] =	vst v63  }
0x11e: {  	_ =	swait.ge [sflag:s15], $0x2800  }
0x11f: {  	s16 =	simm.s32 $0x380;
	s21 =	rddreg [dreg:$0x6];
	[sflag:s15] =	ssyncset.done $0x0  }
0x120: {  	s23 =	rddreg [dreg:$0x7];
	[sflag:s15] =	ssyncadd.s32 $0xFFFFD800;
	s17 =	sadd.s32 $0x0, s21  }
0x121: {  	[tilespmem:s16], [sflag:$0x4] =	stream.linear.gather [hbm4b:s17+s5], $0x50, $0x38;
	[tilespmem:$0x1E080] =	vst v63  }
0x122: {  	s13 =	simm.s32 $0x580;
	s25 =	rddreg [dreg:$0x5];
	s18 =	sadd.s32 $0x0, s23  }
0x123: {  	[tilespmem:s13], [sflag:$0x4] =	stream.linear.gather [hbm4b:s18+s5], $0x50, $0x38;
	[tilespmem:$0x1E080] =	vst v63  }
0x124: {  	s19 =	simm.s32 $0x780;
	s17 =	sadd.s32 $0x0, s25  }
0x125: {  	[tilespmem:s19], [sflag:$0x4] =	stream.linear.gather [hbm4b:s17+s5], $0x50, $0x38;
	[tilespmem:$0x1E080] =	vst v63  }
0x126: {  	_ =	swait.ge [sflag:s26], $0x50  }
0x127: {  	[sflag:s26] =	ssyncset.done $0x0  }
0x128: {  	[sflag:s26] =	ssyncadd.s32 $0xFFFFFFB0  }
0x129: {  	_ =	swait.ge [sflag:s26], $0x50  }
0x12a: {  	[sflag:s26] =	ssyncset.done $0x0  }
0x12b: {  	[sflag:s26] =	ssyncadd.s32 $0xFFFFFFB0  }
0x12c: {  	_ =	swait.ge [sflag:s26], $0x50  }
0x12d: {  	[sflag:s26] =	ssyncset.done $0x0  }
0x12e: {  	[sflag:s26] =	ssyncadd.s32 $0xFFFFFFB0  }
0x12f: {  	v1 =	vld [tilespmem:$0x420]  }
0x130: {  	v2 =	vld [tilespmem:$0x410]  }
0x131: {  	v3 =	vld [tilespmem:$0x440]  }
0x132: {  	v4 =	vld [tilespmem:$0x640]  }
0x133: {  	v5 =	vld [tilespmem:$0x620]  }
0x134: {  	v6 =	vld [tilespmem:$0x610]  }
0x135: {  	v7 =	vld [tilespmem:$0x600]  }
0x136: {  	v55 =	vld [tilespmem:$0x630]  }
0x137: {  	v56 =	vld [tilespmem:$0x400];
	v4 =	vmul.u32 $0x2710, v4  }
0x138: {  	v57 =	vld [tilespmem:$0x430];
	v5 =	vmul.u32 $0x2710, v5  }
0x139: {  	v6 =	vmul.u32 $0x2710, v6;
	v3 =	vadd.s32 v3, v4  }
0x13a: {  	v4 =	vmul.u32 $0x2710, v7;
	v1 =	vadd.s32 v1, v5;
	[tilespmem:$0x40] =	vst v3  }
0x13b: {  	v2 =	vadd.s32 v2, v6;
	[tilespmem:$0x20] =	vst v1;
	v1 =	vmul.u32 $0x2710, v55  }
0x13c: {  	[tilespmem:$0x10] =	vst v2;
	v3 =	vadd.s32 v56, v4  }
0x13d: {  	[tilespmem:$0x0] =	vst v3;
	v1 =	vadd.s32 v57, v1  }
0x13e: {  	[tilespmem:$0x30] =	vst v1  }
0x13f: {  	[tilespmem:s30], [sflag:$0x5] =	stream.indirect.gather [hbm4b:s6+s28], $0x80, s5, s28, $0xb8;
	[tilespmem:$0x1E080] =	vst v63  }
0x140: {  	_ =	swait.ge [sflag:s29], $0x50  }
0x141: {  	[sflag:s29] =	ssyncset.done $0x0  }
0x142: {  	[sflag:s29] =	ssyncadd.s32 $0xFFFFFFB0  }
0x143: {  	_ =	swait.ge [sflag:s29], $0x50  }
0x144: {  	[sflag:s29] =	ssyncset.done $0x0  }
0x145: {  	[sflag:s29] =	ssyncadd.s32 $0xFFFFFFB0  }
0x146: {  	_ =	swait.ge [sflag:s29], $0x50  }
0x147: {  	[sflag:s29] =	ssyncset.done $0x0  }
0x148: {  	[sflag:s29] =	ssyncadd.s32 $0xFFFFFFB0  }
0x149: {  	v1 =	vld [tilespmem:$0x480]  }
0x14a: {  	v2 =	vld [tilespmem:$0x4C0]  }
0x14b: {  	v3 =	vld [tilespmem:$0x4A0]  }
0x14c: {  	v4 =	vld [tilespmem:$0x6A0]  }
0x14d: {  	v5 =	vld [tilespmem:$0x680]  }
0x14e: {  	v6 =	vld [tilespmem:$0x6C0]  }
0x14f: {  	v7 =	vld [tilespmem:$0x6B0]  }
0x150: {  	v58 =	vld [tilespmem:$0x690]  }
0x151: {  	v59 =	vld [tilespmem:$0x4B0];
	v4 =	vmul.u32 $0x2710, v4  }
0x152: {  	v60 =	vld [tilespmem:$0x490];
	v5 =	vmul.u32 $0x2710, v5  }
0x153: {  	v3 =	vadd.s32 v3, v4;
	v4 =	vmul.u32 $0x2710, v6  }
0x154: {  	v1 =	vadd.s32 v1, v5;
	[tilespmem:$0xA0] =	vst v3;
	v3 =	vmul.u32 $0x2710, v7  }
0x155: {  	[tilespmem:$0x80] =	vst v1;
	v1 =	vmul.u32 $0x2710, v58;
	v2 =	vadd.s32 v2, v4  }
0x156: {  	v3 =	vadd.s32 v59, v3;
	[tilespmem:$0xC0] =	vst v2  }
0x157: {  	v1 =	vadd.s32 v60, v1;
	[tilespmem:$0xB0] =	vst v3  }
0x158: {  	s22 =	simm.s32 $0x3000;
	s21 =	simm.s32 $0x80;
	[tilespmem:$0x90] =	vst v1  }
0x159: {  	[tilespmem:s22], [sflag:$0x6] =	stream.indirect.gather [hbm4b:s6+s28], $0x80, s21, s28, $0xb8;
	[tilespmem:$0x1E080] =	vst v63  }
0x15a: {  	_ =	swait.ge [sflag:s1], $0x50  }
0x15b: {  	[sflag:s1] =	ssyncset.done $0x0  }
0x15c: {  	[sflag:s1] =	ssyncadd.s32 $0xFFFFFFB0  }
0x15d: {  	_ =	swait.ge [sflag:s1], $0x50  }
0x15e: {  	[sflag:s1] =	ssyncset.done $0x0  }
0x15f: {  	[sflag:s1] =	ssyncadd.s32 $0xFFFFFFB0  }
0x160: {  	_ =	swait.ge [sflag:s1], $0x50  }
0x161: {  	[sflag:s1] =	ssyncset.done $0x0  }
0x162: {  	[sflag:s1] =	ssyncadd.s32 $0xFFFFFFB0  }
0x163: {  	v1 =	vld [tilespmem:$0x540]  }
0x164: {  	v2 =	vld [tilespmem:$0x520]  }
0x165: {  	v3 =	vld [tilespmem:$0x530]  }
0x166: {  	v4 =	vld [tilespmem:$0x740]  }
0x167: {  	v5 =	vld [tilespmem:$0x730]  }
0x168: {  	v6 =	vld [tilespmem:$0x720]  }
0x169: {  	v7 =	vld [tilespmem:$0x710]  }
0x16a: {  	v61 =	vld [tilespmem:$0x700]  }
0x16b: {  	v62 =	vld [tilespmem:$0x510];
	v4 =	vmul.u32 $0x2710, v4  }
0x16c: {  	v63 =	vld [tilespmem:$0x500];
	v5 =	vmul.u32 $0x2710, v5  }
0x16d: {  	v6 =	vmul.u32 $0x2710, v6;
	v1 =	vadd.s32 v1, v4  }
0x16e: {  	v4 =	vmul.u32 $0x2710, v7;
	v3 =	vadd.s32 v3, v5;
	[tilespmem:$0x140] =	vst v1  }
0x16f: {  	v2 =	vadd.s32 v2, v6;
	v1 =	vmul.u32 $0x2710, v61;
	[tilespmem:$0x130] =	vst v3  }
0x170: {  	[tilespmem:$0x120] =	vst v2;
	v3 =	vadd.s32 v62, v4  }
0x171: {  	v1 =	vadd.s32 v63, v1;
	[tilespmem:$0x110] =	vst v3  }
0x172: {  	s23 =	simm.s32 $0x100;
	s25 =	simm.s32 $0x5800;
	[tilespmem:$0x100] =	vst v1  }
0x173: {  	[tilespmem:s25], [sflag:$0x7] =	stream.indirect.gather [hbm4b:s6+s28], $0x80, s23, s28, $0xb8;
	[tilespmem:$0x1E080] =	vst v63  }
0x174: {  	_ =	swait.ge [sflag:s7], $0x50  }
0x175: {  	[sflag:s7] =	ssyncset.done $0x0  }
0x176: {  	[sflag:s7] =	ssyncadd.s32 $0xFFFFFFB0  }
0x177: {  	_ =	swait.ge [sflag:s7], $0x50  }
0x178: {  	[sflag:s7] =	ssyncset.done $0x0  }
0x179: {  	[sflag:s7] =	ssyncadd.s32 $0xFFFFFFB0  }
0x17a: {  	_ =	swait.ge [sflag:s7], $0x50  }
0x17b: {  	[sflag:s7] =	ssyncset.done $0x0  }
0x17c: {  	[sflag:s7] =	ssyncadd.s32 $0xFFFFFFB0  }
0x17d: {  	v1 =	vld [tilespmem:$0x5A0]  }
0x17e: {  	s18 =	smov.u32 s2;
	v2 =	vld [tilespmem:$0x5B0]  }
0x17f: {  	s2 =	simm.s32 $0x5800;
	s13 =	simm.s32 $0x200;
	s17 =	simm.s32 $0x28;
	v4 =	vld [tilespmem:$0x7C0]  }
0x180: {  	s19 =	simm.s32 $0x500;
	s25 =	simm.s32 $0x300;
	s23 =	simm.s32 $0x280;
	v3 =	vld [tilespmem:$0x7B0]  }
.LBB2_4:
0x181: {  	v5 =	vld [tilespmem:$0x5C0]  }
0x182: {  	v6 =	vld [tilespmem:$0x7A0]  }
0x183: {  	v7 =	vld [tilespmem:$0x790]  }
0x184: {  	v8 =	vld [tilespmem:$0x780]  }
0x185: {  	v9 =	vld [tilespmem:$0x590];
	v4 =	vmul.u32 $0x2710, v4  }
0x186: {  	v10 =	vld [tilespmem:$0x580];
	v3 =	vmul.u32 $0x2710, v3  }
0x187: {  	v4 =	vadd.s32 v5, v4;
	v5 =	vmul.u32 $0x2710, v6  }
0x188: {  	v2 =	vadd.s32 v2, v3;
	v3 =	vmul.u32 $0x2710, v7;
	[tilespmem:$0x1C0] =	vst v4  }
0x189: {  	[tilespmem:$0x1B0] =	vst v2;
	v2 =	vmul.u32 $0x2710, v8;
	v1 =	vadd.s32 v1, v5  }
0x18a: {  	v3 =	vadd.s32 v9, v3;
	[tilespmem:$0x1A0] =	vst v1  }
0x18b: {  	v1 =	vadd.s32 v10, v2;
	[tilespmem:$0x190] =	vst v3  }
0x18c: {  	s9 =	simm.s32 $0x180;
	[tilespmem:$0x180] =	vst v1  }
0x18d: {  	[tilespmem:s31], [sflag:$0x8] =	stream.indirect.gather [hbm4b:s6+s28], $0x80, s9, s28, $0xb8;
	[tilespmem:$0x1E080] =	vst v63  }
0x18e: {  	_ =	swait.ge [sflag:s20], $0x2800  }
0x18f: {  	[sflag:s20] =	ssyncset.done $0x0  }
0x190: {  	[sflag:s20] =	ssyncadd.s32 $0xFFFFD800  }
0x191: {  	[spmem:s4] =	stream.indirect.scatter.add.f32 [tilespmem:s30], [sflag:$0x9], $0x80, s13, s28, $0xb8;
	[tilespmem:$0x1E080] =	vst v63  }
0x192: {  	_ =	swait.ge [sflag:s24], $0x2800  }
0x193: {  	[sflag:s24] =	ssyncset.done $0x0  }
0x194: {  	[sflag:s24] =	ssyncadd.s32 $0xFFFFD800  }
0x195: {  	[spmem:s4] =	stream.indirect.scatter.add.f32 [tilespmem:s22], [sflag:$0xA], $0x80, s23, s28, $0xb8;
	[tilespmem:$0x1E080] =	vst v63  }
0x196: {  	_ =	swait.ge [sflag:s0], $0x2800  }
0x197: {  	[sflag:s0] =	ssyncset.done $0x0  }
0x198: {  	[sflag:s0] =	ssyncadd.s32 $0xFFFFD800  }
0x199: {  	[spmem:s4] =	stream.indirect.scatter.add.f32 [tilespmem:s2], [sflag:$0xB], $0x80, s25, s28, $0xb8;
	[tilespmem:$0x1E080] =	vst v63  }
0x19a: {  	_ =	swait.ge [sflag:s3], $0x2800  }
0x19b: {  	[sflag:s3] =	ssyncset.done $0x0  }
0x19c: {  	[sflag:s3] =	ssyncadd.s32 $0xFFFFD800  }
0x19d: {  	[spmem:s4] =	stream.indirect.scatter.add.f32 [tilespmem:s31], [sflag:$0xC], $0x80, s16, s28, $0xb8;
	[tilespmem:$0x1E080] =	vst v63  }
0x19e: {  	s18 =	sadd.s32 $0x140, s18;
	_ =	swait.ge [sflag:s11], $0x2800  }
0x19f: {  	s21 =	smov.u32 s17;
	s22 =	sshrl.u32 s18, $0x3;
	[sflag:s11] =	ssyncset.done $0x0  }
0x1a0: {  	s9 =	sadd.s32 s8, s22;
	s30 =	rddreg [dreg:$0xe];
	[sflag:s11] =	ssyncadd.s32 $0xFFFFD800  }
0x1a1: {  	[tilespmem:s13], [sflag:$0x1] =	stream.linear.gather [hbm4b:s9+s5], $0x50, $0x38;
	[tilespmem:$0x1E080] =	vst v63  }
0x1a2: {  	s2 =	sadd.s32 s21, s30;
	s9 =	simm.s32 $0x400  }
0x1a3: {  	[tilespmem:s9], [sflag:$0x1] =	stream.linear.gather [hbm4b:s2+s5], $0x50, $0x38;
	[tilespmem:$0x1E080] =	vst v63  }
0x1a4: {  	s9 =	sadd.s32 s10, s22;
	s22 =	simm.s32 $0x600  }
0x1a5: {  	[tilespmem:s22], [sflag:$0x1] =	stream.linear.gather [hbm4b:s9+s5], $0x50, $0x38;
	[tilespmem:$0x1E080] =	vst v63  }
0x1a6: {  	_ =	swait.ge [sflag:s12], $0x2800  }
0x1a7: {  	s22 =	rddreg [dreg:$0xc];
	[sflag:s12] =	ssyncset.done $0x0  }
0x1a8: {  	s9 =	rddreg [dreg:$0xd];
	[sflag:s12] =	ssyncadd.s32 $0xFFFFD800;
	s2 =	sadd.s32 s21, s22  }
0x1a9: {  	[tilespmem:s23], [sflag:$0x2] =	stream.linear.gather [hbm4b:s2+s5], $0x50, $0x38;
	[tilespmem:$0x1E080] =	vst v63  }
0x1aa: {  	s30 =	rddreg [dreg:$0xb];
	s9 =	sadd.s32 s21, s9;
	s22 =	simm.s32 $0x480  }
0x1ab: {  	[tilespmem:s22], [sflag:$0x2] =	stream.linear.gather [hbm4b:s9+s5], $0x50, $0x38;
	[tilespmem:$0x1E080] =	vst v63  }
0x1ac: {  	s9 =	sadd.s32 s21, s30;
	s22 =	simm.s32 $0x680  }
0x1ad: {  	[tilespmem:s22], [sflag:$0x2] =	stream.linear.gather [hbm4b:s9+s5], $0x50, $0x38;
	[tilespmem:$0x1E080] =	vst v63  }
0x1ae: {  	_ =	swait.ge [sflag:s14], $0x2800  }
0x1af: {  	s22 =	rddreg [dreg:$0x9];
	[sflag:s14] =	ssyncset.done $0x0  }
0x1b0: {  	s9 =	rddreg [dreg:$0xa];
	[sflag:s14] =	ssyncadd.s32 $0xFFFFD800;
	s2 =	sadd.s32 s21, s22  }
0x1b1: {  	[tilespmem:s25], [sflag:$0x3] =	stream.linear.gather [hbm4b:s2+s5], $0x50, $0x38;
	[tilespmem:$0x1E080] =	vst v63  }
0x1b2: {  	s30 =	rddreg [dreg:$0x8];
	s22 =	sadd.s32 s21, s9  }
0x1b3: {  	[tilespmem:s19], [sflag:$0x3] =	stream.linear.gather [hbm4b:s22+s5], $0x50, $0x38;
	[tilespmem:$0x1E080] =	vst v63  }
0x1b4: {  	s9 =	sadd.s32 s21, s30;
	s22 =	simm.s32 $0x700  }
0x1b5: {  	[tilespmem:s22], [sflag:$0x3] =	stream.linear.gather [hbm4b:s9+s5], $0x50, $0x38;
	[tilespmem:$0x1E080] =	vst v63  }
0x1b6: {  	_ =	swait.ge [sflag:s15], $0x2800  }
0x1b7: {  	s22 =	rddreg [dreg:$0x6];
	[sflag:s15] =	ssyncset.done $0x0  }
0x1b8: {  	s9 =	rddreg [dreg:$0x7];
	[sflag:s15] =	ssyncadd.s32 $0xFFFFD800;
	s2 =	sadd.s32 s21, s22  }
0x1b9: {  	[tilespmem:s16], [sflag:$0x4] =	stream.linear.gather [hbm4b:s2+s5], $0x50, $0x38;
	[tilespmem:$0x1E080] =	vst v63  }
0x1ba: {  	s30 =	rddreg [dreg:$0x5];
	s2 =	sadd.s32 s21, s9;
	s9 =	simm.s32 $0x580  }
0x1bb: {  	[tilespmem:s9], [sflag:$0x4] =	stream.linear.gather [hbm4b:s2+s5], $0x50, $0x38;
	[tilespmem:$0x1E080] =	vst v63  }
0x1bc: {  	s9 =	sadd.s32 s21, s30;
	s21 =	simm.s32 $0x780  }
0x1bd: {  	[tilespmem:s21], [sflag:$0x4] =	stream.linear.gather [hbm4b:s9+s5], $0x50, $0x38;
	[tilespmem:$0x1E080] =	vst v63  }
0x1be: {  	_ =	swait.ge [sflag:s26], $0x50  }
0x1bf: {  	[sflag:s26] =	ssyncset.done $0x0  }
0x1c0: {  	[sflag:s26] =	ssyncadd.s32 $0xFFFFFFB0  }
0x1c1: {  	_ =	swait.ge [sflag:s26], $0x50  }
0x1c2: {  	[sflag:s26] =	ssyncset.done $0x0  }
0x1c3: {  	[sflag:s26] =	ssyncadd.s32 $0xFFFFFFB0  }
0x1c4: {  	_ =	swait.ge [sflag:s26], $0x50  }
0x1c5: {  	[sflag:s26] =	ssyncset.done $0x0  }
0x1c6: {  	[sflag:s26] =	ssyncadd.s32 $0xFFFFFFB0  }
0x1c7: {  	v1 =	vld [tilespmem:$0x420]  }
0x1c8: {  	v2 =	vld [tilespmem:$0x410]  }
0x1c9: {  	v3 =	vld [tilespmem:$0x440]  }
0x1ca: {  	v4 =	vld [tilespmem:$0x640]  }
0x1cb: {  	v5 =	vld [tilespmem:$0x620]  }
0x1cc: {  	v6 =	vld [tilespmem:$0x610]  }
0x1cd: {  	v7 =	vld [tilespmem:$0x600]  }
0x1ce: {  	v55 =	vld [tilespmem:$0x630]  }
0x1cf: {  	v56 =	vld [tilespmem:$0x400];
	v4 =	vmul.u32 $0x2710, v4  }
0x1d0: {  	v57 =	vld [tilespmem:$0x430];
	v5 =	vmul.u32 $0x2710, v5  }
0x1d1: {  	v6 =	vmul.u32 $0x2710, v6;
	v3 =	vadd.s32 v3, v4  }
0x1d2: {  	v4 =	vmul.u32 $0x2710, v7;
	v1 =	vadd.s32 v1, v5;
	[tilespmem:$0x40] =	vst v3  }
0x1d3: {  	v2 =	vadd.s32 v2, v6;
	[tilespmem:$0x20] =	vst v1;
	v1 =	vmul.u32 $0x2710, v55  }
0x1d4: {  	[tilespmem:$0x10] =	vst v2;
	v3 =	vadd.s32 v56, v4  }
0x1d5: {  	[tilespmem:$0x0] =	vst v3;
	v1 =	vadd.s32 v57, v1  }
0x1d6: {  	s30 =	simm.s32 $0x800;
	[tilespmem:$0x30] =	vst v1  }
0x1d7: {  	[tilespmem:s30], [sflag:$0x5] =	stream.indirect.gather [hbm4b:s6+s28], $0x80, s5, s28, $0xb8;
	[tilespmem:$0x1E080] =	vst v63  }
0x1d8: {  	_ =	swait.ge [sflag:s29], $0x50  }
0x1d9: {  	[sflag:s29] =	ssyncset.done $0x0  }
0x1da: {  	[sflag:s29] =	ssyncadd.s32 $0xFFFFFFB0  }
0x1db: {  	_ =	swait.ge [sflag:s29], $0x50  }
0x1dc: {  	[sflag:s29] =	ssyncset.done $0x0  }
0x1dd: {  	[sflag:s29] =	ssyncadd.s32 $0xFFFFFFB0  }
0x1de: {  	_ =	swait.ge [sflag:s29], $0x50  }
0x1df: {  	[sflag:s29] =	ssyncset.done $0x0  }
0x1e0: {  	[sflag:s29] =	ssyncadd.s32 $0xFFFFFFB0  }
0x1e1: {  	v1 =	vld [tilespmem:$0x480]  }
0x1e2: {  	v2 =	vld [tilespmem:$0x4C0]  }
0x1e3: {  	v3 =	vld [tilespmem:$0x4A0]  }
0x1e4: {  	v4 =	vld [tilespmem:$0x6A0]  }
0x1e5: {  	v5 =	vld [tilespmem:$0x680]  }
0x1e6: {  	v6 =	vld [tilespmem:$0x6C0]  }
0x1e7: {  	v7 =	vld [tilespmem:$0x6B0]  }
0x1e8: {  	v58 =	vld [tilespmem:$0x690]  }
0x1e9: {  	v59 =	vld [tilespmem:$0x4B0];
	v4 =	vmul.u32 $0x2710, v4  }
0x1ea: {  	v60 =	vld [tilespmem:$0x490];
	v5 =	vmul.u32 $0x2710, v5  }
0x1eb: {  	v3 =	vadd.s32 v3, v4;
	v4 =	vmul.u32 $0x2710, v6  }
0x1ec: {  	v1 =	vadd.s32 v1, v5;
	[tilespmem:$0xA0] =	vst v3;
	v3 =	vmul.u32 $0x2710, v7  }
0x1ed: {  	[tilespmem:$0x80] =	vst v1;
	v1 =	vmul.u32 $0x2710, v58;
	v2 =	vadd.s32 v2, v4  }
0x1ee: {  	v3 =	vadd.s32 v59, v3;
	[tilespmem:$0xC0] =	vst v2  }
0x1ef: {  	v1 =	vadd.s32 v60, v1;
	[tilespmem:$0xB0] =	vst v3  }
0x1f0: {  	s22 =	simm.s32 $0x3000;
	s9 =	simm.s32 $0x80;
	[tilespmem:$0x90] =	vst v1  }
0x1f1: {  	[tilespmem:s22], [sflag:$0x6] =	stream.indirect.gather [hbm4b:s6+s28], $0x80, s9, s28, $0xb8;
	[tilespmem:$0x1E080] =	vst v63  }
0x1f2: {  	_ =	swait.ge [sflag:s1], $0x50  }
0x1f3: {  	[sflag:s1] =	ssyncset.done $0x0  }
0x1f4: {  	[sflag:s1] =	ssyncadd.s32 $0xFFFFFFB0  }
0x1f5: {  	_ =	swait.ge [sflag:s1], $0x50  }
0x1f6: {  	[sflag:s1] =	ssyncset.done $0x0  }
0x1f7: {  	[sflag:s1] =	ssyncadd.s32 $0xFFFFFFB0  }
0x1f8: {  	_ =	swait.ge [sflag:s1], $0x50  }
0x1f9: {  	[sflag:s1] =	ssyncset.done $0x0  }
0x1fa: {  	[sflag:s1] =	ssyncadd.s32 $0xFFFFFFB0  }
0x1fb: {  	v1 =	vld [tilespmem:$0x540]  }
0x1fc: {  	v2 =	vld [tilespmem:$0x520]  }
0x1fd: {  	v3 =	vld [tilespmem:$0x530]  }
0x1fe: {  	v4 =	vld [tilespmem:$0x740]  }
0x1ff: {  	v5 =	vld [tilespmem:$0x730]  }
0x200: {  	v6 =	vld [tilespmem:$0x720]  }
0x201: {  	v7 =	vld [tilespmem:$0x710]  }
0x202: {  	v61 =	vld [tilespmem:$0x700]  }
0x203: {  	v62 =	vld [tilespmem:$0x510];
	v4 =	vmul.u32 $0x2710, v4  }
0x204: {  	v63 =	vld [tilespmem:$0x500];
	v5 =	vmul.u32 $0x2710, v5  }
0x205: {  	v6 =	vmul.u32 $0x2710, v6;
	v1 =	vadd.s32 v1, v4  }
0x206: {  	v4 =	vmul.u32 $0x2710, v7;
	v3 =	vadd.s32 v3, v5;
	[tilespmem:$0x140] =	vst v1  }
0x207: {  	v2 =	vadd.s32 v2, v6;
	v1 =	vmul.u32 $0x2710, v61;
	[tilespmem:$0x130] =	vst v3  }
0x208: {  	[tilespmem:$0x120] =	vst v2;
	v3 =	vadd.s32 v62, v4  }
0x209: {  	v1 =	vadd.s32 v63, v1;
	[tilespmem:$0x110] =	vst v3  }
0x20a: {  	s2 =	simm.s32 $0x5800;
	s9 =	simm.s32 $0x100;
	[tilespmem:$0x100] =	vst v1  }
0x20b: {  	[tilespmem:s2], [sflag:$0x7] =	stream.indirect.gather [hbm4b:s6+s28], $0x80, s9, s28, $0xb8;
	[tilespmem:$0x1E080] =	vst v63  }
0x20c: {  	_ =	swait.ge [sflag:s7], $0x50  }
0x20d: {  	[sflag:s7] =	ssyncset.done $0x0  }
0x20e: {  	[sflag:s7] =	ssyncadd.s32 $0xFFFFFFB0  }
0x20f: {  	_ =	swait.ge [sflag:s7], $0x50  }
0x210: {  	[sflag:s7] =	ssyncset.done $0x0  }
0x211: {  	[sflag:s7] =	ssyncadd.s32 $0xFFFFFFB0  }
0x212: {  	_ =	swait.ge [sflag:s7], $0x50  }
0x213: {  	p1 =	sne.s32 s17, $0x488;
	[sflag:s7] =	ssyncset.done $0x0  }
.Ltmp1:
0x214: {  	[sflag:s7] =	ssyncadd.s32 $0xFFFFFFB0;
	(pc) =	sbr.rel @p1 .LBB2_4-.Ltmp1, $4  }
0x215: {  	v1 =	vld [tilespmem:$0x5A0]  }
0x216: {  	v2 =	vld [tilespmem:$0x5B0]  }
0x217: {  	v4 =	vld [tilespmem:$0x7C0]  }
0x218: {  	s17 =	sadd.s32 $0x28, s17;
	v3 =	vld [tilespmem:$0x7B0]  }
0x219: {  	v5 =	vld [tilespmem:$0x5C0]  }
0x21a: {  	v6 =	vld [tilespmem:$0x7A0]  }
0x21b: {  	v7 =	vld [tilespmem:$0x790]  }
0x21c: {  	v8 =	vld [tilespmem:$0x780]  }
0x21d: {  	v9 =	vld [tilespmem:$0x590];
	v4 =	vmul.u32 $0x2710, v4  }
0x21e: {  	v10 =	vld [tilespmem:$0x580];
	v3 =	vmul.u32 $0x2710, v3  }
0x21f: {  	v4 =	vadd.s32 v5, v4;
	v56 =	vmul.u32 $0x2710, v6  }
0x220: {  	v2 =	vadd.s32 v2, v3;
	[tilespmem:$0x1C0] =	vst v4;
	v3 =	vmul.u32 $0x2710, v7  }
0x221: {  	[tilespmem:$0x1B0] =	vst v2;
	v2 =	vmul.u32 $0x2710, v8;
	v1 =	vadd.s32 v1, v56  }
0x222: {  	v3 =	vadd.s32 v9, v3;
	[tilespmem:$0x1A0] =	vst v1  }
0x223: {  	v1 =	vadd.s32 v10, v2;
	[tilespmem:$0x190] =	vst v3  }
0x224: {  	s9 =	simm.s32 $0x180;
	[tilespmem:$0x180] =	vst v1  }
0x225: {  	[tilespmem:s31], [sflag:$0x8] =	stream.indirect.gather [hbm4b:s6+s28], $0x80, s9, s28, $0xb8;
	[tilespmem:$0x1E080] =	vst v63  }
0x226: {  	_ =	swait.ge [sflag:s20], $0x2800  }
0x227: {  	[sflag:s20] =	ssyncset.done $0x0  }
0x228: {  	[sflag:s20] =	ssyncadd.s32 $0xFFFFD800  }
0x229: {  	[spmem:s4] =	stream.indirect.scatter.add.f32 [tilespmem:s30], [sflag:$0x9], $0x80, s13, s28, $0xb8;
	[tilespmem:$0x1E080] =	vst v63  }
0x22a: {  	_ =	swait.ge [sflag:s24], $0x2800  }
0x22b: {  	[sflag:s24] =	ssyncset.done $0x0  }
0x22c: {  	[sflag:s24] =	ssyncadd.s32 $0xFFFFD800  }
0x22d: {  	[spmem:s4] =	stream.indirect.scatter.add.f32 [tilespmem:s22], [sflag:$0xA], $0x80, s23, s28, $0xb8;
	[tilespmem:$0x1E080] =	vst v63  }
0x22e: {  	_ =	swait.ge [sflag:s0], $0x2800  }
0x22f: {  	[sflag:s0] =	ssyncset.done $0x0  }
0x230: {  	[sflag:s0] =	ssyncadd.s32 $0xFFFFD800  }
0x231: {  	[spmem:s4] =	stream.indirect.scatter.add.f32 [tilespmem:s2], [sflag:$0xB], $0x80, s25, s28, $0xb8;
	[tilespmem:$0x1E080] =	vst v63  }
0x232: {  	_ =	swait.ge [sflag:s3], $0x2800  }
0x233: {  	[sflag:s3] =	ssyncset.done $0x0  }
0x234: {  	[sflag:s3] =	ssyncadd.s32 $0xFFFFD800  }
0x235: {  	[spmem:s4] =	stream.indirect.scatter.add.f32 [tilespmem:s31], [sflag:$0xC], $0x80, s16, s28, $0xb8;
	[tilespmem:$0x1E080] =	vst v63  }
0x236: {  	_ =	swait.ge [sflag:s11], $0x2800  }
0x237: {  	[sflag:s11] =	ssyncset.done $0x0;
	s10 =	rddreg [dreg:$0x1d]  }
0x238: {  	s17 =	sld [smem:$0x7FD];
	[sflag:s11] =	ssyncadd.s32 $0xFFFFD800  }
0x239: {  	[tilespmem:s13], [sflag:$0x1] =	stream.linear.gather [hbm4b:s10+s5], $0x50, $0x38;
	[tilespmem:$0x1E080] =	vst v63  }
0x23a: {  	s18 =	simm.s32 $0x400  }
0x23b: {  	[tilespmem:s18], [sflag:$0x1] =	stream.linear.gather [hbm4b:s17+s5], $0x50, $0x38;
	[tilespmem:$0x1E080] =	vst v63  }
0x23c: {  	s21 =	simm.s32 $0x600;
	s19 =	rddreg [dreg:$0x1e]  }
0x23d: {  	[tilespmem:s21], [sflag:$0x1] =	stream.linear.gather [hbm4b:s19+s5], $0x50, $0x38;
	[tilespmem:$0x1E080] =	vst v63  }
0x23e: {  	_ =	swait.ge [sflag:s26], $0x50  }
0x23f: {  	[sflag:s26] =	ssyncset.done $0x0  }
0x240: {  	[sflag:s26] =	ssyncadd.s32 $0xFFFFFFB0  }
0x241: {  	_ =	swait.ge [sflag:s26], $0x50  }
0x242: {  	[sflag:s26] =	ssyncset.done $0x0  }
0x243: {  	[sflag:s26] =	ssyncadd.s32 $0xFFFFFFB0  }
0x244: {  	_ =	swait.ge [sflag:s26], $0x50  }
0x245: {  	[sflag:s26] =	ssyncset.done $0x0  }
0x246: {  	[sflag:s26] =	ssyncadd.s32 $0xFFFFFFB0  }
0x247: {  	v1 =	vld [tilespmem:$0x600]  }
0x248: {  	v2 =	vld [tilespmem:$0x400]  }
0x249: {  	v3 =	vld [tilespmem:$0x610]  }
0x24a: {  	v57 =	vld [tilespmem:$0x410]  }
0x24b: {  	v58 =	vld [tilespmem:$0x620]  }
0x24c: {  	v59 =	vld [tilespmem:$0x420]  }
0x24d: {  	v60 =	vld [tilespmem:$0x630]  }
0x24e: {  	v61 =	vld [tilespmem:$0x640]  }
0x24f: {  	v62 =	vld [tilespmem:$0x430];
	v1 =	vmul.u32 $0x2710, v1  }
0x250: {  	v63 =	vld [tilespmem:$0x440];
	v3 =	vmul.u32 $0x2710, v3  }
0x251: {  	v1 =	vadd.s32 v2, v1;
	v2 =	vmul.u32 $0x2710, v58  }
0x252: {  	[tilespmem:$0x0] =	vst v1;
	v1 =	vadd.s32 v57, v3;
	v3 =	vmul.u32 $0x2710, v60  }
0x253: {  	[tilespmem:$0x10] =	vst v1;
	v1 =	vadd.s32 v59, v2;
	v2 =	vmul.u32 $0x2710, v61  }
0x254: {  	[tilespmem:$0x20] =	vst v1;
	v1 =	vadd.s32 v62, v3  }
0x255: {  	[tilespmem:$0x30] =	vst v1;
	v1 =	vadd.s32 v63, v2  }
0x256: {  	[tilespmem:$0x40] =	vst v1  }
0x257: {  	[tilespmem:s30], [sflag:$0x5] =	stream.indirect.gather [hbm4b:s6+s28], $0x80, s5, s28, $0xb8;
	[tilespmem:$0x1E080] =	vst v63  }
0x258: {  	_ =	swait.ge [sflag:s20], $0x2800  }
0x259: {  	[sflag:s20] =	ssyncset.done $0x0  }
0x25a: {  	[sflag:s20] =	ssyncadd.s32 $0xFFFFD800  }
0x25b: {  	[spmem:s4] =	stream.indirect.scatter.add.f32 [tilespmem:s30], [sflag:$0x9], $0x80, s13, s28, $0xb8;
	[tilespmem:$0x1E080] =	vst v63  }
0x25c: {  	_ =	swait.ge [sflag:s11], $0x2800  }
0x25d: {  	[sflag:s11] =	ssyncset.done $0x0  }
0x25e: {  	[sflag:s11] =	ssyncadd.s32 $0xFFFFD800  }
0x25f: {  	_ =	swait.ge [sflag:s12], $0x2800  }
0x260: {  	[sflag:s12] =	ssyncset.done $0x0  }
0x261: {  	[sflag:s12] =	ssyncadd.s32 $0xFFFFD800  }
0x262: {  	_ =	swait.ge [sflag:s14], $0x2800  }
0x263: {  	[sflag:s14] =	ssyncset.done $0x0  }
0x264: {  	[sflag:s14] =	ssyncadd.s32 $0xFFFFD800  }
0x265: {  	_ =	swait.ge [sflag:s15], $0x2800  }
0x266: {  	[sflag:s15] =	ssyncset.done $0x0  }
0x267: {  	[sflag:s15] =	ssyncadd.s32 $0xFFFFD800  }
0x268: {  	s22 =	stileid.u32;
	[bflag:$0x0] =	sbarrier.arrive $0xFFFF  }
0x269: {  	s23 =	simm.s32 $0xD;
	s2 =	sshll.u32 s22, $0x6;
	s30 =	rddreg [dreg:$0x1c]  }
0x26a: {  	s2 =	sor.u32 $0x1C0D, s2;
	s18 =	rddreg [dreg:$0x19];
	s17 =	sshrl.u32 s30, $0x3  }
0x26b: {  	[hbm:s18], [sflag:s2] =	dma.local [spmem:s17], $0x2700  }
0x26c: {  	_ =	swait.ge [sflag:s23], $0x2700  }
0x26d: {  	s17 =	sld [smem:$0x7FC];
	_ =	sdelay $0x1  }
0x26e: {  	[sflag:s23] =	ssyncset.done $0x0  }
0x26f: {  	s18 =	rddreg [dreg:$0x1f];
	[sflag:s23] =	ssyncadd.s32 $0xFFFFD900;
	s17 =	sshrl.u32 @!p0 s17, $0x3  }
0x270: {  	[hbm:s18], [sflag:s2] =	dma.local @!p0 [spmem:s17], $0x100  }
0x271: {  	s2 =	simm.s32 @!p0 $0xD  }
0x272: {  	_ =	swait.ge @!p0 [sflag:s2], $0x100  }
0x273: {  	s31 =	sld [smem:$0x7F2]  }
0x274: {  	s25 =	sld [smem:$0x7F3];
	_ =	sdelay $0x1  }
0x275: {  	s31 =	sadd.s32 $0x1, s31  }
0x276: {  	p1 =	sne.s32 s31, s25  }
.Ltmp2:
0x277: {  	s9 =	simm.s32 $0x680;
	(pc) =	sbr.rel @p1 .LBB2_1-.Ltmp2, $4  }
0x278: {  	s22 =	simm.s32 $0x600;
	s10 =	simm.s32 $0x200;
	s21 =	smov.u32 s8  }
0x279: {  	s19 =	simm.s32 $0x280;
	s8 =	simm.s32 $0x700;
	s13 =	simm.s32 $0x400  }
0x27a: {  	s23 =	simm.s32 $0x480;
	s17 =	simm.s32 $0x580;
	[sflag:s2] =	ssyncset.done @!p0 $0x0  }
0x27b: {  	s18 =	simm.s32 $0x780;
	[sflag:s2] =	ssyncadd.s32 @!p0 $0xFFFFFF00;
	s25 =	simm.s32 $0x300  }
0x27c: {  	_ =	sfence.sel $0x180000  }
0x27d: {  	[bflag:$0x0] =	sbarrier.arrive $0xFFFF  }
0x27e: {  	_ =	strace $0x90000047  }
0x27f: {  	s0 =	stileid.u32;
	[bflag:$0x2] =	sbarrier.arrive $0xFFFF  }
0x280: {  	p0 =	sne.s32 s0, $0x0;
	s0 =	rddreg [dreg:$0x4]  }
0x281: {  	s0 =	sadd.s32 @!p0 $0x100000, s0  }
0x282: {  	[sflag:s0] =	ssyncadd.tile.s32 @!p0 $0x1;
	_ =	shalt  }
.Lfunc_end2:
_tile_overlayer_lowered:
.L_overlay_start_2:
0x283: {  	(tag) =	ssettag $0x2  }
0x284: {  	s0 =	rddreg [dreg:$0x0];
	s2 =	stileid.u32  }
0x285: {  	s1 =	rddreg [dreg:$0x1];
	p0 =	sne.s32 s2, $0x0  }
0x286: {  	s3 =	rddreg [dreg:$0x2];
	[bflag:$0x3] =	sbarrier.arrive $0xFFFF;
	s2 =	simm.s32 @!p0 $0x1C0D  }
0x287: {  	[timem:s3], [sflag:s2] =	dma.local @!p0 [hbm:s0], s1  }
0x288: {  	s0 =	simm.s32 @!p0 $0xD  }
0x289: {  	_ =	swait.ge @!p0 [sflag:s0], s1  }
0x28a: {  	s1 =	ssub.s32 @!p0 $0x0, s1;
	[sflag:s0] =	ssyncset.done @!p0 $0x0  }
0x28b: {  	[sflag:s0] =	ssyncadd.s32 @!p0 s1  }
0x28c: {  	[bflag:$0x3] =	sbarrier.arrive $0xFFFF  }
0x28d: {  	_ =	shalt  }

</sc_bundles>
